<compile_context>
chip_gen: v7x
topology: tpu7x:2x2x1
jax: 0.10.2.dev20260603
libtpu: 0.0.44.dev20260713+nightly
codegen_flags: <defaults>
</compile_context>

<pallas_src>
import functools

import jax
import jax.numpy as jnp
from jax import lax
from jax.experimental import pallas as pl
from jax.experimental.pallas import tpu as pltpu
from jax.experimental.pallas import tpu_sc as plsc

N = 10000
E = 160000
D_IN = 128
H0, F0 = 4, 64
HID = 64

N_PAD = 10240
TRASH = N
NSUB = 32
EPW = 5120
E_PAD = NSUB * EPW
C = 128
NCH = EPW // C
EPS = E_PAD // 16
NCH2 = EPS // C
RPS = N_PAD // 16
BLK = 1024


def _mesh():
    return plsc.VectorSubcoreMesh(core_axis_name="c", subcore_axis_name="s")


_SC_PARAMS = pltpu.CompilerParams(needs_layout_passes=False)


def _prep_body(x_ref, w0_ref, w1_ref, b1_ref, proj_ref, ta_ref, tb_ref,
               tc_ref, p0_ref, p1_ref):
    proj = jnp.dot(x_ref[...], w0_ref[...], preferred_element_type=jnp.float32)
    proj_ref[...] = proj
    p0_ref[...] = proj[:, :128]
    p1_ref[...] = proj[:, 128:]
    w1a = w1_ref[0:F0, :]
    w1b = w1_ref[F0:2 * F0, :]
    w1c = w1_ref[2 * F0:3 * F0, :]
    for h in range(H0):
        ph = proj[:, h * F0:(h + 1) * F0]
        ta_ref[:, h * F0:(h + 1) * F0] = (
            jnp.dot(ph, w1a, preferred_element_type=jnp.float32) + b1_ref[...])
        tb_ref[:, h * F0:(h + 1) * F0] = jnp.dot(
            ph, w1b, preferred_element_type=jnp.float32)
        tc_ref[:, h * F0:(h + 1) * F0] = jnp.dot(
            ph, w1c, preferred_element_type=jnp.float32)


def _prep(x_pad, W0, A0_w1, b1row):
    grid = (N_PAD // BLK,)
    out = [jax.ShapeDtypeStruct((N_PAD, 256), jnp.float32)] * 4 + [
        jax.ShapeDtypeStruct((N_PAD, 128), jnp.float32)] * 2
    return pl.pallas_call(
        _prep_body,
        grid=grid,
        in_specs=[
            pl.BlockSpec((BLK, D_IN), lambda i: (i, 0)),
            pl.BlockSpec((D_IN, 256), lambda i: (0, 0)),
            pl.BlockSpec((3 * F0, HID), lambda i: (0, 0)),
            pl.BlockSpec((1, HID), lambda i: (0, 0)),
        ],
        out_specs=[pl.BlockSpec((BLK, 256), lambda i: (i, 0))] * 4
        + [pl.BlockSpec((BLK, 128), lambda i: (i, 0))] * 2,
        out_shape=out,
    )(x_pad, W0, A0_w1, b1row)


def _att_body(ta_hbm, tb_hbm, tc_hbm, ii_hbm, jj_hbm, kk_hbm, w2_hbm,
              a_hbm, ii_v, jj_v, kk_v, tab, tbb, tcb, a_buf, w2_v):
    cid = lax.axis_index("c")
    sid = lax.axis_index("s")
    wid = sid * 2 + cid
    pltpu.sync_copy(w2_hbm, w2_v)
    base_w = wid * EPW

    @pl.loop(0, NCH)
    def _chunk(ch):
        base = base_w + ch * C
        pltpu.sync_copy(ii_hbm.at[pl.ds(base, C)], ii_v)
        pltpu.sync_copy(jj_hbm.at[pl.ds(base, C)], jj_v)
        pltpu.sync_copy(kk_hbm.at[pl.ds(base, C)], kk_v)
        pltpu.sync_copy(ta_hbm.at[ii_v], tab)
        pltpu.sync_copy(tb_hbm.at[jj_v], tbb)
        pltpu.sync_copy(tc_hbm.at[kk_v], tcb)

        @pl.loop(0, C // 16)
        def _grp(g):
            r = lax.iota(jnp.int32, 16) + g * 16
            zero = jnp.zeros((16,), jnp.float32)

            def dstep(d, accs):
                w2d = w2_v[pl.ds(d, 16)][0]
                new = []
                for h in range(H0):
                    cidx = jnp.full((16,), h * F0, jnp.int32) + d
                    v = (plsc.load_gather(tab, [r, cidx])
                         + plsc.load_gather(tbb, [r, cidx])
                         + plsc.load_gather(tcb, [r, cidx]))
                    new.append(accs[h] + jnp.maximum(v, 0.0) * w2d)
                return tuple(new)

            accs = lax.fori_loop(0, HID, dstep, (zero, zero, zero, zero))
            b2 = w2_v[pl.ds(HID, 16)][0]
            ss = [a + b2 for a in accs]
            ss = [jnp.where(s > 0, s, 0.2 * s) for s in ss]
            m = jnp.maximum(jnp.maximum(ss[0], ss[1]),
                            jnp.maximum(ss[2], ss[3]))
            es = [jnp.exp(s - m) for s in ss]
            inv = 1.0 / (es[0] + es[1] + es[2] + es[3])
            for h in range(H0):
                a_buf[h, pl.ds(g * 16, 16)] = es[h] * inv

        pltpu.sync_copy(a_buf, a_hbm.at[:, pl.ds(base, C)])


def _attention(TA, TB, TCt, ii, jj, kk, w2b2):
    kfn = pl.kernel(
        _att_body,
        out_type=jax.ShapeDtypeStruct((H0, E_PAD), jnp.float32),
        mesh=_mesh(),
        scratch_types=[
            pltpu.VMEM((C,), jnp.int32),
            pltpu.VMEM((C,), jnp.int32),
            pltpu.VMEM((C,), jnp.int32),
            pltpu.VMEM((C, 256), jnp.float32),
            pltpu.VMEM((C, 256), jnp.float32),
            pltpu.VMEM((C, 256), jnp.float32),
            pltpu.VMEM((H0, C), jnp.float32),
            pltpu.VMEM((80,), jnp.float32),
        ],
        compiler_params=_SC_PARAMS,
    )
    return kfn(TA, TB, TCt, ii, jj, kk, w2b2)


def _agg0_body(p0_hbm, p1_hbm, ii_hbm, jj_hbm, kk_hbm, a_hbm, z_hbm,
               ws0_hbm, ws1_hbm, ii_v, jj_v, kk_v, pjb, pkb, a2, ws_sh):
    cid = lax.axis_index("c")
    sid = lax.axis_index("s")
    rows = pl.ds(sid * RPS, RPS)
    pltpu.sync_copy(z_hbm.at[rows], ws_sh.at[rows])
    plsc.subcore_barrier()
    base_s = sid * EPS

    @pl.loop(0, NCH2)
    def _chunk(ch):
        base = base_s + ch * C
        pltpu.sync_copy(ii_hbm.at[pl.ds(base, C)], ii_v)
        pltpu.sync_copy(jj_hbm.at[pl.ds(base, C)], jj_v)
        pltpu.sync_copy(kk_hbm.at[pl.ds(base, C)], kk_v)

        @pl.when(cid == 0)
        def _():
            pltpu.sync_copy(p0_hbm.at[jj_v], pjb)
            pltpu.sync_copy(p0_hbm.at[kk_v], pkb)
            pltpu.sync_copy(a_hbm.at[0, pl.ds(base, C)], a2.at[0, pl.ds(0, C)])
            pltpu.sync_copy(a_hbm.at[1, pl.ds(base, C)], a2.at[1, pl.ds(0, C)])

        @pl.when(cid == 1)
        def _():
            pltpu.sync_copy(p1_hbm.at[jj_v], pjb)
            pltpu.sync_copy(p1_hbm.at[kk_v], pkb)
            pltpu.sync_copy(a_hbm.at[2, pl.ds(base, C)], a2.at[0, pl.ds(0, C)])
            pltpu.sync_copy(a_hbm.at[3, pl.ds(base, C)], a2.at[1, pl.ds(0, C)])

        @pl.loop(0, C)
        def _edge(e):
            a0 = a2[0, pl.ds(e, 16)][0]
            a1 = a2[1, pl.ds(e, 16)][0]
            for v in range(8):
                sl = pl.ds(v * 16, 16)
                scale = a0 if v < 4 else a1
                pjb[e, sl] = pjb[e, sl] * pkb[e, sl] * scale

        pltpu.sync_copy(pjb, ws_sh.at[ii_v], add=True)

    plsc.subcore_barrier()

    @pl.when(cid == 0)
    def _():
        pltpu.sync_copy(ws_sh.at[rows], ws0_hbm.at[rows])

    @pl.when(cid == 1)
    def _():
        pltpu.sync_copy(ws_sh.at[rows], ws1_hbm.at[rows])


def _aggregate0(P0, P1, ii, jj, kk, a_att, zeros128):
    kfn = pl.kernel(
        _agg0_body,
        out_type=(jax.ShapeDtypeStruct((N_PAD, 128), jnp.float32),
                  jax.ShapeDtypeStruct((N_PAD, 128), jnp.float32)),
        mesh=_mesh(),
        scratch_types=[
            pltpu.VMEM((C,), jnp.int32),
            pltpu.VMEM((C,), jnp.int32),
            pltpu.VMEM((C,), jnp.int32),
            pltpu.VMEM((C, 128), jnp.float32),
            pltpu.VMEM((C, 128), jnp.float32),
            pltpu.VMEM((2, C + 16), jnp.float32),
            pltpu.VMEM_SHARED((N_PAD, 128), jnp.float32),
        ],
        compiler_params=_SC_PARAMS,
    )
    return kfn(P0, P1, ii, jj, kk, a_att, zeros128)


def _mid_body(proj_ref, ws0_ref, ws1_ref, th_ref, b0_ref, w1_ref, p1_ref):
    i = pl.program_id(0)
    ha = (th_ref[0, :128] * proj_ref[:, :128] + ws0_ref[...]
          + b0_ref[0, :128])
    hb = (th_ref[0, 128:] * proj_ref[:, 128:] + ws1_ref[...]
          + b0_ref[0, 128:])
    ha = jnp.where(ha > 0, ha, jnp.exp(jnp.minimum(ha, 0.0)) - 1.0)
    hb = jnp.where(hb > 0, hb, jnp.exp(jnp.minimum(hb, 0.0)) - 1.0)
    p1 = (jnp.dot(ha, w1_ref[:128, :], preferred_element_type=jnp.float32)
          + jnp.dot(hb, w1_ref[128:, :], preferred_element_type=jnp.float32))
    row = i * BLK + lax.broadcasted_iota(jnp.int32, (BLK, 1), 0)
    p1_ref[:, :64] = jnp.where(row < N, p1, 0.0)
    p1_ref[:, 64:] = jnp.zeros((BLK, 64), jnp.float32)


def _mid(proj0, ws0, ws1, th0row, b0row, W1):
    return pl.pallas_call(
        _mid_body,
        grid=(N_PAD // BLK,),
        in_specs=[
            pl.BlockSpec((BLK, 256), lambda i: (i, 0)),
            pl.BlockSpec((BLK, 128), lambda i: (i, 0)),
            pl.BlockSpec((BLK, 128), lambda i: (i, 0)),
            pl.BlockSpec((1, 256), lambda i: (0, 0)),
            pl.BlockSpec((1, 256), lambda i: (0, 0)),
            pl.BlockSpec((256, 64), lambda i: (0, 0)),
        ],
        out_specs=pl.BlockSpec((BLK, 128), lambda i: (i, 0)),
        out_shape=jax.ShapeDtypeStruct((N_PAD, 128), jnp.float32),
    )(proj0, ws0, ws1, th0row, b0row, W1)


def _agg1_body(pt_hbm, ii_hbm, jj_hbm, kk_hbm, z_hbm, wsp_hbm,
               ii_v, jj_v, kk_v, pjb, pkb, ws_sh):
    cid = lax.axis_index("c")
    sid = lax.axis_index("s")
    rows = pl.ds(sid * RPS, RPS)
    pltpu.sync_copy(z_hbm.at[rows], ws_sh.at[rows])
    plsc.subcore_barrier()
    wid = sid * 2 + cid
    base_w = wid * EPW

    @pl.loop(0, NCH)
    def _chunk(ch):
        base = base_w + ch * C
        pltpu.sync_copy(ii_hbm.at[pl.ds(base, C)], ii_v)
        pltpu.sync_copy(jj_hbm.at[pl.ds(base, C)], jj_v)
        pltpu.sync_copy(kk_hbm.at[pl.ds(base, C)], kk_v)
        pltpu.sync_copy(pt_hbm.at[jj_v], pjb)
        pltpu.sync_copy(pt_hbm.at[kk_v], pkb)

        @pl.loop(0, C)
        def _edge(e):
            for v in range(4):
                sl = pl.ds(v * 16, 16)
                pjb[e, sl] = pjb[e, sl] * pkb[e, sl]

        pltpu.sync_copy(pjb, ws_sh.at[ii_v], add=True)

    plsc.subcore_barrier()
    pltpu.sync_copy(ws_sh.at[rows], wsp_hbm.at[cid, rows])


def _aggregate1(Ptab, ii, jj, kk, zeros128):
    kfn = pl.kernel(
        _agg1_body,
        out_type=jax.ShapeDtypeStruct((2, N_PAD, 128), jnp.float32),
        mesh=_mesh(),
        scratch_types=[
            pltpu.VMEM((C,), jnp.int32),
            pltpu.VMEM((C,), jnp.int32),
            pltpu.VMEM((C,), jnp.int32),
            pltpu.VMEM((C, 128), jnp.float32),
            pltpu.VMEM((C, 128), jnp.float32),
            pltpu.VMEM_SHARED((N_PAD, 128), jnp.float32),
        ],
        compiler_params=_SC_PARAMS,
    )
    return kfn(Ptab, ii, jj, kk, zeros128)


def _fin_body(pt_ref, wsp_ref, th_ref, b1_ref, out_ref):
    p = pt_ref[:, :64]
    out_ref[...] = (th_ref[0][None] * p + wsp_ref[0, :, :64]
                    + wsp_ref[1, :, :64] + b1_ref[0][None])


def _fin(Ptab, wsp, th1row, b1row):
    FB = 1000
    return pl.pallas_call(
        _fin_body,
        grid=(N // FB,),
        in_specs=[
            pl.BlockSpec((FB, 128), lambda i: (i, 0)),
            pl.BlockSpec((2, FB, 128), lambda i: (0, i, 0)),
            pl.BlockSpec((1, 64), lambda i: (0, 0)),
            pl.BlockSpec((1, 64), lambda i: (0, 0)),
        ],
        out_specs=pl.BlockSpec((FB, 64), lambda i: (i, 0)),
        out_shape=jax.ShapeDtypeStruct((N, 64), jnp.float32),
    )(Ptab, wsp, th1row, b1row)


def kernel(x, edge_index, W0, A0_w1, A0_b1, A0_w2, A0_b2, theta0, bias0,
           W1, A1_w1, A1_b1, A1_w2, A1_b2, theta1, bias1):
    f32 = jnp.float32
    x_pad = jnp.zeros((N_PAD, D_IN), f32).at[:N].set(x)
    pad = jnp.full((E_PAD - E,), TRASH, jnp.int32)
    ii = jnp.concatenate([edge_index[0], pad])
    jj = jnp.concatenate([edge_index[1], pad])
    kk = jnp.concatenate([edge_index[2], pad])
    w2b2 = jnp.concatenate(
        [A0_w2[:, 0], A0_b2, jnp.zeros((15,), f32)])
    b1row = A0_b1.reshape(1, HID)
    th0row = theta0.reshape(1, H0 * F0)
    b0row = bias0.reshape(1, H0 * F0)
    th1row = theta1.reshape(1, 64)
    bias1row = bias1.reshape(1, 64)
    zeros128 = jnp.zeros((N_PAD, 128), f32)

    proj0, TA, TB, TCt, P0, P1 = _prep(x_pad, W0, A0_w1, b1row)
    a_att = _attention(TA, TB, TCt, ii, jj, kk, w2b2)
    ws0, ws1 = _aggregate0(P0, P1, ii, jj, kk, a_att, zeros128)
    Ptab = _mid(proj0, ws0, ws1, th0row, b0row, W1)
    wsp = _aggregate1(Ptab, ii, jj, kk, zeros128)
    return _fin(Ptab, wsp, th1row, bias1row)

# --- scband reference (transcript-rebuilt; emitter-appended) ---
"""Pipeline reference for scband-htn-79894981640653 (READ-ONLY COPY).

The authoritative reference and input builder live on the scoring server;
editing this copy changes nothing except your own understanding.
"""

import jax, jax.numpy as jnp
import numpy as np

N = 10000
E = 160000
D_IN = 128
H0, F0 = 4, 64
H1, F1 = 1, 64
HID = 64


def _glorot(k, shape):
    fan_in, fan_out = shape[0], shape[-1]
    lim = (6.0 / (fan_in + fan_out)) ** 0.5
    return jax.random.uniform(k, shape, jnp.float32, -lim, lim)


def setup_inputs(seed: int = 0):
    key = jax.random.key(seed)
    ks = jax.random.split(key, 18)
    inp = {}
    inp['x'] = jax.random.normal(ks[0], (N, D_IN), jnp.float32)
    inp['edge_index'] = jax.random.randint(ks[1], (3, E), 0, N, jnp.int32)
    # layer 0: in=128, heads=4, out=64, concat=True, ELU
    inp['W0'] = _glorot(ks[2], (D_IN, H0 * F0))
    inp['A0_w1'] = _glorot(ks[3], (3 * F0, HID))
    inp['A0_b1'] = jnp.zeros((HID,), jnp.float32)
    inp['A0_w2'] = _glorot(ks[4], (HID, 1))
    inp['A0_b2'] = jnp.zeros((1,), jnp.float32)
    inp['theta0'] = _glorot(ks[5], (1, H0, F0))
    inp['bias0'] = jnp.zeros((H0 * F0,), jnp.float32)
    # layer 1: in=256, heads=1, out=64, concat=False (mean), no activation
    inp['W1'] = _glorot(ks[6], (H0 * F0, H1 * F1))
    inp['A1_w1'] = _glorot(ks[7], (3 * F1, HID))
    inp['A1_b1'] = jnp.zeros((HID,), jnp.float32)
    inp['A1_w2'] = _glorot(ks[8], (HID, 1))
    inp['A1_b2'] = jnp.zeros((1,), jnp.float32)
    inp['theta1'] = _glorot(ks[9], (1, H1, F1))
    inp['bias1'] = jnp.zeros((F1,), jnp.float32)
    return inp


def _htn_layer(x, ei, W, w1, b1, w2, b2, theta, bias, H, F, concat, act):
    proj = (x @ W).reshape(-1, H, F)            # [N, H, F]
    pi = proj[ei[0]]                             # [E, H, F] gather by dst
    pj = proj[ei[1]]
    pk = proj[ei[2]]
    comb = jnp.concatenate([pi, pj, pk], axis=-1)  # [E, H, 3F]
    s = jax.nn.relu(comb @ w1 + b1) @ w2 + b2      # [E, H, 1] attention MLP
    s = s[..., 0]                                   # squeeze(-1) -> [E, H]
    s = jnp.where(s > 0, s, 0.2 * s)                # LeakyReLU(0.2)
    a = jax.nn.softmax(s, axis=-1)[..., None]       # softmax over last dim (heads), unsqueeze
    neighbor_product = pj * pk                      # [E, H, F]
    ws = jnp.zeros_like(proj).at[ei[0]].add(a * neighbor_product)  # scatter_add, dim_size=N
    out = theta * proj + ws                         # [N, H, F]
    if concat:
        out = out.reshape(-1, H * F)
    else:
        out = out.mean(axis=1)
    out = out + bias
    if act:
        out = jax.nn.elu(out)
    return out


def reference(x, edge_index, W0, A0_w1, A0_b1, A0_w2, A0_b2, theta0, bias0, W1, A1_w1, A1_b1, A1_w2, A1_b2, theta1, bias1):
    h = _htn_layer(x, edge_index, W0, A0_w1, A0_b1, A0_w2, A0_b2, theta0, bias0, H0, F0, True, True)
    h = _htn_layer(h, edge_index, W1, A1_w1, A1_b1, A1_w2, A1_b2, theta1, bias1, H1, F1, False, False)
    return h

if __name__ == "__main__":
    import jax
    _d = setup_inputs()
    print(jax.jit(kernel)(*tuple(_d.values())))

</pallas_src>

<mosaic_0001>
#map = affine_map<(d0, d1) -> (0, 0)>
#map1 = affine_map<(d0, d1) -> (0)>
#map2 = affine_map<(d0, d1) -> (0, 0, 0)>
module attributes {stable_mosaic.version = 14 : i64} {
  func.func @_agg1_body(%arg0: i32, %arg1: i32, %arg2: memref<10240x128xf32, #tpu.memory_space<hbm>>, %arg3: memref<163840xi32, #tpu.memory_space<hbm>>, %arg4: memref<163840xi32, #tpu.memory_space<hbm>>, %arg5: memref<163840xi32, #tpu.memory_space<hbm>>, %arg6: memref<10240x128xf32, #tpu.memory_space<hbm>>, %arg7: memref<2x10240x128xf32, #tpu.memory_space<hbm>>, %arg8: memref<128xi32, #tpu.memory_space<vmem>>, %arg9: memref<128xi32, #tpu.memory_space<vmem>>, %arg10: memref<128xi32, #tpu.memory_space<vmem>>, %arg11: memref<128x128xf32, #tpu.memory_space<vmem>>, %arg12: memref<128x128xf32, #tpu.memory_space<vmem>>, %arg13: memref<10240x128xf32, #tpu.memory_space<vmem_shared>>) attributes {dimension_semantics = [#tpu.dimension_semantics<core_parallel>, #tpu.dimension_semantics<subcore_parallel>], iteration_bounds = array<i64: 2, 16>, scalar_prefetch = 0 : i64, scratch_operands = 6 : i64, tpu.core_type = #tpu.core_type<sc_vector_subcore>, window_params = [{transform_indices = #map}, {transform_indices = #map1}, {transform_indices = #map1}, {transform_indices = #map1}, {transform_indices = #map}, {transform_indices = #map2}]} {
    %mul3A = arith.constant 640 : i32
    %mul3A_0 = arith.muli %arg1, %mul3A : i32
    "tpu.region"() ({
      %run_scoped3A = tpu.sem_alloc : memref<!tpu.dma_semaphore, #tpu.memory_space<semaphore_mem>>
      %dma_start3A = arith.constant 0 : i32
      %dma_start3A_10 = tpu.memref_slice %arg13[%mul3A_0, %dma_start3A] : memref<10240x128xf32, #tpu.memory_space<vmem_shared>> -> memref<640x128xf32, #tpu.memory_space<vmem_shared>>
      %dma_start3A_11 = arith.constant 0 : i32
      %dma_start3A_12 = tpu.memref_slice %arg6[%mul3A_0, %dma_start3A_11] : memref<10240x128xf32, #tpu.memory_space<hbm>> -> memref<640x128xf32, #tpu.memory_space<hbm>>
      tpu.enqueue_dma source(%dma_start3A_12 : memref<640x128xf32, #tpu.memory_space<hbm>>) target(%dma_start3A_10 : memref<640x128xf32, #tpu.memory_space<vmem_shared>>) target_semaphore(%run_scoped3A : memref<!tpu.dma_semaphore, #tpu.memory_space<semaphore_mem>>)
      %dma_wait3A = arith.constant 0 : i32
      %dma_wait3A_13 = tpu.memref_slice %arg13[%mul3A_0, %dma_wait3A] : memref<10240x128xf32, #tpu.memory_space<vmem_shared>> -> memref<640x128xf32, #tpu.memory_space<vmem_shared>>
      %dma_wait3A_14 = arith.constant 0 : i32
      %dma_wait3A_15 = tpu.memref_slice %arg6[%mul3A_0, %dma_wait3A_14] : memref<10240x128xf32, #tpu.memory_space<hbm>> -> memref<640x128xf32, #tpu.memory_space<hbm>>
      tpu.wait_dma2 semaphore(%run_scoped3A : memref<!tpu.dma_semaphore, #tpu.memory_space<semaphore_mem>>) src(%dma_wait3A_15 : memref<640x128xf32, #tpu.memory_space<hbm>>) dst(%dma_wait3A_13 : memref<640x128xf32, #tpu.memory_space<vmem_shared>>)
      tpu.yield
    }) : () -> ()
    %barrier3A = arith.constant 0 : index
    tpu.barrier barrier_id(%barrier3A)
    %mul3A_1 = arith.constant 2 : i32
    %mul3A_2 = arith.muli %arg1, %mul3A_1 : i32
    %add3A = arith.addi %mul3A_2, %arg0 : i32
    %mul3A_3 = arith.constant 5120 : i32
    %mul3A_4 = arith.muli %add3A, %mul3A_3 : i32
    %scan3A = arith.constant 0 : i32
    %scan3A_5 = arith.constant 40 : i32
    %scan3A_6 = arith.addi %scan3A, %scan3A_5 : i32
    %scan3A_7 = arith.constant 1 : i32
    scf.for %scan3A_10 = %scan3A to %scan3A_6 step %scan3A_7  : i32 {
      %mul3A_11 = arith.constant 1 : i32
      %mul3A_12 = arith.muli %scan3A_10, %mul3A_11 : i32
      %add3A_13 = arith.constant 0 : i32
      %add3A_14 = arith.addi %add3A_13, %mul3A_12 : i32
      %mul3A_15 = arith.constant 128 : i32
      %mul3A_16 = arith.muli %add3A_14, %mul3A_15 : i32
      %add3A_17 = arith.addi %mul3A_4, %mul3A_16 : i32
      "tpu.region"() ({
        %run_scoped3A = tpu.sem_alloc : memref<!tpu.dma_semaphore, #tpu.memory_space<semaphore_mem>>
        %dma_start3A = tpu.memref_slice %arg3[%add3A_17] : memref<163840xi32, #tpu.memory_space<hbm>> -> memref<128xi32, #tpu.memory_space<hbm>>
        %dma_start3A_23 = tpu.memref_slice %arg3[%add3A_17] : memref<163840xi32, #tpu.memory_space<hbm>> -> memref<128xi32, #tpu.memory_space<hbm>>
        tpu.enqueue_dma source(%dma_start3A_23 : memref<128xi32, #tpu.memory_space<hbm>>) target(%arg8 : memref<128xi32, #tpu.memory_space<vmem>>) target_semaphore(%run_scoped3A : memref<!tpu.dma_semaphore, #tpu.memory_space<semaphore_mem>>)
        %dma_wait3A = tpu.memref_slice %arg3[%add3A_17] : memref<163840xi32, #tpu.memory_space<hbm>> -> memref<128xi32, #tpu.memory_space<hbm>>
        %dma_wait3A_24 = tpu.memref_slice %arg3[%add3A_17] : memref<163840xi32, #tpu.memory_space<hbm>> -> memref<128xi32, #tpu.memory_space<hbm>>
        tpu.wait_dma2 semaphore(%run_scoped3A : memref<!tpu.dma_semaphore, #tpu.memory_space<semaphore_mem>>) src(%dma_wait3A_24 : memref<128xi32, #tpu.memory_space<hbm>>) dst(%arg8 : memref<128xi32, #tpu.memory_space<vmem>>)
        tpu.yield
      }) : () -> ()
      "tpu.region"() ({
        %run_scoped3A = tpu.sem_alloc : memref<!tpu.dma_semaphore, #tpu.memory_space<semaphore_mem>>
        %dma_start3A = tpu.memref_slice %arg4[%add3A_17] : memref<163840xi32, #tpu.memory_space<hbm>> -> memref<128xi32, #tpu.memory_space<hbm>>
        %dma_start3A_23 = tpu.memref_slice %arg4[%add3A_17] : memref<163840xi32, #tpu.memory_space<hbm>> -> memref<128xi32, #tpu.memory_space<hbm>>
        tpu.enqueue_dma source(%dma_start3A_23 : memref<128xi32, #tpu.memory_space<hbm>>) target(%arg9 : memref<128xi32, #tpu.memory_space<vmem>>) target_semaphore(%run_scoped3A : memref<!tpu.dma_semaphore, #tpu.memory_space<semaphore_mem>>)
        %dma_wait3A = tpu.memref_slice %arg4[%add3A_17] : memref<163840xi32, #tpu.memory_space<hbm>> -> memref<128xi32, #tpu.memory_space<hbm>>
        %dma_wait3A_24 = tpu.memref_slice %arg4[%add3A_17] : memref<163840xi32, #tpu.memory_space<hbm>> -> memref<128xi32, #tpu.memory_space<hbm>>
        tpu.wait_dma2 semaphore(%run_scoped3A : memref<!tpu.dma_semaphore, #tpu.memory_space<semaphore_mem>>) src(%dma_wait3A_24 : memref<128xi32, #tpu.memory_space<hbm>>) dst(%arg9 : memref<128xi32, #tpu.memory_space<vmem>>)
        tpu.yield
      }) : () -> ()
      "tpu.region"() ({
        %run_scoped3A = tpu.sem_alloc : memref<!tpu.dma_semaphore, #tpu.memory_space<semaphore_mem>>
        %dma_start3A = tpu.memref_slice %arg5[%add3A_17] : memref<163840xi32, #tpu.memory_space<hbm>> -> memref<128xi32, #tpu.memory_space<hbm>>
        %dma_start3A_23 = tpu.memref_slice %arg5[%add3A_17] : memref<163840xi32, #tpu.memory_space<hbm>> -> memref<128xi32, #tpu.memory_space<hbm>>
        tpu.enqueue_dma source(%dma_start3A_23 : memref<128xi32, #tpu.memory_space<hbm>>) target(%arg10 : memref<128xi32, #tpu.memory_space<vmem>>) target_semaphore(%run_scoped3A : memref<!tpu.dma_semaphore, #tpu.memory_space<semaphore_mem>>)
        %dma_wait3A = tpu.memref_slice %arg5[%add3A_17] : memref<163840xi32, #tpu.memory_space<hbm>> -> memref<128xi32, #tpu.memory_space<hbm>>
        %dma_wait3A_24 = tpu.memref_slice %arg5[%add3A_17] : memref<163840xi32, #tpu.memory_space<hbm>> -> memref<128xi32, #tpu.memory_space<hbm>>
        tpu.wait_dma2 semaphore(%run_scoped3A : memref<!tpu.dma_semaphore, #tpu.memory_space<semaphore_mem>>) src(%dma_wait3A_24 : memref<128xi32, #tpu.memory_space<hbm>>) dst(%arg10 : memref<128xi32, #tpu.memory_space<vmem>>)
        tpu.yield
      }) : () -> ()
      "tpu.region"() ({
        %run_scoped3A = tpu.sem_alloc : memref<!tpu.dma_semaphore, #tpu.memory_space<semaphore_mem>>
        %dma_start3A = arith.constant 0 : i32
        %dma_start3A_23 = arith.constant 0 : i32
        %dma_start3A_24 = tpu.memref_slice %arg2[%dma_start3A, %dma_start3A_23] : memref<10240x128xf32, #tpu.memory_space<hbm>> -> memref<10240x128xf32, #tpu.memory_space<hbm>>
        tpu.enqueue_indirect_dma source(%dma_start3A_24 : memref<10240x128xf32, #tpu.memory_space<hbm>>) target(%arg11 : memref<128x128xf32, #tpu.memory_space<vmem>>) offsets(%arg9 : memref<128xi32, #tpu.memory_space<vmem>>) semaphore(%run_scoped3A : memref<!tpu.dma_semaphore, #tpu.memory_space<semaphore_mem>>)
        %dma_wait3A = arith.constant 0 : i32
        %dma_wait3A_25 = arith.constant 0 : i32
        %dma_wait3A_26 = tpu.memref_slice %arg2[%dma_wait3A, %dma_wait3A_25] : memref<10240x128xf32, #tpu.memory_space<hbm>> -> memref<10240x128xf32, #tpu.memory_space<hbm>>
        tpu.wait_indirect_dma semaphore(%run_scoped3A : memref<!tpu.dma_semaphore, #tpu.memory_space<semaphore_mem>>) src(%dma_wait3A_26 : memref<10240x128xf32, #tpu.memory_space<hbm>>) dst(%arg11 : memref<128x128xf32, #tpu.memory_space<vmem>>)
        tpu.yield
      }) : () -> ()
      "tpu.region"() ({
        %run_scoped3A = tpu.sem_alloc : memref<!tpu.dma_semaphore, #tpu.memory_space<semaphore_mem>>
        %dma_start3A = arith.constant 0 : i32
        %dma_start3A_23 = arith.constant 0 : i32
        %dma_start3A_24 = tpu.memref_slice %arg2[%dma_start3A, %dma_start3A_23] : memref<10240x128xf32, #tpu.memory_space<hbm>> -> memref<10240x128xf32, #tpu.memory_space<hbm>>
        tpu.enqueue_indirect_dma source(%dma_start3A_24 : memref<10240x128xf32, #tpu.memory_space<hbm>>) target(%arg12 : memref<128x128xf32, #tpu.memory_space<vmem>>) offsets(%arg10 : memref<128xi32, #tpu.memory_space<vmem>>) semaphore(%run_scoped3A : memref<!tpu.dma_semaphore, #tpu.memory_space<semaphore_mem>>)
        %dma_wait3A = arith.constant 0 : i32
        %dma_wait3A_25 = arith.constant 0 : i32
        %dma_wait3A_26 = tpu.memref_slice %arg2[%dma_wait3A, %dma_wait3A_25] : memref<10240x128xf32, #tpu.memory_space<hbm>> -> memref<10240x128xf32, #tpu.memory_space<hbm>>
        tpu.wait_indirect_dma semaphore(%run_scoped3A : memref<!tpu.dma_semaphore, #tpu.memory_space<semaphore_mem>>) src(%dma_wait3A_26 : memref<10240x128xf32, #tpu.memory_space<hbm>>) dst(%arg12 : memref<128x128xf32, #tpu.memory_space<vmem>>)
        tpu.yield
      }) : () -> ()
      %scan3A_18 = arith.constant 0 : i32
      %scan3A_19 = arith.constant 128 : i32
      %scan3A_20 = arith.addi %scan3A_18, %scan3A_19 : i32
      %scan3A_21 = arith.constant 1 : i32
      scf.for %scan3A_23 = %scan3A_18 to %scan3A_20 step %scan3A_21  : i32 {
        %mul3A_24 = arith.constant 1 : i32
        %mul3A_25 = arith.muli %scan3A_23, %mul3A_24 : i32
        %add3A_26 = arith.constant 0 : i32
        %add3A_27 = arith.addi %add3A_26, %mul3A_25 : i32
        %get3A = arith.index_cast %add3A_27 : i32 to index
        %get3A_28 = arith.constant 0 : index
        %get3A_29 = tpu.vector_load %arg11[%get3A, %get3A_28] {strides = array<i32>} : memref<128x128xf32, #tpu.memory_space<vmem>>, vector<16xf32>,
        %get3A_30 = arith.index_cast %add3A_27 : i32 to index
        %get3A_31 = arith.constant 0 : index
        %get3A_32 = tpu.vector_load %arg12[%get3A_30, %get3A_31] {strides = array<i32>} : memref<128x128xf32, #tpu.memory_space<vmem>>, vector<16xf32>,
        %mul3A_33 = arith.mulf %get3A_29, %get3A_32 : vector<16xf32>
        %swap3A = arith.index_cast %add3A_27 : i32 to index
        %swap3A_34 = arith.constant 0 : index
        %swap3A_35 = tpu.vector_load %arg11[%swap3A, %swap3A_34] {strides = array<i32>} : memref<128x128xf32, #tpu.memory_space<vmem>>, vector<16xf32>,
        tpu.vector_store %arg11[%swap3A, %swap3A_34], %mul3A_33 {strides = array<i32>} : memref<128x128xf32, #tpu.memory_space<vmem>>, vector<16xf32>,
        %get3A_36 = arith.index_cast %add3A_27 : i32 to index
        %get3A_37 = arith.constant 16 : index
        %get3A_38 = tpu.vector_load %arg11[%get3A_36, %get3A_37] {strides = array<i32>} : memref<128x128xf32, #tpu.memory_space<vmem>>, vector<16xf32>,
        %get3A_39 = arith.index_cast %add3A_27 : i32 to index
        %get3A_40 = arith.constant 16 : index
        %get3A_41 = tpu.vector_load %arg12[%get3A_39, %get3A_40] {strides = array<i32>} : memref<128x128xf32, #tpu.memory_space<vmem>>, vector<16xf32>,
        %mul3A_42 = arith.mulf %get3A_38, %get3A_41 : vector<16xf32>
        %swap3A_43 = arith.index_cast %add3A_27 : i32 to index
        %swap3A_44 = arith.constant 16 : index
        %swap3A_45 = tpu.vector_load %arg11[%swap3A_43, %swap3A_44] {strides = array<i32>} : memref<128x128xf32, #tpu.memory_space<vmem>>, vector<16xf32>,
        tpu.vector_store %arg11[%swap3A_43, %swap3A_44], %mul3A_42 {strides = array<i32>} : memref<128x128xf32, #tpu.memory_space<vmem>>, vector<16xf32>,
        %get3A_46 = arith.index_cast %add3A_27 : i32 to index
        %get3A_47 = arith.constant 32 : index
        %get3A_48 = tpu.vector_load %arg11[%get3A_46, %get3A_47] {strides = array<i32>} : memref<128x128xf32, #tpu.memory_space<vmem>>, vector<16xf32>,
        %get3A_49 = arith.index_cast %add3A_27 : i32 to index
        %get3A_50 = arith.constant 32 : index
        %get3A_51 = tpu.vector_load %arg12[%get3A_49, %get3A_50] {strides = array<i32>} : memref<128x128xf32, #tpu.memory_space<vmem>>, vector<16xf32>,
        %mul3A_52 = arith.mulf %get3A_48, %get3A_51 : vector<16xf32>
        %swap3A_53 = arith.index_cast %add3A_27 : i32 to index
        %swap3A_54 = arith.constant 32 : index
        %swap3A_55 = tpu.vector_load %arg11[%swap3A_53, %swap3A_54] {strides = array<i32>} : memref<128x128xf32, #tpu.memory_space<vmem>>, vector<16xf32>,
        tpu.vector_store %arg11[%swap3A_53, %swap3A_54], %mul3A_52 {strides = array<i32>} : memref<128x128xf32, #tpu.memory_space<vmem>>, vector<16xf32>,
        %get3A_56 = arith.index_cast %add3A_27 : i32 to index
        %get3A_57 = arith.constant 48 : index
        %get3A_58 = tpu.vector_load %arg11[%get3A_56, %get3A_57] {strides = array<i32>} : memref<128x128xf32, #tpu.memory_space<vmem>>, vector<16xf32>,
        %get3A_59 = arith.index_cast %add3A_27 : i32 to index
        %get3A_60 = arith.constant 48 : index
        %get3A_61 = tpu.vector_load %arg12[%get3A_59, %get3A_60] {strides = array<i32>} : memref<128x128xf32, #tpu.memory_space<vmem>>, vector<16xf32>,
        %mul3A_62 = arith.mulf %get3A_58, %get3A_61 : vector<16xf32>
        %swap3A_63 = arith.index_cast %add3A_27 : i32 to index
        %swap3A_64 = arith.constant 48 : index
        %swap3A_65 = tpu.vector_load %arg11[%swap3A_63, %swap3A_64] {strides = array<i32>} : memref<128x128xf32, #tpu.memory_space<vmem>>, vector<16xf32>,
        tpu.vector_store %arg11[%swap3A_63, %swap3A_64], %mul3A_62 {strides = array<i32>} : memref<128x128xf32, #tpu.memory_space<vmem>>, vector<16xf32>,
      }
      %scan3A_22 = arith.constant 128 : i32
      "tpu.region"() ({
        %run_scoped3A = tpu.sem_alloc : memref<!tpu.dma_semaphore, #tpu.memory_space<semaphore_mem>>
        %dma_start3A = arith.constant 0 : i32
        %dma_start3A_23 = arith.constant 0 : i32
        %dma_start3A_24 = tpu.memref_slice %arg13[%dma_start3A, %dma_start3A_23] : memref<10240x128xf32, #tpu.memory_space<vmem_shared>> -> memref<10240x128xf32, #tpu.memory_space<vmem_shared>>
        tpu.enqueue_indirect_dma source(%arg11 : memref<128x128xf32, #tpu.memory_space<vmem>>) target(%dma_start3A_24 : memref<10240x128xf32, #tpu.memory_space<vmem_shared>>) offsets(%arg8 : memref<128xi32, #tpu.memory_space<vmem>>) semaphore(%run_scoped3A : memref<!tpu.dma_semaphore, #tpu.memory_space<semaphore_mem>>) {add = true}
        %dma_wait3A = arith.constant 0 : i32
        %dma_wait3A_25 = arith.constant 0 : i32
        %dma_wait3A_26 = tpu.memref_slice %arg13[%dma_wait3A, %dma_wait3A_25] : memref<10240x128xf32, #tpu.memory_space<vmem_shared>> -> memref<10240x128xf32, #tpu.memory_space<vmem_shared>>
        tpu.wait_indirect_dma semaphore(%run_scoped3A : memref<!tpu.dma_semaphore, #tpu.memory_space<semaphore_mem>>) src(%arg11 : memref<128x128xf32, #tpu.memory_space<vmem>>) dst(%dma_wait3A_26 : memref<10240x128xf32, #tpu.memory_space<vmem_shared>>)
        tpu.yield
      }) : () -> ()
    }
    %scan3A_8 = arith.constant 40 : i32
    %barrier3A_9 = arith.constant 0 : index
    tpu.barrier barrier_id(%barrier3A_9)
    "tpu.region"() ({
      %run_scoped3A = tpu.sem_alloc : memref<!tpu.dma_semaphore, #tpu.memory_space<semaphore_mem>>
      %dma_start3A = arith.constant 0 : i32
      %dma_start3A_10 = tpu.memref_slice %arg7[%arg0, %mul3A_0, %dma_start3A] : memref<2x10240x128xf32, #tpu.memory_space<hbm>> -> memref<1x640x128xf32, #tpu.memory_space<hbm>>
      %dma_start3A_11 = tpu.memref_squeeze %dma_start3A_10 : memref<1x640x128xf32, #tpu.memory_space<hbm>> -> memref<640x128xf32, #tpu.memory_space<hbm>>
      %dma_start3A_12 = arith.constant 0 : i32
      %dma_start3A_13 = tpu.memref_slice %arg13[%mul3A_0, %dma_start3A_12] : memref<10240x128xf32, #tpu.memory_space<vmem_shared>> -> memref<640x128xf32, #tpu.memory_space<vmem_shared>>
      tpu.enqueue_dma source(%dma_start3A_13 : memref<640x128xf32, #tpu.memory_space<vmem_shared>>) target(%dma_start3A_11 : memref<640x128xf32, #tpu.memory_space<hbm>>) target_semaphore(%run_scoped3A : memref<!tpu.dma_semaphore, #tpu.memory_space<semaphore_mem>>)
      %dma_wait3A = arith.constant 0 : i32
      %dma_wait3A_14 = tpu.memref_slice %arg7[%arg0, %mul3A_0, %dma_wait3A] : memref<2x10240x128xf32, #tpu.memory_space<hbm>> -> memref<1x640x128xf32, #tpu.memory_space<hbm>>
      %dma_wait3A_15 = tpu.memref_squeeze %dma_wait3A_14 : memref<1x640x128xf32, #tpu.memory_space<hbm>> -> memref<640x128xf32, #tpu.memory_space<hbm>>
      %dma_wait3A_16 = arith.constant 0 : i32
      %dma_wait3A_17 = tpu.memref_slice %arg13[%mul3A_0, %dma_wait3A_16] : memref<10240x128xf32, #tpu.memory_space<vmem_shared>> -> memref<640x128xf32, #tpu.memory_space<vmem_shared>>
      tpu.wait_dma2 semaphore(%run_scoped3A : memref<!tpu.dma_semaphore, #tpu.memory_space<semaphore_mem>>) src(%dma_wait3A_17 : memref<640x128xf32, #tpu.memory_space<vmem_shared>>) dst(%dma_wait3A_15 : memref<640x128xf32, #tpu.memory_space<hbm>>)
      tpu.yield
    }) : () -> ()
    return
  }
}

#map = affine_map<(d0, d1) -> (0, 0)>
#map1 = affine_map<(d0, d1) -> (0)>
module attributes {stable_mosaic.version = 14 : i64} {
  func.func @_att_body(%arg0: i32, %arg1: i32, %arg2: memref<10240x256xf32, #tpu.memory_space<hbm>>, %arg3: memref<10240x256xf32, #tpu.memory_space<hbm>>, %arg4: memref<10240x256xf32, #tpu.memory_space<hbm>>, %arg5: memref<163840xi32, #tpu.memory_space<hbm>>, %arg6: memref<163840xi32, #tpu.memory_space<hbm>>, %arg7: memref<163840xi32, #tpu.memory_space<hbm>>, %arg8: memref<80xf32, #tpu.memory_space<hbm>>, %arg9: memref<4x163840xf32, #tpu.memory_space<hbm>>, %arg10: memref<128xi32, #tpu.memory_space<vmem>>, %arg11: memref<128xi32, #tpu.memory_space<vmem>>, %arg12: memref<128xi32, #tpu.memory_space<vmem>>, %arg13: memref<128x256xf32, #tpu.memory_space<vmem>>, %arg14: memref<128x256xf32, #tpu.memory_space<vmem>>, %arg15: memref<128x256xf32, #tpu.memory_space<vmem>>, %arg16: memref<4x128xf32, #tpu.memory_space<vmem>>, %arg17: memref<80xf32, #tpu.memory_space<vmem>>) attributes {dimension_semantics = [#tpu.dimension_semantics<core_parallel>, #tpu.dimension_semantics<subcore_parallel>], iteration_bounds = array<i64: 2, 16>, scalar_prefetch = 0 : i64, scratch_operands = 8 : i64, tpu.core_type = #tpu.core_type<sc_vector_subcore>, window_params = [{transform_indices = #map}, {transform_indices = #map}, {transform_indices = #map}, {transform_indices = #map1}, {transform_indices = #map1}, {transform_indices = #map1}, {transform_indices = #map1}, {transform_indices = #map}]} {
    %mul3A = arith.constant 2 : i32
    %mul3A_0 = arith.muli %arg1, %mul3A : i32
    %add3A = arith.addi %mul3A_0, %arg0 : i32
    "tpu.region"() ({
      %run_scoped3A = tpu.sem_alloc : memref<!tpu.dma_semaphore, #tpu.memory_space<semaphore_mem>>
      tpu.enqueue_dma source(%arg8 : memref<80xf32, #tpu.memory_space<hbm>>) target(%arg17 : memref<80xf32, #tpu.memory_space<vmem>>) target_semaphore(%run_scoped3A : memref<!tpu.dma_semaphore, #tpu.memory_space<semaphore_mem>>)
      tpu.wait_dma2 semaphore(%run_scoped3A : memref<!tpu.dma_semaphore, #tpu.memory_space<semaphore_mem>>) src(%arg8 : memref<80xf32, #tpu.memory_space<hbm>>) dst(%arg17 : memref<80xf32, #tpu.memory_space<vmem>>)
      tpu.yield
    }) : () -> ()
    %mul3A_1 = arith.constant 5120 : i32
    %mul3A_2 = arith.muli %add3A, %mul3A_1 : i32
    %scan3A = arith.constant 0 : i32
    %scan3A_3 = arith.constant 40 : i32
    %scan3A_4 = arith.addi %scan3A, %scan3A_3 : i32
    %scan3A_5 = arith.constant 1 : i32
    scf.for %scan3A_7 = %scan3A to %scan3A_4 step %scan3A_5  : i32 {
      %mul3A_8 = arith.constant 1 : i32
      %mul3A_9 = arith.muli %scan3A_7, %mul3A_8 : i32
      %add3A_10 = arith.constant 0 : i32
      %add3A_11 = arith.addi %add3A_10, %mul3A_9 : i32
      %mul3A_12 = arith.constant 128 : i32
      %mul3A_13 = arith.muli %add3A_11, %mul3A_12 : i32
      %add3A_14 = arith.addi %mul3A_2, %mul3A_13 : i32
      "tpu.region"() ({
        %run_scoped3A = tpu.sem_alloc : memref<!tpu.dma_semaphore, #tpu.memory_space<semaphore_mem>>
        %dma_start3A = tpu.memref_slice %arg5[%add3A_14] : memref<163840xi32, #tpu.memory_space<hbm>> -> memref<128xi32, #tpu.memory_space<hbm>>
        %dma_start3A_20 = tpu.memref_slice %arg5[%add3A_14] : memref<163840xi32, #tpu.memory_space<hbm>> -> memref<128xi32, #tpu.memory_space<hbm>>
        tpu.enqueue_dma source(%dma_start3A_20 : memref<128xi32, #tpu.memory_space<hbm>>) target(%arg10 : memref<128xi32, #tpu.memory_space<vmem>>) target_semaphore(%run_scoped3A : memref<!tpu.dma_semaphore, #tpu.memory_space<semaphore_mem>>)
        %dma_wait3A = tpu.memref_slice %arg5[%add3A_14] : memref<163840xi32, #tpu.memory_space<hbm>> -> memref<128xi32, #tpu.memory_space<hbm>>
        %dma_wait3A_21 = tpu.memref_slice %arg5[%add3A_14] : memref<163840xi32, #tpu.memory_space<hbm>> -> memref<128xi32, #tpu.memory_space<hbm>>
        tpu.wait_dma2 semaphore(%run_scoped3A : memref<!tpu.dma_semaphore, #tpu.memory_space<semaphore_mem>>) src(%dma_wait3A_21 : memref<128xi32, #tpu.memory_space<hbm>>) dst(%arg10 : memref<128xi32, #tpu.memory_space<vmem>>)
        tpu.yield
      }) : () -> ()
      "tpu.region"() ({
        %run_scoped3A = tpu.sem_alloc : memref<!tpu.dma_semaphore, #tpu.memory_space<semaphore_mem>>
        %dma_start3A = tpu.memref_slice %arg6[%add3A_14] : memref<163840xi32, #tpu.memory_space<hbm>> -> memref<128xi32, #tpu.memory_space<hbm>>
        %dma_start3A_20 = tpu.memref_slice %arg6[%add3A_14] : memref<163840xi32, #tpu.memory_space<hbm>> -> memref<128xi32, #tpu.memory_space<hbm>>
        tpu.enqueue_dma source(%dma_start3A_20 : memref<128xi32, #tpu.memory_space<hbm>>) target(%arg11 : memref<128xi32, #tpu.memory_space<vmem>>) target_semaphore(%run_scoped3A : memref<!tpu.dma_semaphore, #tpu.memory_space<semaphore_mem>>)
        %dma_wait3A = tpu.memref_slice %arg6[%add3A_14] : memref<163840xi32, #tpu.memory_space<hbm>> -> memref<128xi32, #tpu.memory_space<hbm>>
        %dma_wait3A_21 = tpu.memref_slice %arg6[%add3A_14] : memref<163840xi32, #tpu.memory_space<hbm>> -> memref<128xi32, #tpu.memory_space<hbm>>
        tpu.wait_dma2 semaphore(%run_scoped3A : memref<!tpu.dma_semaphore, #tpu.memory_space<semaphore_mem>>) src(%dma_wait3A_21 : memref<128xi32, #tpu.memory_space<hbm>>) dst(%arg11 : memref<128xi32, #tpu.memory_space<vmem>>)
        tpu.yield
      }) : () -> ()
      "tpu.region"() ({
        %run_scoped3A = tpu.sem_alloc : memref<!tpu.dma_semaphore, #tpu.memory_space<semaphore_mem>>
        %dma_start3A = tpu.memref_slice %arg7[%add3A_14] : memref<163840xi32, #tpu.memory_space<hbm>> -> memref<128xi32, #tpu.memory_space<hbm>>
        %dma_start3A_20 = tpu.memref_slice %arg7[%add3A_14] : memref<163840xi32, #tpu.memory_space<hbm>> -> memref<128xi32, #tpu.memory_space<hbm>>
        tpu.enqueue_dma source(%dma_start3A_20 : memref<128xi32, #tpu.memory_space<hbm>>) target(%arg12 : memref<128xi32, #tpu.memory_space<vmem>>) target_semaphore(%run_scoped3A : memref<!tpu.dma_semaphore, #tpu.memory_space<semaphore_mem>>)
        %dma_wait3A = tpu.memref_slice %arg7[%add3A_14] : memref<163840xi32, #tpu.memory_space<hbm>> -> memref<128xi32, #tpu.memory_space<hbm>>
        %dma_wait3A_21 = tpu.memref_slice %arg7[%add3A_14] : memref<163840xi32, #tpu.memory_space<hbm>> -> memref<128xi32, #tpu.memory_space<hbm>>
        tpu.wait_dma2 semaphore(%run_scoped3A : memref<!tpu.dma_semaphore, #tpu.memory_space<semaphore_mem>>) src(%dma_wait3A_21 : memref<128xi32, #tpu.memory_space<hbm>>) dst(%arg12 : memref<128xi32, #tpu.memory_space<vmem>>)
        tpu.yield
      }) : () -> ()
      "tpu.region"() ({
        %run_scoped3A = tpu.sem_alloc : memref<!tpu.dma_semaphore, #tpu.memory_space<semaphore_mem>>
        %dma_start3A = arith.constant 0 : i32
        %dma_start3A_20 = arith.constant 0 : i32
        %dma_start3A_21 = tpu.memref_slice %arg2[%dma_start3A, %dma_start3A_20] : memref<10240x256xf32, #tpu.memory_space<hbm>> -> memref<10240x256xf32, #tpu.memory_space<hbm>>
        tpu.enqueue_indirect_dma source(%dma_start3A_21 : memref<10240x256xf32, #tpu.memory_space<hbm>>) target(%arg13 : memref<128x256xf32, #tpu.memory_space<vmem>>) offsets(%arg10 : memref<128xi32, #tpu.memory_space<vmem>>) semaphore(%run_scoped3A : memref<!tpu.dma_semaphore, #tpu.memory_space<semaphore_mem>>)
        %dma_wait3A = arith.constant 0 : i32
        %dma_wait3A_22 = arith.constant 0 : i32
        %dma_wait3A_23 = tpu.memref_slice %arg2[%dma_wait3A, %dma_wait3A_22] : memref<10240x256xf32, #tpu.memory_space<hbm>> -> memref<10240x256xf32, #tpu.memory_space<hbm>>
        tpu.wait_indirect_dma semaphore(%run_scoped3A : memref<!tpu.dma_semaphore, #tpu.memory_space<semaphore_mem>>) src(%dma_wait3A_23 : memref<10240x256xf32, #tpu.memory_space<hbm>>) dst(%arg13 : memref<128x256xf32, #tpu.memory_space<vmem>>)
        tpu.yield
      }) : () -> ()
      "tpu.region"() ({
        %run_scoped3A = tpu.sem_alloc : memref<!tpu.dma_semaphore, #tpu.memory_space<semaphore_mem>>
        %dma_start3A = arith.constant 0 : i32
        %dma_start3A_20 = arith.constant 0 : i32
        %dma_start3A_21 = tpu.memref_slice %arg3[%dma_start3A, %dma_start3A_20] : memref<10240x256xf32, #tpu.memory_space<hbm>> -> memref<10240x256xf32, #tpu.memory_space<hbm>>
        tpu.enqueue_indirect_dma source(%dma_start3A_21 : memref<10240x256xf32, #tpu.memory_space<hbm>>) target(%arg14 : memref<128x256xf32, #tpu.memory_space<vmem>>) offsets(%arg11 : memref<128xi32, #tpu.memory_space<vmem>>) semaphore(%run_scoped3A : memref<!tpu.dma_semaphore, #tpu.memory_space<semaphore_mem>>)
        %dma_wait3A = arith.constant 0 : i32
        %dma_wait3A_22 = arith.constant 0 : i32
        %dma_wait3A_23 = tpu.memref_slice %arg3[%dma_wait3A, %dma_wait3A_22] : memref<10240x256xf32, #tpu.memory_space<hbm>> -> memref<10240x256xf32, #tpu.memory_space<hbm>>
        tpu.wait_indirect_dma semaphore(%run_scoped3A : memref<!tpu.dma_semaphore, #tpu.memory_space<semaphore_mem>>) src(%dma_wait3A_23 : memref<10240x256xf32, #tpu.memory_space<hbm>>) dst(%arg14 : memref<128x256xf32, #tpu.memory_space<vmem>>)
        tpu.yield
      }) : () -> ()
      "tpu.region"() ({
        %run_scoped3A = tpu.sem_alloc : memref<!tpu.dma_semaphore, #tpu.memory_space<semaphore_mem>>
        %dma_start3A = arith.constant 0 : i32
        %dma_start3A_20 = arith.constant 0 : i32
        %dma_start3A_21 = tpu.memref_slice %arg4[%dma_start3A, %dma_start3A_20] : memref<10240x256xf32, #tpu.memory_space<hbm>> -> memref<10240x256xf32, #tpu.memory_space<hbm>>
        tpu.enqueue_indirect_dma source(%dma_start3A_21 : memref<10240x256xf32, #tpu.memory_space<hbm>>) target(%arg15 : memref<128x256xf32, #tpu.memory_space<vmem>>) offsets(%arg12 : memref<128xi32, #tpu.memory_space<vmem>>) semaphore(%run_scoped3A : memref<!tpu.dma_semaphore, #tpu.memory_space<semaphore_mem>>)
        %dma_wait3A = arith.constant 0 : i32
        %dma_wait3A_22 = arith.constant 0 : i32
        %dma_wait3A_23 = tpu.memref_slice %arg4[%dma_wait3A, %dma_wait3A_22] : memref<10240x256xf32, #tpu.memory_space<hbm>> -> memref<10240x256xf32, #tpu.memory_space<hbm>>
        tpu.wait_indirect_dma semaphore(%run_scoped3A : memref<!tpu.dma_semaphore, #tpu.memory_space<semaphore_mem>>) src(%dma_wait3A_23 : memref<10240x256xf32, #tpu.memory_space<hbm>>) dst(%arg15 : memref<128x256xf32, #tpu.memory_space<vmem>>)
        tpu.yield
      }) : () -> ()
      %scan3A_15 = arith.constant 0 : i32
      %scan3A_16 = arith.constant 8 : i32
      %scan3A_17 = arith.addi %scan3A_15, %scan3A_16 : i32
      %scan3A_18 = arith.constant 1 : i32
      scf.for %scan3A_20 = %scan3A_15 to %scan3A_17 step %scan3A_18  : i32 {
        %mul3A_21 = arith.constant 1 : i32
        %mul3A_22 = arith.muli %scan3A_20, %mul3A_21 : i32
        %add3A_23 = arith.constant 0 : i32
        %add3A_24 = arith.addi %add3A_23, %mul3A_22 : i32
        %iota3A = tpu.iota {dimensions = array<i32: 0>} : vector<16xi32>
        %mul3A_25 = arith.constant 16 : i32
        %mul3A_26 = arith.muli %add3A_24, %mul3A_25 : i32
        %add3A_27 = vector.broadcast %mul3A_26 : i32 to vector<16xi32>
        %add3A_28 = arith.addi %iota3A, %add3A_27 : vector<16xi32>
        %broadcast_in_dim3A = arith.constant 0.000000e+00 : f32
        %broadcast_in_dim3A_29 = vector.broadcast %broadcast_in_dim3A : f32 to vector<16xf32>
        %scan3A_30 = arith.constant 0 : i32
        %scan3A_31 = arith.constant 64 : i32
        %scan3A_32 = arith.addi %scan3A_30, %scan3A_31 : i32
        %scan3A_33 = arith.constant 1 : i32
        %scan3A_34:4 = scf.for %scan3A_111 = %scan3A_30 to %scan3A_32 step %scan3A_33 iter_args(%scan3A_112 = %broadcast_in_dim3A_29, %scan3A_113 = %broadcast_in_dim3A_29, %scan3A_114 = %broadcast_in_dim3A_29, %scan3A_115 = %broadcast_in_dim3A_29) -> (vector<16xf32>, vector<16xf32>, vector<16xf32>, vector<16xf32>)  : i32 {
          %get3A_116 = arith.index_cast %scan3A_111 : i32 to index
          %get3A_117 = tpu.vector_load %arg17[%get3A_116] {strides = array<i32>} : memref<80xf32, #tpu.memory_space<vmem>>, vector<16xf32>,
          %slice3A_118 = vector.extract_strided_slice %get3A_117 {offsets = [0], sizes = [1], strides = [1]} : vector<16xf32> to vector<1xf32>
          %squeeze3A_119 = vector.extract %slice3A_118[0] : f32 from vector<1xf32>
          %broadcast_in_dim3A_120 = arith.constant 0 : i32
          %broadcast_in_dim3A_121 = vector.broadcast %broadcast_in_dim3A_120 : i32 to vector<16xi32>
          %add3A_122 = vector.broadcast %scan3A_111 : i32 to vector<16xi32>
          %add3A_123 = arith.addi %broadcast_in_dim3A_121, %add3A_122 : vector<16xi32>
          %gather3A = tpu.vector_load_idx %arg13[%add3A_28, %add3A_123] : memref<128x256xf32, #tpu.memory_space<vmem>>[vector<16xi32>, vector<16xi32>], vector<16xf32>,
          %gather3A_124 = tpu.vector_load_idx %arg14[%add3A_28, %add3A_123] : memref<128x256xf32, #tpu.memory_space<vmem>>[vector<16xi32>, vector<16xi32>], vector<16xf32>,
          %add3A_125 = arith.addf %gather3A, %gather3A_124 : vector<16xf32>
          %gather3A_126 = tpu.vector_load_idx %arg15[%add3A_28, %add3A_123] : memref<128x256xf32, #tpu.memory_space<vmem>>[vector<16xi32>, vector<16xi32>], vector<16xf32>,
          %add3A_127 = arith.addf %add3A_125, %gather3A_126 : vector<16xf32>
          %max3A_128 = arith.constant 0.000000e+00 : f32
          %max3A_129 = vector.broadcast %max3A_128 : f32 to vector<16xf32>
          %max3A_130 = arith.maximumf %add3A_127, %max3A_129 : vector<16xf32>
          %mul3A_131 = vector.broadcast %squeeze3A_119 : f32 to vector<16xf32>
          %mul3A_132 = arith.mulf %max3A_130, %mul3A_131 : vector<16xf32>
          %add3A_133 = arith.addf %scan3A_112, %mul3A_132 : vector<16xf32>
          %broadcast_in_dim3A_134 = arith.constant 64 : i32
          %broadcast_in_dim3A_135 = vector.broadcast %broadcast_in_dim3A_134 : i32 to vector<16xi32>
          %add3A_136 = vector.broadcast %scan3A_111 : i32 to vector<16xi32>
          %add3A_137 = arith.addi %broadcast_in_dim3A_135, %add3A_136 : vector<16xi32>
          %gather3A_138 = tpu.vector_load_idx %arg13[%add3A_28, %add3A_137] : memref<128x256xf32, #tpu.memory_space<vmem>>[vector<16xi32>, vector<16xi32>], vector<16xf32>,
          %gather3A_139 = tpu.vector_load_idx %arg14[%add3A_28, %add3A_137] : memref<128x256xf32, #tpu.memory_space<vmem>>[vector<16xi32>, vector<16xi32>], vector<16xf32>,
          %add3A_140 = arith.addf %gather3A_138, %gather3A_139 : vector<16xf32>
          %gather3A_141 = tpu.vector_load_idx %arg15[%add3A_28, %add3A_137] : memref<128x256xf32, #tpu.memory_space<vmem>>[vector<16xi32>, vector<16xi32>], vector<16xf32>,
          %add3A_142 = arith.addf %add3A_140, %gather3A_141 : vector<16xf32>
          %max3A_143 = arith.constant 0.000000e+00 : f32
          %max3A_144 = vector.broadcast %max3A_143 : f32 to vector<16xf32>
          %max3A_145 = arith.maximumf %add3A_142, %max3A_144 : vector<16xf32>
          %mul3A_146 = vector.broadcast %squeeze3A_119 : f32 to vector<16xf32>
          %mul3A_147 = arith.mulf %max3A_145, %mul3A_146 : vector<16xf32>
          %add3A_148 = arith.addf %scan3A_113, %mul3A_147 : vector<16xf32>
          %broadcast_in_dim3A_149 = arith.constant 128 : i32
          %broadcast_in_dim3A_150 = vector.broadcast %broadcast_in_dim3A_149 : i32 to vector<16xi32>
          %add3A_151 = vector.broadcast %scan3A_111 : i32 to vector<16xi32>
          %add3A_152 = arith.addi %broadcast_in_dim3A_150, %add3A_151 : vector<16xi32>
          %gather3A_153 = tpu.vector_load_idx %arg13[%add3A_28, %add3A_152] : memref<128x256xf32, #tpu.memory_space<vmem>>[vector<16xi32>, vector<16xi32>], vector<16xf32>,
          %gather3A_154 = tpu.vector_load_idx %arg14[%add3A_28, %add3A_152] : memref<128x256xf32, #tpu.memory_space<vmem>>[vector<16xi32>, vector<16xi32>], vector<16xf32>,
          %add3A_155 = arith.addf %gather3A_153, %gather3A_154 : vector<16xf32>
          %gather3A_156 = tpu.vector_load_idx %arg15[%add3A_28, %add3A_152] : memref<128x256xf32, #tpu.memory_space<vmem>>[vector<16xi32>, vector<16xi32>], vector<16xf32>,
          %add3A_157 = arith.addf %add3A_155, %gather3A_156 : vector<16xf32>
          %max3A_158 = arith.constant 0.000000e+00 : f32
          %max3A_159 = vector.broadcast %max3A_158 : f32 to vector<16xf32>
          %max3A_160 = arith.maximumf %add3A_157, %max3A_159 : vector<16xf32>
          %mul3A_161 = vector.broadcast %squeeze3A_119 : f32 to vector<16xf32>
          %mul3A_162 = arith.mulf %max3A_160, %mul3A_161 : vector<16xf32>
          %add3A_163 = arith.addf %scan3A_114, %mul3A_162 : vector<16xf32>
          %broadcast_in_dim3A_164 = arith.constant 192 : i32
          %broadcast_in_dim3A_165 = vector.broadcast %broadcast_in_dim3A_164 : i32 to vector<16xi32>
          %add3A_166 = vector.broadcast %scan3A_111 : i32 to vector<16xi32>
          %add3A_167 = arith.addi %broadcast_in_dim3A_165, %add3A_166 : vector<16xi32>
          %gather3A_168 = tpu.vector_load_idx %arg13[%add3A_28, %add3A_167] : memref<128x256xf32, #tpu.memory_space<vmem>>[vector<16xi32>, vector<16xi32>], vector<16xf32>,
          %gather3A_169 = tpu.vector_load_idx %arg14[%add3A_28, %add3A_167] : memref<128x256xf32, #tpu.memory_space<vmem>>[vector<16xi32>, vector<16xi32>], vector<16xf32>,
          %add3A_170 = arith.addf %gather3A_168, %gather3A_169 : vector<16xf32>
          %gather3A_171 = tpu.vector_load_idx %arg15[%add3A_28, %add3A_167] : memref<128x256xf32, #tpu.memory_space<vmem>>[vector<16xi32>, vector<16xi32>], vector<16xf32>,
          %add3A_172 = arith.addf %add3A_170, %gather3A_171 : vector<16xf32>
          %max3A_173 = arith.constant 0.000000e+00 : f32
          %max3A_174 = vector.broadcast %max3A_173 : f32 to vector<16xf32>
          %max3A_175 = arith.maximumf %add3A_172, %max3A_174 : vector<16xf32>
          %mul3A_176 = vector.broadcast %squeeze3A_119 : f32 to vector<16xf32>
          %mul3A_177 = arith.mulf %max3A_175, %mul3A_176 : vector<16xf32>
          %add3A_178 = arith.addf %scan3A_115, %mul3A_177 : vector<16xf32>
          scf.yield %add3A_133, %add3A_148, %add3A_163, %add3A_178 : vector<16xf32>, vector<16xf32>, vector<16xf32>, vector<16xf32>
        }
        %scan3A_35 = arith.constant 64 : i32
        %get3A = arith.constant 64 : index
        %get3A_36 = tpu.vector_load %arg17[%get3A] {strides = array<i32>} : memref<80xf32, #tpu.memory_space<vmem>>, vector<16xf32>,
        %slice3A = vector.extract_strided_slice %get3A_36 {offsets = [0], sizes = [1], strides = [1]} : vector<16xf32> to vector<1xf32>
        %squeeze3A = vector.extract %slice3A[0] : f32 from vector<1xf32>
        %add3A_37 = vector.broadcast %squeeze3A : f32 to vector<16xf32>
        %add3A_38 = arith.addf %scan3A_34#0, %add3A_37 : vector<16xf32>
        %add3A_39 = vector.broadcast %squeeze3A : f32 to vector<16xf32>
        %add3A_40 = arith.addf %scan3A_34#1, %add3A_39 : vector<16xf32>
        %add3A_41 = vector.broadcast %squeeze3A : f32 to vector<16xf32>
        %add3A_42 = arith.addf %scan3A_34#2, %add3A_41 : vector<16xf32>
        %add3A_43 = vector.broadcast %squeeze3A : f32 to vector<16xf32>
        %add3A_44 = arith.addf %scan3A_34#3, %add3A_43 : vector<16xf32>
        %gt3A = arith.constant 0.000000e+00 : f32
        %gt3A_45 = vector.broadcast %gt3A : f32 to vector<16xf32>
        %gt3A_46 = arith.cmpf ogt, %add3A_38, %gt3A_45 : vector<16xf32>
        %mul3A_47 = arith.constant 2.000000e-01 : f32
        %mul3A_48 = vector.broadcast %mul3A_47 : f32 to vector<16xf32>
        %mul3A_49 = arith.mulf %mul3A_48, %add3A_38 : vector<16xf32>
        %select_n3A = arith.select %gt3A_46, %add3A_38, %mul3A_49 : vector<16xi1>, vector<16xf32>
        %gt3A_50 = arith.constant 0.000000e+00 : f32
        %gt3A_51 = vector.broadcast %gt3A_50 : f32 to vector<16xf32>
        %gt3A_52 = arith.cmpf ogt, %add3A_40, %gt3A_51 : vector<16xf32>
        %mul3A_53 = arith.constant 2.000000e-01 : f32
        %mul3A_54 = vector.broadcast %mul3A_53 : f32 to vector<16xf32>
        %mul3A_55 = arith.mulf %mul3A_54, %add3A_40 : vector<16xf32>
        %select_n3A_56 = arith.select %gt3A_52, %add3A_40, %mul3A_55 : vector<16xi1>, vector<16xf32>
        %gt3A_57 = arith.constant 0.000000e+00 : f32
        %gt3A_58 = vector.broadcast %gt3A_57 : f32 to vector<16xf32>
        %gt3A_59 = arith.cmpf ogt, %add3A_42, %gt3A_58 : vector<16xf32>
        %mul3A_60 = arith.constant 2.000000e-01 : f32
        %mul3A_61 = vector.broadcast %mul3A_60 : f32 to vector<16xf32>
        %mul3A_62 = arith.mulf %mul3A_61, %add3A_42 : vector<16xf32>
        %select_n3A_63 = arith.select %gt3A_59, %add3A_42, %mul3A_62 : vector<16xi1>, vector<16xf32>
        %gt3A_64 = arith.constant 0.000000e+00 : f32
        %gt3A_65 = vector.broadcast %gt3A_64 : f32 to vector<16xf32>
        %gt3A_66 = arith.cmpf ogt, %add3A_44, %gt3A_65 : vector<16xf32>
        %mul3A_67 = arith.constant 2.000000e-01 : f32
        %mul3A_68 = vector.broadcast %mul3A_67 : f32 to vector<16xf32>
        %mul3A_69 = arith.mulf %mul3A_68, %add3A_44 : vector<16xf32>
        %select_n3A_70 = arith.select %gt3A_66, %add3A_44, %mul3A_69 : vector<16xi1>, vector<16xf32>
        %max3A = arith.maximumf %select_n3A, %select_n3A_56 : vector<16xf32>
        %max3A_71 = arith.maximumf %select_n3A_63, %select_n3A_70 : vector<16xf32>
        %max3A_72 = arith.maximumf %max3A, %max3A_71 : vector<16xf32>
        %sub3A = arith.subf %select_n3A, %max3A_72 : vector<16xf32>
        %exp3A = math.exp %sub3A : vector<16xf32>
        %sub3A_73 = arith.subf %select_n3A_56, %max3A_72 : vector<16xf32>
        %exp3A_74 = math.exp %sub3A_73 : vector<16xf32>
        %sub3A_75 = arith.subf %select_n3A_63, %max3A_72 : vector<16xf32>
        %exp3A_76 = math.exp %sub3A_75 : vector<16xf32>
        %sub3A_77 = arith.subf %select_n3A_70, %max3A_72 : vector<16xf32>
        %exp3A_78 = math.exp %sub3A_77 : vector<16xf32>
        %add3A_79 = arith.addf %exp3A, %exp3A_74 : vector<16xf32>
        %add3A_80 = arith.addf %add3A_79, %exp3A_76 : vector<16xf32>
        %add3A_81 = arith.addf %add3A_80, %exp3A_78 : vector<16xf32>
        %div3A = arith.constant 1.000000e+00 : f32
        %div3A_82 = vector.broadcast %div3A : f32 to vector<16xf32>
        %div3A_83 = arith.divf %div3A_82, %add3A_81 : vector<16xf32>
        %mul3A_84 = arith.mulf %exp3A, %div3A_83 : vector<16xf32>
        %mul3A_85 = arith.constant 16 : i32
        %mul3A_86 = arith.muli %add3A_24, %mul3A_85 : i32
        %swap3A = arith.constant 0 : i32
        %swap3A_87 = arith.index_cast %swap3A : i32 to index
        %swap3A_88 = arith.index_cast %mul3A_86 : i32 to index
        %swap3A_89 = tpu.vector_load %arg16[%swap3A_87, %swap3A_88] {strides = array<i32>} : memref<4x128xf32, #tpu.memory_space<vmem>>, vector<16xf32>,
        tpu.vector_store %arg16[%swap3A_87, %swap3A_88], %mul3A_84 {strides = array<i32>} : memref<4x128xf32, #tpu.memory_space<vmem>>, vector<16xf32>,
        %mul3A_90 = arith.mulf %exp3A_74, %div3A_83 : vector<16xf32>
        %mul3A_91 = arith.constant 16 : i32
        %mul3A_92 = arith.muli %add3A_24, %mul3A_91 : i32
        %swap3A_93 = arith.constant 1 : i32
        %swap3A_94 = arith.index_cast %swap3A_93 : i32 to index
        %swap3A_95 = arith.index_cast %mul3A_92 : i32 to index
        %swap3A_96 = tpu.vector_load %arg16[%swap3A_94, %swap3A_95] {strides = array<i32>} : memref<4x128xf32, #tpu.memory_space<vmem>>, vector<16xf32>,
        tpu.vector_store %arg16[%swap3A_94, %swap3A_95], %mul3A_90 {strides = array<i32>} : memref<4x128xf32, #tpu.memory_space<vmem>>, vector<16xf32>,
        %mul3A_97 = arith.mulf %exp3A_76, %div3A_83 : vector<16xf32>
        %mul3A_98 = arith.constant 16 : i32
        %mul3A_99 = arith.muli %add3A_24, %mul3A_98 : i32
        %swap3A_100 = arith.constant 2 : i32
        %swap3A_101 = arith.index_cast %swap3A_100 : i32 to index
        %swap3A_102 = arith.index_cast %mul3A_99 : i32 to index
        %swap3A_103 = tpu.vector_load %arg16[%swap3A_101, %swap3A_102] {strides = array<i32>} : memref<4x128xf32, #tpu.memory_space<vmem>>, vector<16xf32>,
        tpu.vector_store %arg16[%swap3A_101, %swap3A_102], %mul3A_97 {strides = array<i32>} : memref<4x128xf32, #tpu.memory_space<vmem>>, vector<16xf32>,
        %mul3A_104 = arith.mulf %exp3A_78, %div3A_83 : vector<16xf32>
        %mul3A_105 = arith.constant 16 : i32
        %mul3A_106 = arith.muli %add3A_24, %mul3A_105 : i32
        %swap3A_107 = arith.constant 3 : i32
        %swap3A_108 = arith.index_cast %swap3A_107 : i32 to index
        %swap3A_109 = arith.index_cast %mul3A_106 : i32 to index
        %swap3A_110 = tpu.vector_load %arg16[%swap3A_108, %swap3A_109] {strides = array<i32>} : memref<4x128xf32, #tpu.memory_space<vmem>>, vector<16xf32>,
        tpu.vector_store %arg16[%swap3A_108, %swap3A_109], %mul3A_104 {strides = array<i32>} : memref<4x128xf32, #tpu.memory_space<vmem>>, vector<16xf32>,
      }
      %scan3A_19 = arith.constant 8 : i32
      "tpu.region"() ({
        %run_scoped3A = tpu.sem_alloc : memref<!tpu.dma_semaphore, #tpu.memory_space<semaphore_mem>>
        %dma_start3A = arith.constant 0 : i32
        %dma_start3A_20 = tpu.memref_slice %arg9[%dma_start3A, %add3A_14] : memref<4x163840xf32, #tpu.memory_space<hbm>> -> memref<4x128xf32, #tpu.memory_space<hbm>>
        %dma_start3A_21 = arith.constant 0 : i32
        %dma_start3A_22 = tpu.memref_slice %arg9[%dma_start3A_21, %add3A_14] : memref<4x163840xf32, #tpu.memory_space<hbm>> -> memref<4x128xf32, #tpu.memory_space<hbm>>
        tpu.enqueue_dma source(%arg16 : memref<4x128xf32, #tpu.memory_space<vmem>>) target(%dma_start3A_22 : memref<4x128xf32, #tpu.memory_space<hbm>>) target_semaphore(%run_scoped3A : memref<!tpu.dma_semaphore, #tpu.memory_space<semaphore_mem>>)
        %dma_wait3A = arith.constant 0 : i32
        %dma_wait3A_23 = tpu.memref_slice %arg9[%dma_wait3A, %add3A_14] : memref<4x163840xf32, #tpu.memory_space<hbm>> -> memref<4x128xf32, #tpu.memory_space<hbm>>
        %dma_wait3A_24 = arith.constant 0 : i32
        %dma_wait3A_25 = tpu.memref_slice %arg9[%dma_wait3A_24, %add3A_14] : memref<4x163840xf32, #tpu.memory_space<hbm>> -> memref<4x128xf32, #tpu.memory_space<hbm>>
        tpu.wait_dma2 semaphore(%run_scoped3A : memref<!tpu.dma_semaphore, #tpu.memory_space<semaphore_mem>>) src(%arg16 : memref<4x128xf32, #tpu.memory_space<vmem>>) dst(%dma_wait3A_25 : memref<4x128xf32, #tpu.memory_space<hbm>>)
        tpu.yield
      }) : () -> ()
    }
    %scan3A_6 = arith.constant 40 : i32
    return
  }
}

#map = affine_map<(d0, d1) -> (0, 0)>
#map1 = affine_map<(d0, d1) -> (0)>
module attributes {stable_mosaic.version = 14 : i64} {
  func.func @_agg0_body(%arg0: i32, %arg1: i32, %arg2: memref<10240x128xf32, #tpu.memory_space<hbm>>, %arg3: memref<10240x128xf32, #tpu.memory_space<hbm>>, %arg4: memref<163840xi32, #tpu.memory_space<hbm>>, %arg5: memref<163840xi32, #tpu.memory_space<hbm>>, %arg6: memref<163840xi32, #tpu.memory_space<hbm>>, %arg7: memref<4x163840xf32, #tpu.memory_space<hbm>>, %arg8: memref<10240x128xf32, #tpu.memory_space<hbm>>, %arg9: memref<10240x128xf32, #tpu.memory_space<hbm>>, %arg10: memref<10240x128xf32, #tpu.memory_space<hbm>>, %arg11: memref<128xi32, #tpu.memory_space<vmem>>, %arg12: memref<128xi32, #tpu.memory_space<vmem>>, %arg13: memref<128xi32, #tpu.memory_space<vmem>>, %arg14: memref<128x128xf32, #tpu.memory_space<vmem>>, %arg15: memref<128x128xf32, #tpu.memory_space<vmem>>, %arg16: memref<2x144xf32, #tpu.memory_space<vmem>>, %arg17: memref<10240x128xf32, #tpu.memory_space<vmem_shared>>) attributes {dimension_semantics = [#tpu.dimension_semantics<core_parallel>, #tpu.dimension_semantics<subcore_parallel>], iteration_bounds = array<i64: 2, 16>, scalar_prefetch = 0 : i64, scratch_operands = 7 : i64, tpu.core_type = #tpu.core_type<sc_vector_subcore>, window_params = [{transform_indices = #map}, {transform_indices = #map}, {transform_indices = #map1}, {transform_indices = #map1}, {transform_indices = #map1}, {transform_indices = #map}, {transform_indices = #map}, {transform_indices = #map}, {transform_indices = #map}]} {
    %mul3A = arith.constant 640 : i32
    %mul3A_0 = arith.muli %arg1, %mul3A : i32
    "tpu.region"() ({
      %run_scoped3A = tpu.sem_alloc : memref<!tpu.dma_semaphore, #tpu.memory_space<semaphore_mem>>
      %dma_start3A = arith.constant 0 : i32
      %dma_start3A_15 = tpu.memref_slice %arg17[%mul3A_0, %dma_start3A] : memref<10240x128xf32, #tpu.memory_space<vmem_shared>> -> memref<640x128xf32, #tpu.memory_space<vmem_shared>>
      %dma_start3A_16 = arith.constant 0 : i32
      %dma_start3A_17 = tpu.memref_slice %arg8[%mul3A_0, %dma_start3A_16] : memref<10240x128xf32, #tpu.memory_space<hbm>> -> memref<640x128xf32, #tpu.memory_space<hbm>>
      tpu.enqueue_dma source(%dma_start3A_17 : memref<640x128xf32, #tpu.memory_space<hbm>>) target(%dma_start3A_15 : memref<640x128xf32, #tpu.memory_space<vmem_shared>>) target_semaphore(%run_scoped3A : memref<!tpu.dma_semaphore, #tpu.memory_space<semaphore_mem>>)
      %dma_wait3A = arith.constant 0 : i32
      %dma_wait3A_18 = tpu.memref_slice %arg17[%mul3A_0, %dma_wait3A] : memref<10240x128xf32, #tpu.memory_space<vmem_shared>> -> memref<640x128xf32, #tpu.memory_space<vmem_shared>>
      %dma_wait3A_19 = arith.constant 0 : i32
      %dma_wait3A_20 = tpu.memref_slice %arg8[%mul3A_0, %dma_wait3A_19] : memref<10240x128xf32, #tpu.memory_space<hbm>> -> memref<640x128xf32, #tpu.memory_space<hbm>>
      tpu.wait_dma2 semaphore(%run_scoped3A : memref<!tpu.dma_semaphore, #tpu.memory_space<semaphore_mem>>) src(%dma_wait3A_20 : memref<640x128xf32, #tpu.memory_space<hbm>>) dst(%dma_wait3A_18 : memref<640x128xf32, #tpu.memory_space<vmem_shared>>)
      tpu.yield
    }) : () -> ()
    %barrier3A = arith.constant 0 : index
    tpu.barrier barrier_id(%barrier3A)
    %mul3A_1 = arith.constant 10240 : i32
    %mul3A_2 = arith.muli %arg1, %mul3A_1 : i32
    %scan3A = arith.constant 0 : i32
    %scan3A_3 = arith.constant 80 : i32
    %scan3A_4 = arith.addi %scan3A, %scan3A_3 : i32
    %scan3A_5 = arith.constant 1 : i32
    scf.for %scan3A_15 = %scan3A to %scan3A_4 step %scan3A_5  : i32 {
      %mul3A_16 = arith.constant 1 : i32
      %mul3A_17 = arith.muli %scan3A_15, %mul3A_16 : i32
      %add3A = arith.constant 0 : i32
      %add3A_18 = arith.addi %add3A, %mul3A_17 : i32
      %mul3A_19 = arith.constant 128 : i32
      %mul3A_20 = arith.muli %add3A_18, %mul3A_19 : i32
      %add3A_21 = arith.addi %mul3A_2, %mul3A_20 : i32
      "tpu.region"() ({
        %run_scoped3A = tpu.sem_alloc : memref<!tpu.dma_semaphore, #tpu.memory_space<semaphore_mem>>
        %dma_start3A = tpu.memref_slice %arg4[%add3A_21] : memref<163840xi32, #tpu.memory_space<hbm>> -> memref<128xi32, #tpu.memory_space<hbm>>
        %dma_start3A_37 = tpu.memref_slice %arg4[%add3A_21] : memref<163840xi32, #tpu.memory_space<hbm>> -> memref<128xi32, #tpu.memory_space<hbm>>
        tpu.enqueue_dma source(%dma_start3A_37 : memref<128xi32, #tpu.memory_space<hbm>>) target(%arg11 : memref<128xi32, #tpu.memory_space<vmem>>) target_semaphore(%run_scoped3A : memref<!tpu.dma_semaphore, #tpu.memory_space<semaphore_mem>>)
        %dma_wait3A = tpu.memref_slice %arg4[%add3A_21] : memref<163840xi32, #tpu.memory_space<hbm>> -> memref<128xi32, #tpu.memory_space<hbm>>
        %dma_wait3A_38 = tpu.memref_slice %arg4[%add3A_21] : memref<163840xi32, #tpu.memory_space<hbm>> -> memref<128xi32, #tpu.memory_space<hbm>>
        tpu.wait_dma2 semaphore(%run_scoped3A : memref<!tpu.dma_semaphore, #tpu.memory_space<semaphore_mem>>) src(%dma_wait3A_38 : memref<128xi32, #tpu.memory_space<hbm>>) dst(%arg11 : memref<128xi32, #tpu.memory_space<vmem>>)
        tpu.yield
      }) : () -> ()
      "tpu.region"() ({
        %run_scoped3A = tpu.sem_alloc : memref<!tpu.dma_semaphore, #tpu.memory_space<semaphore_mem>>
        %dma_start3A = tpu.memref_slice %arg5[%add3A_21] : memref<163840xi32, #tpu.memory_space<hbm>> -> memref<128xi32, #tpu.memory_space<hbm>>
        %dma_start3A_37 = tpu.memref_slice %arg5[%add3A_21] : memref<163840xi32, #tpu.memory_space<hbm>> -> memref<128xi32, #tpu.memory_space<hbm>>
        tpu.enqueue_dma source(%dma_start3A_37 : memref<128xi32, #tpu.memory_space<hbm>>) target(%arg12 : memref<128xi32, #tpu.memory_space<vmem>>) target_semaphore(%run_scoped3A : memref<!tpu.dma_semaphore, #tpu.memory_space<semaphore_mem>>)
        %dma_wait3A = tpu.memref_slice %arg5[%add3A_21] : memref<163840xi32, #tpu.memory_space<hbm>> -> memref<128xi32, #tpu.memory_space<hbm>>
        %dma_wait3A_38 = tpu.memref_slice %arg5[%add3A_21] : memref<163840xi32, #tpu.memory_space<hbm>> -> memref<128xi32, #tpu.memory_space<hbm>>
        tpu.wait_dma2 semaphore(%run_scoped3A : memref<!tpu.dma_semaphore, #tpu.memory_space<semaphore_mem>>) src(%dma_wait3A_38 : memref<128xi32, #tpu.memory_space<hbm>>) dst(%arg12 : memref<128xi32, #tpu.memory_space<vmem>>)
        tpu.yield
      }) : () -> ()
      "tpu.region"() ({
        %run_scoped3A = tpu.sem_alloc : memref<!tpu.dma_semaphore, #tpu.memory_space<semaphore_mem>>
        %dma_start3A = tpu.memref_slice %arg6[%add3A_21] : memref<163840xi32, #tpu.memory_space<hbm>> -> memref<128xi32, #tpu.memory_space<hbm>>
        %dma_start3A_37 = tpu.memref_slice %arg6[%add3A_21] : memref<163840xi32, #tpu.memory_space<hbm>> -> memref<128xi32, #tpu.memory_space<hbm>>
        tpu.enqueue_dma source(%dma_start3A_37 : memref<128xi32, #tpu.memory_space<hbm>>) target(%arg13 : memref<128xi32, #tpu.memory_space<vmem>>) target_semaphore(%run_scoped3A : memref<!tpu.dma_semaphore, #tpu.memory_space<semaphore_mem>>)
        %dma_wait3A = tpu.memref_slice %arg6[%add3A_21] : memref<163840xi32, #tpu.memory_space<hbm>> -> memref<128xi32, #tpu.memory_space<hbm>>
        %dma_wait3A_38 = tpu.memref_slice %arg6[%add3A_21] : memref<163840xi32, #tpu.memory_space<hbm>> -> memref<128xi32, #tpu.memory_space<hbm>>
        tpu.wait_dma2 semaphore(%run_scoped3A : memref<!tpu.dma_semaphore, #tpu.memory_space<semaphore_mem>>) src(%dma_wait3A_38 : memref<128xi32, #tpu.memory_space<hbm>>) dst(%arg13 : memref<128xi32, #tpu.memory_space<vmem>>)
        tpu.yield
      }) : () -> ()
      %eq3A_22 = arith.constant 0 : i32
      %eq3A_23 = arith.cmpi eq, %arg0, %eq3A_22 : i32
      %convert_element_type3A_24 = arith.extui %eq3A_23 : i1 to i32
      %cond3A_25 = arith.constant 0 : i32
      %cond3A_26 = arith.cmpi ne, %convert_element_type3A_24, %cond3A_25 : i32
      scf.if %cond3A_26 {
        "tpu.region"() ({
          %run_scoped3A_40 = tpu.sem_alloc : memref<!tpu.dma_semaphore, #tpu.memory_space<semaphore_mem>>
          %dma_start3A = arith.constant 0 : i32
          %dma_start3A_41 = arith.constant 0 : i32
          %dma_start3A_42 = tpu.memref_slice %arg2[%dma_start3A, %dma_start3A_41] : memref<10240x128xf32, #tpu.memory_space<hbm>> -> memref<10240x128xf32, #tpu.memory_space<hbm>>
          tpu.enqueue_indirect_dma source(%dma_start3A_42 : memref<10240x128xf32, #tpu.memory_space<hbm>>) target(%arg14 : memref<128x128xf32, #tpu.memory_space<vmem>>) offsets(%arg12 : memref<128xi32, #tpu.memory_space<vmem>>) semaphore(%run_scoped3A_40 : memref<!tpu.dma_semaphore, #tpu.memory_space<semaphore_mem>>)
          %dma_wait3A = arith.constant 0 : i32
          %dma_wait3A_43 = arith.constant 0 : i32
          %dma_wait3A_44 = tpu.memref_slice %arg2[%dma_wait3A, %dma_wait3A_43] : memref<10240x128xf32, #tpu.memory_space<hbm>> -> memref<10240x128xf32, #tpu.memory_space<hbm>>
          tpu.wait_indirect_dma semaphore(%run_scoped3A_40 : memref<!tpu.dma_semaphore, #tpu.memory_space<semaphore_mem>>) src(%dma_wait3A_44 : memref<10240x128xf32, #tpu.memory_space<hbm>>) dst(%arg14 : memref<128x128xf32, #tpu.memory_space<vmem>>)
          tpu.yield
        }) : () -> ()
        "tpu.region"() ({
          %run_scoped3A_40 = tpu.sem_alloc : memref<!tpu.dma_semaphore, #tpu.memory_space<semaphore_mem>>
          %dma_start3A = arith.constant 0 : i32
          %dma_start3A_41 = arith.constant 0 : i32
          %dma_start3A_42 = tpu.memref_slice %arg2[%dma_start3A, %dma_start3A_41] : memref<10240x128xf32, #tpu.memory_space<hbm>> -> memref<10240x128xf32, #tpu.memory_space<hbm>>
          tpu.enqueue_indirect_dma source(%dma_start3A_42 : memref<10240x128xf32, #tpu.memory_space<hbm>>) target(%arg15 : memref<128x128xf32, #tpu.memory_space<vmem>>) offsets(%arg13 : memref<128xi32, #tpu.memory_space<vmem>>) semaphore(%run_scoped3A_40 : memref<!tpu.dma_semaphore, #tpu.memory_space<semaphore_mem>>)
          %dma_wait3A = arith.constant 0 : i32
          %dma_wait3A_43 = arith.constant 0 : i32
          %dma_wait3A_44 = tpu.memref_slice %arg2[%dma_wait3A, %dma_wait3A_43] : memref<10240x128xf32, #tpu.memory_space<hbm>> -> memref<10240x128xf32, #tpu.memory_space<hbm>>
          tpu.wait_indirect_dma semaphore(%run_scoped3A_40 : memref<!tpu.dma_semaphore, #tpu.memory_space<semaphore_mem>>) src(%dma_wait3A_44 : memref<10240x128xf32, #tpu.memory_space<hbm>>) dst(%arg15 : memref<128x128xf32, #tpu.memory_space<vmem>>)
          tpu.yield
        }) : () -> ()
        %run_scoped3A = arith.constant 0 : i32
        %run_scoped3A_37 = arith.constant 0 : i32
        "tpu.region"() ({
          %run_scoped3A_40 = tpu.sem_alloc : memref<!tpu.dma_semaphore, #tpu.memory_space<semaphore_mem>>
          %dma_start3A = arith.constant 0 : i32
          %dma_start3A_41 = tpu.memref_slice %arg16[%run_scoped3A_37, %dma_start3A] : memref<2x144xf32, #tpu.memory_space<vmem>> -> memref<1x128xf32, #tpu.memory_space<vmem>>
          %dma_start3A_42 = tpu.memref_squeeze %dma_start3A_41 : memref<1x128xf32, #tpu.memory_space<vmem>> -> memref<128xf32, #tpu.memory_space<vmem>>
          %dma_start3A_43 = tpu.memref_slice %arg7[%run_scoped3A, %add3A_21] : memref<4x163840xf32, #tpu.memory_space<hbm>> -> memref<1x128xf32, #tpu.memory_space<hbm>>
          %dma_start3A_44 = tpu.memref_squeeze %dma_start3A_43 : memref<1x128xf32, #tpu.memory_space<hbm>> -> memref<128xf32, #tpu.memory_space<hbm>>
          %dma_start3A_45 = arith.constant 0 : i32
          %dma_start3A_46 = tpu.memref_slice %arg16[%run_scoped3A_37, %dma_start3A_45] : memref<2x144xf32, #tpu.memory_space<vmem>> -> memref<1x128xf32, #tpu.memory_space<vmem>>
          %dma_start3A_47 = tpu.memref_squeeze %dma_start3A_46 : memref<1x128xf32, #tpu.memory_space<vmem>> -> memref<128xf32, #tpu.memory_space<vmem>>
          %dma_start3A_48 = tpu.memref_slice %arg7[%run_scoped3A, %add3A_21] : memref<4x163840xf32, #tpu.memory_space<hbm>> -> memref<1x128xf32, #tpu.memory_space<hbm>>
          %dma_start3A_49 = tpu.memref_squeeze %dma_start3A_48 : memref<1x128xf32, #tpu.memory_space<hbm>> -> memref<128xf32, #tpu.memory_space<hbm>>
          tpu.enqueue_dma source(%dma_start3A_49 : memref<128xf32, #tpu.memory_space<hbm>>) target(%dma_start3A_47 : memref<128xf32, #tpu.memory_space<vmem>>) target_semaphore(%run_scoped3A_40 : memref<!tpu.dma_semaphore, #tpu.memory_space<semaphore_mem>>)
          %dma_wait3A = arith.constant 0 : i32
          %dma_wait3A_50 = tpu.memref_slice %arg16[%run_scoped3A_37, %dma_wait3A] : memref<2x144xf32, #tpu.memory_space<vmem>> -> memref<1x128xf32, #tpu.memory_space<vmem>>
          %dma_wait3A_51 = tpu.memref_squeeze %dma_wait3A_50 : memref<1x128xf32, #tpu.memory_space<vmem>> -> memref<128xf32, #tpu.memory_space<vmem>>
          %dma_wait3A_52 = tpu.memref_slice %arg7[%run_scoped3A, %add3A_21] : memref<4x163840xf32, #tpu.memory_space<hbm>> -> memref<1x128xf32, #tpu.memory_space<hbm>>
          %dma_wait3A_53 = tpu.memref_squeeze %dma_wait3A_52 : memref<1x128xf32, #tpu.memory_space<hbm>> -> memref<128xf32, #tpu.memory_space<hbm>>
          %dma_wait3A_54 = arith.constant 0 : i32
          %dma_wait3A_55 = tpu.memref_slice %arg16[%run_scoped3A_37, %dma_wait3A_54] : memref<2x144xf32, #tpu.memory_space<vmem>> -> memref<1x128xf32, #tpu.memory_space<vmem>>
          %dma_wait3A_56 = tpu.memref_squeeze %dma_wait3A_55 : memref<1x128xf32, #tpu.memory_space<vmem>> -> memref<128xf32, #tpu.memory_space<vmem>>
          %dma_wait3A_57 = tpu.memref_slice %arg7[%run_scoped3A, %add3A_21] : memref<4x163840xf32, #tpu.memory_space<hbm>> -> memref<1x128xf32, #tpu.memory_space<hbm>>
          %dma_wait3A_58 = tpu.memref_squeeze %dma_wait3A_57 : memref<1x128xf32, #tpu.memory_space<hbm>> -> memref<128xf32, #tpu.memory_space<hbm>>
          tpu.wait_dma2 semaphore(%run_scoped3A_40 : memref<!tpu.dma_semaphore, #tpu.memory_space<semaphore_mem>>) src(%dma_wait3A_58 : memref<128xf32, #tpu.memory_space<hbm>>) dst(%dma_wait3A_56 : memref<128xf32, #tpu.memory_space<vmem>>)
          tpu.yield
        }) : () -> ()
        %run_scoped3A_38 = arith.constant 1 : i32
        %run_scoped3A_39 = arith.constant 1 : i32
        "tpu.region"() ({
          %run_scoped3A_40 = tpu.sem_alloc : memref<!tpu.dma_semaphore, #tpu.memory_space<semaphore_mem>>
          %dma_start3A = arith.constant 0 : i32
          %dma_start3A_41 = tpu.memref_slice %arg16[%run_scoped3A_39, %dma_start3A] : memref<2x144xf32, #tpu.memory_space<vmem>> -> memref<1x128xf32, #tpu.memory_space<vmem>>
          %dma_start3A_42 = tpu.memref_squeeze %dma_start3A_41 : memref<1x128xf32, #tpu.memory_space<vmem>> -> memref<128xf32, #tpu.memory_space<vmem>>
          %dma_start3A_43 = tpu.memref_slice %arg7[%run_scoped3A_38, %add3A_21] : memref<4x163840xf32, #tpu.memory_space<hbm>> -> memref<1x128xf32, #tpu.memory_space<hbm>>
          %dma_start3A_44 = tpu.memref_squeeze %dma_start3A_43 : memref<1x128xf32, #tpu.memory_space<hbm>> -> memref<128xf32, #tpu.memory_space<hbm>>
          %dma_start3A_45 = arith.constant 0 : i32
          %dma_start3A_46 = tpu.memref_slice %arg16[%run_scoped3A_39, %dma_start3A_45] : memref<2x144xf32, #tpu.memory_space<vmem>> -> memref<1x128xf32, #tpu.memory_space<vmem>>
          %dma_start3A_47 = tpu.memref_squeeze %dma_start3A_46 : memref<1x128xf32, #tpu.memory_space<vmem>> -> memref<128xf32, #tpu.memory_space<vmem>>
          %dma_start3A_48 = tpu.memref_slice %arg7[%run_scoped3A_38, %add3A_21] : memref<4x163840xf32, #tpu.memory_space<hbm>> -> memref<1x128xf32, #tpu.memory_space<hbm>>
          %dma_start3A_49 = tpu.memref_squeeze %dma_start3A_48 : memref<1x128xf32, #tpu.memory_space<hbm>> -> memref<128xf32, #tpu.memory_space<hbm>>
          tpu.enqueue_dma source(%dma_start3A_49 : memref<128xf32, #tpu.memory_space<hbm>>) target(%dma_start3A_47 : memref<128xf32, #tpu.memory_space<vmem>>) target_semaphore(%run_scoped3A_40 : memref<!tpu.dma_semaphore, #tpu.memory_space<semaphore_mem>>)
          %dma_wait3A = arith.constant 0 : i32
          %dma_wait3A_50 = tpu.memref_slice %arg16[%run_scoped3A_39, %dma_wait3A] : memref<2x144xf32, #tpu.memory_space<vmem>> -> memref<1x128xf32, #tpu.memory_space<vmem>>
          %dma_wait3A_51 = tpu.memref_squeeze %dma_wait3A_50 : memref<1x128xf32, #tpu.memory_space<vmem>> -> memref<128xf32, #tpu.memory_space<vmem>>
          %dma_wait3A_52 = tpu.memref_slice %arg7[%run_scoped3A_38, %add3A_21] : memref<4x163840xf32, #tpu.memory_space<hbm>> -> memref<1x128xf32, #tpu.memory_space<hbm>>
          %dma_wait3A_53 = tpu.memref_squeeze %dma_wait3A_52 : memref<1x128xf32, #tpu.memory_space<hbm>> -> memref<128xf32, #tpu.memory_space<hbm>>
          %dma_wait3A_54 = arith.constant 0 : i32
          %dma_wait3A_55 = tpu.memref_slice %arg16[%run_scoped3A_39, %dma_wait3A_54] : memref<2x144xf32, #tpu.memory_space<vmem>> -> memref<1x128xf32, #tpu.memory_space<vmem>>
          %dma_wait3A_56 = tpu.memref_squeeze %dma_wait3A_55 : memref<1x128xf32, #tpu.memory_space<vmem>> -> memref<128xf32, #tpu.memory_space<vmem>>
          %dma_wait3A_57 = tpu.memref_slice %arg7[%run_scoped3A_38, %add3A_21] : memref<4x163840xf32, #tpu.memory_space<hbm>> -> memref<1x128xf32, #tpu.memory_space<hbm>>
          %dma_wait3A_58 = tpu.memref_squeeze %dma_wait3A_57 : memref<1x128xf32, #tpu.memory_space<hbm>> -> memref<128xf32, #tpu.memory_space<hbm>>
          tpu.wait_dma2 semaphore(%run_scoped3A_40 : memref<!tpu.dma_semaphore, #tpu.memory_space<semaphore_mem>>) src(%dma_wait3A_58 : memref<128xf32, #tpu.memory_space<hbm>>) dst(%dma_wait3A_56 : memref<128xf32, #tpu.memory_space<vmem>>)
          tpu.yield
        }) : () -> ()
      } else {
      }
      %eq3A_27 = arith.constant 1 : i32
      %eq3A_28 = arith.cmpi eq, %arg0, %eq3A_27 : i32
      %convert_element_type3A_29 = arith.extui %eq3A_28 : i1 to i32
      %cond3A_30 = arith.constant 0 : i32
      %cond3A_31 = arith.cmpi ne, %convert_element_type3A_29, %cond3A_30 : i32
      scf.if %cond3A_31 {
        "tpu.region"() ({
          %run_scoped3A_40 = tpu.sem_alloc : memref<!tpu.dma_semaphore, #tpu.memory_space<semaphore_mem>>
          %dma_start3A = arith.constant 0 : i32
          %dma_start3A_41 = arith.constant 0 : i32
          %dma_start3A_42 = tpu.memref_slice %arg3[%dma_start3A, %dma_start3A_41] : memref<10240x128xf32, #tpu.memory_space<hbm>> -> memref<10240x128xf32, #tpu.memory_space<hbm>>
          tpu.enqueue_indirect_dma source(%dma_start3A_42 : memref<10240x128xf32, #tpu.memory_space<hbm>>) target(%arg14 : memref<128x128xf32, #tpu.memory_space<vmem>>) offsets(%arg12 : memref<128xi32, #tpu.memory_space<vmem>>) semaphore(%run_scoped3A_40 : memref<!tpu.dma_semaphore, #tpu.memory_space<semaphore_mem>>)
          %dma_wait3A = arith.constant 0 : i32
          %dma_wait3A_43 = arith.constant 0 : i32
          %dma_wait3A_44 = tpu.memref_slice %arg3[%dma_wait3A, %dma_wait3A_43] : memref<10240x128xf32, #tpu.memory_space<hbm>> -> memref<10240x128xf32, #tpu.memory_space<hbm>>
          tpu.wait_indirect_dma semaphore(%run_scoped3A_40 : memref<!tpu.dma_semaphore, #tpu.memory_space<semaphore_mem>>) src(%dma_wait3A_44 : memref<10240x128xf32, #tpu.memory_space<hbm>>) dst(%arg14 : memref<128x128xf32, #tpu.memory_space<vmem>>)
          tpu.yield
        }) : () -> ()
        "tpu.region"() ({
          %run_scoped3A_40 = tpu.sem_alloc : memref<!tpu.dma_semaphore, #tpu.memory_space<semaphore_mem>>
          %dma_start3A = arith.constant 0 : i32
          %dma_start3A_41 = arith.constant 0 : i32
          %dma_start3A_42 = tpu.memref_slice %arg3[%dma_start3A, %dma_start3A_41] : memref<10240x128xf32, #tpu.memory_space<hbm>> -> memref<10240x128xf32, #tpu.memory_space<hbm>>
          tpu.enqueue_indirect_dma source(%dma_start3A_42 : memref<10240x128xf32, #tpu.memory_space<hbm>>) target(%arg15 : memref<128x128xf32, #tpu.memory_space<vmem>>) offsets(%arg13 : memref<128xi32, #tpu.memory_space<vmem>>) semaphore(%run_scoped3A_40 : memref<!tpu.dma_semaphore, #tpu.memory_space<semaphore_mem>>)
          %dma_wait3A = arith.constant 0 : i32
          %dma_wait3A_43 = arith.constant 0 : i32
          %dma_wait3A_44 = tpu.memref_slice %arg3[%dma_wait3A, %dma_wait3A_43] : memref<10240x128xf32, #tpu.memory_space<hbm>> -> memref<10240x128xf32, #tpu.memory_space<hbm>>
          tpu.wait_indirect_dma semaphore(%run_scoped3A_40 : memref<!tpu.dma_semaphore, #tpu.memory_space<semaphore_mem>>) src(%dma_wait3A_44 : memref<10240x128xf32, #tpu.memory_space<hbm>>) dst(%arg15 : memref<128x128xf32, #tpu.memory_space<vmem>>)
          tpu.yield
        }) : () -> ()
        %run_scoped3A = arith.constant 2 : i32
        %run_scoped3A_37 = arith.constant 0 : i32
        "tpu.region"() ({
          %run_scoped3A_40 = tpu.sem_alloc : memref<!tpu.dma_semaphore, #tpu.memory_space<semaphore_mem>>
          %dma_start3A = arith.constant 0 : i32
          %dma_start3A_41 = tpu.memref_slice %arg16[%run_scoped3A_37, %dma_start3A] : memref<2x144xf32, #tpu.memory_space<vmem>> -> memref<1x128xf32, #tpu.memory_space<vmem>>
          %dma_start3A_42 = tpu.memref_squeeze %dma_start3A_41 : memref<1x128xf32, #tpu.memory_space<vmem>> -> memref<128xf32, #tpu.memory_space<vmem>>
          %dma_start3A_43 = tpu.memref_slice %arg7[%run_scoped3A, %add3A_21] : memref<4x163840xf32, #tpu.memory_space<hbm>> -> memref<1x128xf32, #tpu.memory_space<hbm>>
          %dma_start3A_44 = tpu.memref_squeeze %dma_start3A_43 : memref<1x128xf32, #tpu.memory_space<hbm>> -> memref<128xf32, #tpu.memory_space<hbm>>
          %dma_start3A_45 = arith.constant 0 : i32
          %dma_start3A_46 = tpu.memref_slice %arg16[%run_scoped3A_37, %dma_start3A_45] : memref<2x144xf32, #tpu.memory_space<vmem>> -> memref<1x128xf32, #tpu.memory_space<vmem>>
          %dma_start3A_47 = tpu.memref_squeeze %dma_start3A_46 : memref<1x128xf32, #tpu.memory_space<vmem>> -> memref<128xf32, #tpu.memory_space<vmem>>
          %dma_start3A_48 = tpu.memref_slice %arg7[%run_scoped3A, %add3A_21] : memref<4x163840xf32, #tpu.memory_space<hbm>> -> memref<1x128xf32, #tpu.memory_space<hbm>>
          %dma_start3A_49 = tpu.memref_squeeze %dma_start3A_48 : memref<1x128xf32, #tpu.memory_space<hbm>> -> memref<128xf32, #tpu.memory_space<hbm>>
          tpu.enqueue_dma source(%dma_start3A_49 : memref<128xf32, #tpu.memory_space<hbm>>) target(%dma_start3A_47 : memref<128xf32, #tpu.memory_space<vmem>>) target_semaphore(%run_scoped3A_40 : memref<!tpu.dma_semaphore, #tpu.memory_space<semaphore_mem>>)
          %dma_wait3A = arith.constant 0 : i32
          %dma_wait3A_50 = tpu.memref_slice %arg16[%run_scoped3A_37, %dma_wait3A] : memref<2x144xf32, #tpu.memory_space<vmem>> -> memref<1x128xf32, #tpu.memory_space<vmem>>
          %dma_wait3A_51 = tpu.memref_squeeze %dma_wait3A_50 : memref<1x128xf32, #tpu.memory_space<vmem>> -> memref<128xf32, #tpu.memory_space<vmem>>
          %dma_wait3A_52 = tpu.memref_slice %arg7[%run_scoped3A, %add3A_21] : memref<4x163840xf32, #tpu.memory_space<hbm>> -> memref<1x128xf32, #tpu.memory_space<hbm>>
          %dma_wait3A_53 = tpu.memref_squeeze %dma_wait3A_52 : memref<1x128xf32, #tpu.memory_space<hbm>> -> memref<128xf32, #tpu.memory_space<hbm>>
          %dma_wait3A_54 = arith.constant 0 : i32
          %dma_wait3A_55 = tpu.memref_slice %arg16[%run_scoped3A_37, %dma_wait3A_54] : memref<2x144xf32, #tpu.memory_space<vmem>> -> memref<1x128xf32, #tpu.memory_space<vmem>>
          %dma_wait3A_56 = tpu.memref_squeeze %dma_wait3A_55 : memref<1x128xf32, #tpu.memory_space<vmem>> -> memref<128xf32, #tpu.memory_space<vmem>>
          %dma_wait3A_57 = tpu.memref_slice %arg7[%run_scoped3A, %add3A_21] : memref<4x163840xf32, #tpu.memory_space<hbm>> -> memref<1x128xf32, #tpu.memory_space<hbm>>
          %dma_wait3A_58 = tpu.memref_squeeze %dma_wait3A_57 : memref<1x128xf32, #tpu.memory_space<hbm>> -> memref<128xf32, #tpu.memory_space<hbm>>
          tpu.wait_dma2 semaphore(%run_scoped3A_40 : memref<!tpu.dma_semaphore, #tpu.memory_space<semaphore_mem>>) src(%dma_wait3A_58 : memref<128xf32, #tpu.memory_space<hbm>>) dst(%dma_wait3A_56 : memref<128xf32, #tpu.memory_space<vmem>>)
          tpu.yield
        }) : () -> ()
        %run_scoped3A_38 = arith.constant 3 : i32
        %run_scoped3A_39 = arith.constant 1 : i32
        "tpu.region"() ({
          %run_scoped3A_40 = tpu.sem_alloc : memref<!tpu.dma_semaphore, #tpu.memory_space<semaphore_mem>>
          %dma_start3A = arith.constant 0 : i32
          %dma_start3A_41 = tpu.memref_slice %arg16[%run_scoped3A_39, %dma_start3A] : memref<2x144xf32, #tpu.memory_space<vmem>> -> memref<1x128xf32, #tpu.memory_space<vmem>>
          %dma_start3A_42 = tpu.memref_squeeze %dma_start3A_41 : memref<1x128xf32, #tpu.memory_space<vmem>> -> memref<128xf32, #tpu.memory_space<vmem>>
          %dma_start3A_43 = tpu.memref_slice %arg7[%run_scoped3A_38, %add3A_21] : memref<4x163840xf32, #tpu.memory_space<hbm>> -> memref<1x128xf32, #tpu.memory_space<hbm>>
          %dma_start3A_44 = tpu.memref_squeeze %dma_start3A_43 : memref<1x128xf32, #tpu.memory_space<hbm>> -> memref<128xf32, #tpu.memory_space<hbm>>
          %dma_start3A_45 = arith.constant 0 : i32
          %dma_start3A_46 = tpu.memref_slice %arg16[%run_scoped3A_39, %dma_start3A_45] : memref<2x144xf32, #tpu.memory_space<vmem>> -> memref<1x128xf32, #tpu.memory_space<vmem>>
          %dma_start3A_47 = tpu.memref_squeeze %dma_start3A_46 : memref<1x128xf32, #tpu.memory_space<vmem>> -> memref<128xf32, #tpu.memory_space<vmem>>
          %dma_start3A_48 = tpu.memref_slice %arg7[%run_scoped3A_38, %add3A_21] : memref<4x163840xf32, #tpu.memory_space<hbm>> -> memref<1x128xf32, #tpu.memory_space<hbm>>
          %dma_start3A_49 = tpu.memref_squeeze %dma_start3A_48 : memref<1x128xf32, #tpu.memory_space<hbm>> -> memref<128xf32, #tpu.memory_space<hbm>>
          tpu.enqueue_dma source(%dma_start3A_49 : memref<128xf32, #tpu.memory_space<hbm>>) target(%dma_start3A_47 : memref<128xf32, #tpu.memory_space<vmem>>) target_semaphore(%run_scoped3A_40 : memref<!tpu.dma_semaphore, #tpu.memory_space<semaphore_mem>>)
          %dma_wait3A = arith.constant 0 : i32
          %dma_wait3A_50 = tpu.memref_slice %arg16[%run_scoped3A_39, %dma_wait3A] : memref<2x144xf32, #tpu.memory_space<vmem>> -> memref<1x128xf32, #tpu.memory_space<vmem>>
          %dma_wait3A_51 = tpu.memref_squeeze %dma_wait3A_50 : memref<1x128xf32, #tpu.memory_space<vmem>> -> memref<128xf32, #tpu.memory_space<vmem>>
          %dma_wait3A_52 = tpu.memref_slice %arg7[%run_scoped3A_38, %add3A_21] : memref<4x163840xf32, #tpu.memory_space<hbm>> -> memref<1x128xf32, #tpu.memory_space<hbm>>
          %dma_wait3A_53 = tpu.memref_squeeze %dma_wait3A_52 : memref<1x128xf32, #tpu.memory_space<hbm>> -> memref<128xf32, #tpu.memory_space<hbm>>
          %dma_wait3A_54 = arith.constant 0 : i32
          %dma_wait3A_55 = tpu.memref_slice %arg16[%run_scoped3A_39, %dma_wait3A_54] : memref<2x144xf32, #tpu.memory_space<vmem>> -> memref<1x128xf32, #tpu.memory_space<vmem>>
          %dma_wait3A_56 = tpu.memref_squeeze %dma_wait3A_55 : memref<1x128xf32, #tpu.memory_space<vmem>> -> memref<128xf32, #tpu.memory_space<vmem>>
          %dma_wait3A_57 = tpu.memref_slice %arg7[%run_scoped3A_38, %add3A_21] : memref<4x163840xf32, #tpu.memory_space<hbm>> -> memref<1x128xf32, #tpu.memory_space<hbm>>
          %dma_wait3A_58 = tpu.memref_squeeze %dma_wait3A_57 : memref<1x128xf32, #tpu.memory_space<hbm>> -> memref<128xf32, #tpu.memory_space<hbm>>
          tpu.wait_dma2 semaphore(%run_scoped3A_40 : memref<!tpu.dma_semaphore, #tpu.memory_space<semaphore_mem>>) src(%dma_wait3A_58 : memref<128xf32, #tpu.memory_space<hbm>>) dst(%dma_wait3A_56 : memref<128xf32, #tpu.memory_space<vmem>>)
          tpu.yield
        }) : () -> ()
      } else {
      }
      %scan3A_32 = arith.constant 0 : i32
      %scan3A_33 = arith.constant 128 : i32
      %scan3A_34 = arith.addi %scan3A_32, %scan3A_33 : i32
      %scan3A_35 = arith.constant 1 : i32
      scf.for %scan3A_37 = %scan3A_32 to %scan3A_34 step %scan3A_35  : i32 {
        %mul3A_38 = arith.constant 1 : i32
        %mul3A_39 = arith.muli %scan3A_37, %mul3A_38 : i32
        %add3A_40 = arith.constant 0 : i32
        %add3A_41 = arith.addi %add3A_40, %mul3A_39 : i32
        %get3A = arith.constant 0 : i32
        %get3A_42 = arith.index_cast %get3A : i32 to index
        %get3A_43 = arith.index_cast %add3A_41 : i32 to index
        %get3A_44 = tpu.vector_load %arg16[%get3A_42, %get3A_43] {strides = array<i32>} : memref<2x144xf32, #tpu.memory_space<vmem>>, vector<16xf32>,
        %slice3A = vector.extract_strided_slice %get3A_44 {offsets = [0], sizes = [1], strides = [1]} : vector<16xf32> to vector<1xf32>
        %squeeze3A = vector.extract %slice3A[0] : f32 from vector<1xf32>
        %get3A_45 = arith.constant 1 : i32
        %get3A_46 = arith.index_cast %get3A_45 : i32 to index
        %get3A_47 = arith.index_cast %add3A_41 : i32 to index
        %get3A_48 = tpu.vector_load %arg16[%get3A_46, %get3A_47] {strides = array<i32>} : memref<2x144xf32, #tpu.memory_space<vmem>>, vector<16xf32>,
        %slice3A_49 = vector.extract_strided_slice %get3A_48 {offsets = [0], sizes = [1], strides = [1]} : vector<16xf32> to vector<1xf32>
        %squeeze3A_50 = vector.extract %slice3A_49[0] : f32 from vector<1xf32>
        %get3A_51 = arith.index_cast %add3A_41 : i32 to index
        %get3A_52 = arith.constant 0 : index
        %get3A_53 = tpu.vector_load %arg14[%get3A_51, %get3A_52] {strides = array<i32>} : memref<128x128xf32, #tpu.memory_space<vmem>>, vector<16xf32>,
        %get3A_54 = arith.index_cast %add3A_41 : i32 to index
        %get3A_55 = arith.constant 0 : index
        %get3A_56 = tpu.vector_load %arg15[%get3A_54, %get3A_55] {strides = array<i32>} : memref<128x128xf32, #tpu.memory_space<vmem>>, vector<16xf32>,
        %mul3A_57 = arith.mulf %get3A_53, %get3A_56 : vector<16xf32>
        %mul3A_58 = vector.broadcast %squeeze3A : f32 to vector<16xf32>
        %mul3A_59 = arith.mulf %mul3A_57, %mul3A_58 : vector<16xf32>
        %swap3A = arith.index_cast %add3A_41 : i32 to index
        %swap3A_60 = arith.constant 0 : index
        %swap3A_61 = tpu.vector_load %arg14[%swap3A, %swap3A_60] {strides = array<i32>} : memref<128x128xf32, #tpu.memory_space<vmem>>, vector<16xf32>,
        tpu.vector_store %arg14[%swap3A, %swap3A_60], %mul3A_59 {strides = array<i32>} : memref<128x128xf32, #tpu.memory_space<vmem>>, vector<16xf32>,
        %get3A_62 = arith.index_cast %add3A_41 : i32 to index
        %get3A_63 = arith.constant 16 : index
        %get3A_64 = tpu.vector_load %arg14[%get3A_62, %get3A_63] {strides = array<i32>} : memref<128x128xf32, #tpu.memory_space<vmem>>, vector<16xf32>,
        %get3A_65 = arith.index_cast %add3A_41 : i32 to index
        %get3A_66 = arith.constant 16 : index
        %get3A_67 = tpu.vector_load %arg15[%get3A_65, %get3A_66] {strides = array<i32>} : memref<128x128xf32, #tpu.memory_space<vmem>>, vector<16xf32>,
        %mul3A_68 = arith.mulf %get3A_64, %get3A_67 : vector<16xf32>
        %mul3A_69 = vector.broadcast %squeeze3A : f32 to vector<16xf32>
        %mul3A_70 = arith.mulf %mul3A_68, %mul3A_69 : vector<16xf32>
        %swap3A_71 = arith.index_cast %add3A_41 : i32 to index
        %swap3A_72 = arith.constant 16 : index
        %swap3A_73 = tpu.vector_load %arg14[%swap3A_71, %swap3A_72] {strides = array<i32>} : memref<128x128xf32, #tpu.memory_space<vmem>>, vector<16xf32>,
        tpu.vector_store %arg14[%swap3A_71, %swap3A_72], %mul3A_70 {strides = array<i32>} : memref<128x128xf32, #tpu.memory_space<vmem>>, vector<16xf32>,
        %get3A_74 = arith.index_cast %add3A_41 : i32 to index
        %get3A_75 = arith.constant 32 : index
        %get3A_76 = tpu.vector_load %arg14[%get3A_74, %get3A_75] {strides = array<i32>} : memref<128x128xf32, #tpu.memory_space<vmem>>, vector<16xf32>,
        %get3A_77 = arith.index_cast %add3A_41 : i32 to index
        %get3A_78 = arith.constant 32 : index
        %get3A_79 = tpu.vector_load %arg15[%get3A_77, %get3A_78] {strides = array<i32>} : memref<128x128xf32, #tpu.memory_space<vmem>>, vector<16xf32>,
        %mul3A_80 = arith.mulf %get3A_76, %get3A_79 : vector<16xf32>
        %mul3A_81 = vector.broadcast %squeeze3A : f32 to vector<16xf32>
        %mul3A_82 = arith.mulf %mul3A_80, %mul3A_81 : vector<16xf32>
        %swap3A_83 = arith.index_cast %add3A_41 : i32 to index
        %swap3A_84 = arith.constant 32 : index
        %swap3A_85 = tpu.vector_load %arg14[%swap3A_83, %swap3A_84] {strides = array<i32>} : memref<128x128xf32, #tpu.memory_space<vmem>>, vector<16xf32>,
        tpu.vector_store %arg14[%swap3A_83, %swap3A_84], %mul3A_82 {strides = array<i32>} : memref<128x128xf32, #tpu.memory_space<vmem>>, vector<16xf32>,
        %get3A_86 = arith.index_cast %add3A_41 : i32 to index
        %get3A_87 = arith.constant 48 : index
        %get3A_88 = tpu.vector_load %arg14[%get3A_86, %get3A_87] {strides = array<i32>} : memref<128x128xf32, #tpu.memory_space<vmem>>, vector<16xf32>,
        %get3A_89 = arith.index_cast %add3A_41 : i32 to index
        %get3A_90 = arith.constant 48 : index
        %get3A_91 = tpu.vector_load %arg15[%get3A_89, %get3A_90] {strides = array<i32>} : memref<128x128xf32, #tpu.memory_space<vmem>>, vector<16xf32>,
        %mul3A_92 = arith.mulf %get3A_88, %get3A_91 : vector<16xf32>
        %mul3A_93 = vector.broadcast %squeeze3A : f32 to vector<16xf32>
        %mul3A_94 = arith.mulf %mul3A_92, %mul3A_93 : vector<16xf32>
        %swap3A_95 = arith.index_cast %add3A_41 : i32 to index
        %swap3A_96 = arith.constant 48 : index
        %swap3A_97 = tpu.vector_load %arg14[%swap3A_95, %swap3A_96] {strides = array<i32>} : memref<128x128xf32, #tpu.memory_space<vmem>>, vector<16xf32>,
        tpu.vector_store %arg14[%swap3A_95, %swap3A_96], %mul3A_94 {strides = array<i32>} : memref<128x128xf32, #tpu.memory_space<vmem>>, vector<16xf32>,
        %get3A_98 = arith.index_cast %add3A_41 : i32 to index
        %get3A_99 = arith.constant 64 : index
        %get3A_100 = tpu.vector_load %arg14[%get3A_98, %get3A_99] {strides = array<i32>} : memref<128x128xf32, #tpu.memory_space<vmem>>, vector<16xf32>,
        %get3A_101 = arith.index_cast %add3A_41 : i32 to index
        %get3A_102 = arith.constant 64 : index
        %get3A_103 = tpu.vector_load %arg15[%get3A_101, %get3A_102] {strides = array<i32>} : memref<128x128xf32, #tpu.memory_space<vmem>>, vector<16xf32>,
        %mul3A_104 = arith.mulf %get3A_100, %get3A_103 : vector<16xf32>
        %mul3A_105 = vector.broadcast %squeeze3A_50 : f32 to vector<16xf32>
        %mul3A_106 = arith.mulf %mul3A_104, %mul3A_105 : vector<16xf32>
        %swap3A_107 = arith.index_cast %add3A_41 : i32 to index
        %swap3A_108 = arith.constant 64 : index
        %swap3A_109 = tpu.vector_load %arg14[%swap3A_107, %swap3A_108] {strides = array<i32>} : memref<128x128xf32, #tpu.memory_space<vmem>>, vector<16xf32>,
        tpu.vector_store %arg14[%swap3A_107, %swap3A_108], %mul3A_106 {strides = array<i32>} : memref<128x128xf32, #tpu.memory_space<vmem>>, vector<16xf32>,
        %get3A_110 = arith.index_cast %add3A_41 : i32 to index
        %get3A_111 = arith.constant 80 : index
        %get3A_112 = tpu.vector_load %arg14[%get3A_110, %get3A_111] {strides = array<i32>} : memref<128x128xf32, #tpu.memory_space<vmem>>, vector<16xf32>,
        %get3A_113 = arith.index_cast %add3A_41 : i32 to index
        %get3A_114 = arith.constant 80 : index
        %get3A_115 = tpu.vector_load %arg15[%get3A_113, %get3A_114] {strides = array<i32>} : memref<128x128xf32, #tpu.memory_space<vmem>>, vector<16xf32>,
        %mul3A_116 = arith.mulf %get3A_112, %get3A_115 : vector<16xf32>
        %mul3A_117 = vector.broadcast %squeeze3A_50 : f32 to vector<16xf32>
        %mul3A_118 = arith.mulf %mul3A_116, %mul3A_117 : vector<16xf32>
        %swap3A_119 = arith.index_cast %add3A_41 : i32 to index
        %swap3A_120 = arith.constant 80 : index
        %swap3A_121 = tpu.vector_load %arg14[%swap3A_119, %swap3A_120] {strides = array<i32>} : memref<128x128xf32, #tpu.memory_space<vmem>>, vector<16xf32>,
        tpu.vector_store %arg14[%swap3A_119, %swap3A_120], %mul3A_118 {strides = array<i32>} : memref<128x128xf32, #tpu.memory_space<vmem>>, vector<16xf32>,
        %get3A_122 = arith.index_cast %add3A_41 : i32 to index
        %get3A_123 = arith.constant 96 : index
        %get3A_124 = tpu.vector_load %arg14[%get3A_122, %get3A_123] {strides = array<i32>} : memref<128x128xf32, #tpu.memory_space<vmem>>, vector<16xf32>,
        %get3A_125 = arith.index_cast %add3A_41 : i32 to index
        %get3A_126 = arith.constant 96 : index
        %get3A_127 = tpu.vector_load %arg15[%get3A_125, %get3A_126] {strides = array<i32>} : memref<128x128xf32, #tpu.memory_space<vmem>>, vector<16xf32>,
        %mul3A_128 = arith.mulf %get3A_124, %get3A_127 : vector<16xf32>
        %mul3A_129 = vector.broadcast %squeeze3A_50 : f32 to vector<16xf32>
        %mul3A_130 = arith.mulf %mul3A_128, %mul3A_129 : vector<16xf32>
        %swap3A_131 = arith.index_cast %add3A_41 : i32 to index
        %swap3A_132 = arith.constant 96 : index
        %swap3A_133 = tpu.vector_load %arg14[%swap3A_131, %swap3A_132] {strides = array<i32>} : memref<128x128xf32, #tpu.memory_space<vmem>>, vector<16xf32>,
        tpu.vector_store %arg14[%swap3A_131, %swap3A_132], %mul3A_130 {strides = array<i32>} : memref<128x128xf32, #tpu.memory_space<vmem>>, vector<16xf32>,
        %get3A_134 = arith.index_cast %add3A_41 : i32 to index
        %get3A_135 = arith.constant 112 : index
        %get3A_136 = tpu.vector_load %arg14[%get3A_134, %get3A_135] {strides = array<i32>} : memref<128x128xf32, #tpu.memory_space<vmem>>, vector<16xf32>,
        %get3A_137 = arith.index_cast %add3A_41 : i32 to index
        %get3A_138 = arith.constant 112 : index
        %get3A_139 = tpu.vector_load %arg15[%get3A_137, %get3A_138] {strides = array<i32>} : memref<128x128xf32, #tpu.memory_space<vmem>>, vector<16xf32>,
        %mul3A_140 = arith.mulf %get3A_136, %get3A_139 : vector<16xf32>
        %mul3A_141 = vector.broadcast %squeeze3A_50 : f32 to vector<16xf32>
        %mul3A_142 = arith.mulf %mul3A_140, %mul3A_141 : vector<16xf32>
        %swap3A_143 = arith.index_cast %add3A_41 : i32 to index
        %swap3A_144 = arith.constant 112 : index
        %swap3A_145 = tpu.vector_load %arg14[%swap3A_143, %swap3A_144] {strides = array<i32>} : memref<128x128xf32, #tpu.memory_space<vmem>>, vector<16xf32>,
        tpu.vector_store %arg14[%swap3A_143, %swap3A_144], %mul3A_142 {strides = array<i32>} : memref<128x128xf32, #tpu.memory_space<vmem>>, vector<16xf32>,
      }
      %scan3A_36 = arith.constant 128 : i32
      "tpu.region"() ({
        %run_scoped3A = tpu.sem_alloc : memref<!tpu.dma_semaphore, #tpu.memory_space<semaphore_mem>>
        %dma_start3A = arith.constant 0 : i32
        %dma_start3A_37 = arith.constant 0 : i32
        %dma_start3A_38 = tpu.memref_slice %arg17[%dma_start3A, %dma_start3A_37] : memref<10240x128xf32, #tpu.memory_space<vmem_shared>> -> memref<10240x128xf32, #tpu.memory_space<vmem_shared>>
        tpu.enqueue_indirect_dma source(%arg14 : memref<128x128xf32, #tpu.memory_space<vmem>>) target(%dma_start3A_38 : memref<10240x128xf32, #tpu.memory_space<vmem_shared>>) offsets(%arg11 : memref<128xi32, #tpu.memory_space<vmem>>) semaphore(%run_scoped3A : memref<!tpu.dma_semaphore, #tpu.memory_space<semaphore_mem>>) {add = true}
        %dma_wait3A = arith.constant 0 : i32
        %dma_wait3A_39 = arith.constant 0 : i32
        %dma_wait3A_40 = tpu.memref_slice %arg17[%dma_wait3A, %dma_wait3A_39] : memref<10240x128xf32, #tpu.memory_space<vmem_shared>> -> memref<10240x128xf32, #tpu.memory_space<vmem_shared>>
        tpu.wait_indirect_dma semaphore(%run_scoped3A : memref<!tpu.dma_semaphore, #tpu.memory_space<semaphore_mem>>) src(%arg14 : memref<128x128xf32, #tpu.memory_space<vmem>>) dst(%dma_wait3A_40 : memref<10240x128xf32, #tpu.memory_space<vmem_shared>>)
        tpu.yield
      }) : () -> ()
    }
    %scan3A_6 = arith.constant 80 : i32
    %barrier3A_7 = arith.constant 0 : index
    tpu.barrier barrier_id(%barrier3A_7)
    %eq3A = arith.constant 0 : i32
    %eq3A_8 = arith.cmpi eq, %arg0, %eq3A : i32
    %convert_element_type3A = arith.extui %eq3A_8 : i1 to i32
    %cond3A = arith.constant 0 : i32
    %cond3A_9 = arith.cmpi ne, %convert_element_type3A, %cond3A : i32
    scf.if %cond3A_9 {
      "tpu.region"() ({
        %run_scoped3A = tpu.sem_alloc : memref<!tpu.dma_semaphore, #tpu.memory_space<semaphore_mem>>
        %dma_start3A = arith.constant 0 : i32
        %dma_start3A_15 = tpu.memref_slice %arg9[%mul3A_0, %dma_start3A] : memref<10240x128xf32, #tpu.memory_space<hbm>> -> memref<640x128xf32, #tpu.memory_space<hbm>>
        %dma_start3A_16 = arith.constant 0 : i32
        %dma_start3A_17 = tpu.memref_slice %arg17[%mul3A_0, %dma_start3A_16] : memref<10240x128xf32, #tpu.memory_space<vmem_shared>> -> memref<640x128xf32, #tpu.memory_space<vmem_shared>>
        tpu.enqueue_dma source(%dma_start3A_17 : memref<640x128xf32, #tpu.memory_space<vmem_shared>>) target(%dma_start3A_15 : memref<640x128xf32, #tpu.memory_space<hbm>>) target_semaphore(%run_scoped3A : memref<!tpu.dma_semaphore, #tpu.memory_space<semaphore_mem>>)
        %dma_wait3A = arith.constant 0 : i32
        %dma_wait3A_18 = tpu.memref_slice %arg9[%mul3A_0, %dma_wait3A] : memref<10240x128xf32, #tpu.memory_space<hbm>> -> memref<640x128xf32, #tpu.memory_space<hbm>>
        %dma_wait3A_19 = arith.constant 0 : i32
        %dma_wait3A_20 = tpu.memref_slice %arg17[%mul3A_0, %dma_wait3A_19] : memref<10240x128xf32, #tpu.memory_space<vmem_shared>> -> memref<640x128xf32, #tpu.memory_space<vmem_shared>>
        tpu.wait_dma2 semaphore(%run_scoped3A : memref<!tpu.dma_semaphore, #tpu.memory_space<semaphore_mem>>) src(%dma_wait3A_20 : memref<640x128xf32, #tpu.memory_space<vmem_shared>>) dst(%dma_wait3A_18 : memref<640x128xf32, #tpu.memory_space<hbm>>)
        tpu.yield
      }) : () -> ()
    } else {
    }
    %eq3A_10 = arith.constant 1 : i32
    %eq3A_11 = arith.cmpi eq, %arg0, %eq3A_10 : i32
    %convert_element_type3A_12 = arith.extui %eq3A_11 : i1 to i32
    %cond3A_13 = arith.constant 0 : i32
    %cond3A_14 = arith.cmpi ne, %convert_element_type3A_12, %cond3A_13 : i32
    scf.if %cond3A_14 {
      "tpu.region"() ({
        %run_scoped3A = tpu.sem_alloc : memref<!tpu.dma_semaphore, #tpu.memory_space<semaphore_mem>>
        %dma_start3A = arith.constant 0 : i32
        %dma_start3A_15 = tpu.memref_slice %arg10[%mul3A_0, %dma_start3A] : memref<10240x128xf32, #tpu.memory_space<hbm>> -> memref<640x128xf32, #tpu.memory_space<hbm>>
        %dma_start3A_16 = arith.constant 0 : i32
        %dma_start3A_17 = tpu.memref_slice %arg17[%mul3A_0, %dma_start3A_16] : memref<10240x128xf32, #tpu.memory_space<vmem_shared>> -> memref<640x128xf32, #tpu.memory_space<vmem_shared>>
        tpu.enqueue_dma source(%dma_start3A_17 : memref<640x128xf32, #tpu.memory_space<vmem_shared>>) target(%dma_start3A_15 : memref<640x128xf32, #tpu.memory_space<hbm>>) target_semaphore(%run_scoped3A : memref<!tpu.dma_semaphore, #tpu.memory_space<semaphore_mem>>)
        %dma_wait3A = arith.constant 0 : i32
        %dma_wait3A_18 = tpu.memref_slice %arg10[%mul3A_0, %dma_wait3A] : memref<10240x128xf32, #tpu.memory_space<hbm>> -> memref<640x128xf32, #tpu.memory_space<hbm>>
        %dma_wait3A_19 = arith.constant 0 : i32
        %dma_wait3A_20 = tpu.memref_slice %arg17[%mul3A_0, %dma_wait3A_19] : memref<10240x128xf32, #tpu.memory_space<vmem_shared>> -> memref<640x128xf32, #tpu.memory_space<vmem_shared>>
        tpu.wait_dma2 semaphore(%run_scoped3A : memref<!tpu.dma_semaphore, #tpu.memory_space<semaphore_mem>>) src(%dma_wait3A_20 : memref<640x128xf32, #tpu.memory_space<vmem_shared>>) dst(%dma_wait3A_18 : memref<640x128xf32, #tpu.memory_space<hbm>>)
        tpu.yield
      }) : () -> ()
    } else {
    }
    return
  }
}

module attributes {stable_mosaic.version = 14 : i64} {
  func.func @_prep_body(%arg0: i32, %arg1: memref<1024x128xf32, #tpu.memory_space<vmem>>, %arg2: memref<128x256xf32, #tpu.memory_space<vmem>>, %arg3: memref<192x64xf32, #tpu.memory_space<vmem>>, %arg4: memref<1x64xf32, #tpu.memory_space<vmem>>, %arg5: memref<1024x256xf32, #tpu.memory_space<vmem>>, %arg6: memref<1024x256xf32, #tpu.memory_space<vmem>>, %arg7: memref<1024x256xf32, #tpu.memory_space<vmem>>, %arg8: memref<1024x256xf32, #tpu.memory_space<vmem>>, %arg9: memref<1024x128xf32, #tpu.memory_space<vmem>>, %arg10: memref<1024x128xf32, #tpu.memory_space<vmem>>) attributes {dimension_semantics = [#tpu.dimension_semantics<arbitrary>], iteration_bounds = array<i64: 10>, scalar_prefetch = 0 : i64, scratch_operands = 0 : i64, tpu.core_type = #tpu.core_type<tc>, window_params = [{transform_indices = @transform_0, window_bounds = array<i64: 1024, 128>}, {pipeline_mode = #tpu.pipeline_mode<synchronous>, transform_indices = @transform_1, window_bounds = array<i64: 128, 256>}, {pipeline_mode = #tpu.pipeline_mode<synchronous>, transform_indices = @transform_2, window_bounds = array<i64: 192, 64>}, {pipeline_mode = #tpu.pipeline_mode<synchronous>, transform_indices = @transform_3, window_bounds = array<i64: 1, 64>}, {transform_indices = @transform_4, window_bounds = array<i64: 1024, 256>}, {transform_indices = @transform_5, window_bounds = array<i64: 1024, 256>}, {transform_indices = @transform_6, window_bounds = array<i64: 1024, 256>}, {transform_indices = @transform_7, window_bounds = array<i64: 1024, 256>}, {transform_indices = @transform_8, window_bounds = array<i64: 1024, 128>}, {transform_indices = @transform_9, window_bounds = array<i64: 1024, 128>}]} {
    %get3A = arith.constant 0 : index
    %get3A_0 = arith.constant 0 : index
    %get3A_1 = vector.load %arg1[%get3A, %get3A_0] : memref<1024x128xf32, #tpu.memory_space<vmem>>, vector<1024x128xf32>
    %get3A_2 = arith.constant 0 : index
    %get3A_3 = arith.constant 0 : index
    %get3A_4 = vector.load %arg2[%get3A_2, %get3A_3] : memref<128x256xf32, #tpu.memory_space<vmem>>, vector<128x256xf32>
    %dot_general3A = arith.constant dense<0.000000e+00> : vector<1024x256xf32>
    %dot_general3A_5 = tpu.matmul %get3A_1, %get3A_4, %dot_general3A {dimension_numbers = #tpu.dot_dimension_numbers<[1], [0], [0], [1], [0, 0, 1, 1], [], []>, transpose_lhs_hint = false} : vector<1024x128xf32>, vector<128x256xf32>, vector<1024x256xf32> -> vector<1024x256xf32>
    %swap3A = arith.constant 0 : index
    %swap3A_6 = arith.constant 0 : index
    %swap3A_7 = vector.load %arg5[%swap3A, %swap3A_6] : memref<1024x256xf32, #tpu.memory_space<vmem>>, vector<1024x256xf32>
    tpu.vector_store %arg5[%swap3A, %swap3A_6], %dot_general3A_5 {strides = array<i32>} : memref<1024x256xf32, #tpu.memory_space<vmem>>, vector<1024x256xf32>,
    %slice3A = vector.extract_strided_slice %dot_general3A_5 {offsets = [0, 0], sizes = [1024, 128], strides = [1, 1]} : vector<1024x256xf32> to vector<1024x128xf32>
    %swap3A_8 = arith.constant 0 : index
    %swap3A_9 = arith.constant 0 : index
    %swap3A_10 = vector.load %arg9[%swap3A_8, %swap3A_9] : memref<1024x128xf32, #tpu.memory_space<vmem>>, vector<1024x128xf32>
    tpu.vector_store %arg9[%swap3A_8, %swap3A_9], %slice3A {strides = array<i32>} : memref<1024x128xf32, #tpu.memory_space<vmem>>, vector<1024x128xf32>,
    %slice3A_11 = vector.extract_strided_slice %dot_general3A_5 {offsets = [0, 128], sizes = [1024, 128], strides = [1, 1]} : vector<1024x256xf32> to vector<1024x128xf32>
    %swap3A_12 = arith.constant 0 : index
    %swap3A_13 = arith.constant 0 : index
    %swap3A_14 = vector.load %arg10[%swap3A_12, %swap3A_13] : memref<1024x128xf32, #tpu.memory_space<vmem>>, vector<1024x128xf32>
    tpu.vector_store %arg10[%swap3A_12, %swap3A_13], %slice3A_11 {strides = array<i32>} : memref<1024x128xf32, #tpu.memory_space<vmem>>, vector<1024x128xf32>,
    %get3A_15 = arith.constant 0 : index
    %get3A_16 = arith.constant 0 : index
    %get3A_17 = vector.load %arg3[%get3A_15, %get3A_16] : memref<192x64xf32, #tpu.memory_space<vmem>>, vector<64x64xf32>
    %get3A_18 = arith.constant 64 : index
    %get3A_19 = arith.constant 0 : index
    %get3A_20 = vector.load %arg3[%get3A_18, %get3A_19] : memref<192x64xf32, #tpu.memory_space<vmem>>, vector<64x64xf32>
    %get3A_21 = arith.constant 128 : index
    %get3A_22 = arith.constant 0 : index
    %get3A_23 = vector.load %arg3[%get3A_21, %get3A_22] : memref<192x64xf32, #tpu.memory_space<vmem>>, vector<64x64xf32>
    %slice3A_24 = vector.extract_strided_slice %dot_general3A_5 {offsets = [0, 0], sizes = [1024, 64], strides = [1, 1]} : vector<1024x256xf32> to vector<1024x64xf32>
    %dot_general3A_25 = arith.constant dense<0.000000e+00> : vector<1024x64xf32>
    %dot_general3A_26 = tpu.matmul %slice3A_24, %get3A_17, %dot_general3A_25 {dimension_numbers = #tpu.dot_dimension_numbers<[1], [0], [0], [1], [0, 0, 1, 1], [], []>, transpose_lhs_hint = false} : vector<1024x64xf32>, vector<64x64xf32>, vector<1024x64xf32> -> vector<1024x64xf32>
    %get3A_27 = arith.constant 0 : index
    %get3A_28 = arith.constant 0 : index
    %get3A_29 = vector.load %arg4[%get3A_27, %get3A_28] : memref<1x64xf32, #tpu.memory_space<vmem>>, vector<1x64xf32>
    %add3A = vector.broadcast %get3A_29 : vector<1x64xf32> to vector<1024x64xf32>
    %add3A_30 = arith.addf %dot_general3A_26, %add3A : vector<1024x64xf32>
    %swap3A_31 = arith.constant 0 : index
    %swap3A_32 = arith.constant 0 : index
    %swap3A_33 = vector.load %arg6[%swap3A_31, %swap3A_32] : memref<1024x256xf32, #tpu.memory_space<vmem>>, vector<1024x64xf32>
    tpu.vector_store %arg6[%swap3A_31, %swap3A_32], %add3A_30 {strides = array<i32>} : memref<1024x256xf32, #tpu.memory_space<vmem>>, vector<1024x64xf32>,
    %dot_general3A_34 = arith.constant dense<0.000000e+00> : vector<1024x64xf32>
    %dot_general3A_35 = tpu.matmul %slice3A_24, %get3A_20, %dot_general3A_34 {dimension_numbers = #tpu.dot_dimension_numbers<[1], [0], [0], [1], [0, 0, 1, 1], [], []>, transpose_lhs_hint = false} : vector<1024x64xf32>, vector<64x64xf32>, vector<1024x64xf32> -> vector<1024x64xf32>
    %swap3A_36 = arith.constant 0 : index
    %swap3A_37 = arith.constant 0 : index
    %swap3A_38 = vector.load %arg7[%swap3A_36, %swap3A_37] : memref<1024x256xf32, #tpu.memory_space<vmem>>, vector<1024x64xf32>
    tpu.vector_store %arg7[%swap3A_36, %swap3A_37], %dot_general3A_35 {strides = array<i32>} : memref<1024x256xf32, #tpu.memory_space<vmem>>, vector<1024x64xf32>,
    %dot_general3A_39 = arith.constant dense<0.000000e+00> : vector<1024x64xf32>
    %dot_general3A_40 = tpu.matmul %slice3A_24, %get3A_23, %dot_general3A_39 {dimension_numbers = #tpu.dot_dimension_numbers<[1], [0], [0], [1], [0, 0, 1, 1], [], []>, transpose_lhs_hint = false} : vector<1024x64xf32>, vector<64x64xf32>, vector<1024x64xf32> -> vector<1024x64xf32>
    %swap3A_41 = arith.constant 0 : index
    %swap3A_42 = arith.constant 0 : index
    %swap3A_43 = vector.load %arg8[%swap3A_41, %swap3A_42] : memref<1024x256xf32, #tpu.memory_space<vmem>>, vector<1024x64xf32>
    tpu.vector_store %arg8[%swap3A_41, %swap3A_42], %dot_general3A_40 {strides = array<i32>} : memref<1024x256xf32, #tpu.memory_space<vmem>>, vector<1024x64xf32>,
    %slice3A_44 = vector.extract_strided_slice %dot_general3A_5 {offsets = [0, 64], sizes = [1024, 64], strides = [1, 1]} : vector<1024x256xf32> to vector<1024x64xf32>
    %dot_general3A_45 = arith.constant dense<0.000000e+00> : vector<1024x64xf32>
    %dot_general3A_46 = tpu.matmul %slice3A_44, %get3A_17, %dot_general3A_45 {dimension_numbers = #tpu.dot_dimension_numbers<[1], [0], [0], [1], [0, 0, 1, 1], [], []>, transpose_lhs_hint = false} : vector<1024x64xf32>, vector<64x64xf32>, vector<1024x64xf32> -> vector<1024x64xf32>
    %get3A_47 = arith.constant 0 : index
    %get3A_48 = arith.constant 0 : index
    %get3A_49 = vector.load %arg4[%get3A_47, %get3A_48] : memref<1x64xf32, #tpu.memory_space<vmem>>, vector<1x64xf32>
    %add3A_50 = vector.broadcast %get3A_49 : vector<1x64xf32> to vector<1024x64xf32>
    %add3A_51 = arith.addf %dot_general3A_46, %add3A_50 : vector<1024x64xf32>
    %swap3A_52 = arith.constant 0 : index
    %swap3A_53 = arith.constant 64 : index
    %swap3A_54 = vector.load %arg6[%swap3A_52, %swap3A_53] : memref<1024x256xf32, #tpu.memory_space<vmem>>, vector<1024x64xf32>
    tpu.vector_store %arg6[%swap3A_52, %swap3A_53], %add3A_51 {strides = array<i32>} : memref<1024x256xf32, #tpu.memory_space<vmem>>, vector<1024x64xf32>,
    %dot_general3A_55 = arith.constant dense<0.000000e+00> : vector<1024x64xf32>
    %dot_general3A_56 = tpu.matmul %slice3A_44, %get3A_20, %dot_general3A_55 {dimension_numbers = #tpu.dot_dimension_numbers<[1], [0], [0], [1], [0, 0, 1, 1], [], []>, transpose_lhs_hint = false} : vector<1024x64xf32>, vector<64x64xf32>, vector<1024x64xf32> -> vector<1024x64xf32>
    %swap3A_57 = arith.constant 0 : index
    %swap3A_58 = arith.constant 64 : index
    %swap3A_59 = vector.load %arg7[%swap3A_57, %swap3A_58] : memref<1024x256xf32, #tpu.memory_space<vmem>>, vector<1024x64xf32>
    tpu.vector_store %arg7[%swap3A_57, %swap3A_58], %dot_general3A_56 {strides = array<i32>} : memref<1024x256xf32, #tpu.memory_space<vmem>>, vector<1024x64xf32>,
    %dot_general3A_60 = arith.constant dense<0.000000e+00> : vector<1024x64xf32>
    %dot_general3A_61 = tpu.matmul %slice3A_44, %get3A_23, %dot_general3A_60 {dimension_numbers = #tpu.dot_dimension_numbers<[1], [0], [0], [1], [0, 0, 1, 1], [], []>, transpose_lhs_hint = false} : vector<1024x64xf32>, vector<64x64xf32>, vector<1024x64xf32> -> vector<1024x64xf32>
    %swap3A_62 = arith.constant 0 : index
    %swap3A_63 = arith.constant 64 : index
    %swap3A_64 = vector.load %arg8[%swap3A_62, %swap3A_63] : memref<1024x256xf32, #tpu.memory_space<vmem>>, vector<1024x64xf32>
    tpu.vector_store %arg8[%swap3A_62, %swap3A_63], %dot_general3A_61 {strides = array<i32>} : memref<1024x256xf32, #tpu.memory_space<vmem>>, vector<1024x64xf32>,
    %slice3A_65 = vector.extract_strided_slice %dot_general3A_5 {offsets = [0, 128], sizes = [1024, 64], strides = [1, 1]} : vector<1024x256xf32> to vector<1024x64xf32>
    %dot_general3A_66 = arith.constant dense<0.000000e+00> : vector<1024x64xf32>
    %dot_general3A_67 = tpu.matmul %slice3A_65, %get3A_17, %dot_general3A_66 {dimension_numbers = #tpu.dot_dimension_numbers<[1], [0], [0], [1], [0, 0, 1, 1], [], []>, transpose_lhs_hint = false} : vector<1024x64xf32>, vector<64x64xf32>, vector<1024x64xf32> -> vector<1024x64xf32>
    %get3A_68 = arith.constant 0 : index
    %get3A_69 = arith.constant 0 : index
    %get3A_70 = vector.load %arg4[%get3A_68, %get3A_69] : memref<1x64xf32, #tpu.memory_space<vmem>>, vector<1x64xf32>
    %add3A_71 = vector.broadcast %get3A_70 : vector<1x64xf32> to vector<1024x64xf32>
    %add3A_72 = arith.addf %dot_general3A_67, %add3A_71 : vector<1024x64xf32>
    %swap3A_73 = arith.constant 0 : index
    %swap3A_74 = arith.constant 128 : index
    %swap3A_75 = vector.load %arg6[%swap3A_73, %swap3A_74] : memref<1024x256xf32, #tpu.memory_space<vmem>>, vector<1024x64xf32>
    tpu.vector_store %arg6[%swap3A_73, %swap3A_74], %add3A_72 {strides = array<i32>} : memref<1024x256xf32, #tpu.memory_space<vmem>>, vector<1024x64xf32>,
    %dot_general3A_76 = arith.constant dense<0.000000e+00> : vector<1024x64xf32>
    %dot_general3A_77 = tpu.matmul %slice3A_65, %get3A_20, %dot_general3A_76 {dimension_numbers = #tpu.dot_dimension_numbers<[1], [0], [0], [1], [0, 0, 1, 1], [], []>, transpose_lhs_hint = false} : vector<1024x64xf32>, vector<64x64xf32>, vector<1024x64xf32> -> vector<1024x64xf32>
    %swap3A_78 = arith.constant 0 : index
    %swap3A_79 = arith.constant 128 : index
    %swap3A_80 = vector.load %arg7[%swap3A_78, %swap3A_79] : memref<1024x256xf32, #tpu.memory_space<vmem>>, vector<1024x64xf32>
    tpu.vector_store %arg7[%swap3A_78, %swap3A_79], %dot_general3A_77 {strides = array<i32>} : memref<1024x256xf32, #tpu.memory_space<vmem>>, vector<1024x64xf32>,
    %dot_general3A_81 = arith.constant dense<0.000000e+00> : vector<1024x64xf32>
    %dot_general3A_82 = tpu.matmul %slice3A_65, %get3A_23, %dot_general3A_81 {dimension_numbers = #tpu.dot_dimension_numbers<[1], [0], [0], [1], [0, 0, 1, 1], [], []>, transpose_lhs_hint = false} : vector<1024x64xf32>, vector<64x64xf32>, vector<1024x64xf32> -> vector<1024x64xf32>
    %swap3A_83 = arith.constant 0 : index
    %swap3A_84 = arith.constant 128 : index
    %swap3A_85 = vector.load %arg8[%swap3A_83, %swap3A_84] : memref<1024x256xf32, #tpu.memory_space<vmem>>, vector<1024x64xf32>
    tpu.vector_store %arg8[%swap3A_83, %swap3A_84], %dot_general3A_82 {strides = array<i32>} : memref<1024x256xf32, #tpu.memory_space<vmem>>, vector<1024x64xf32>,
    %slice3A_86 = vector.extract_strided_slice %dot_general3A_5 {offsets = [0, 192], sizes = [1024, 64], strides = [1, 1]} : vector<1024x256xf32> to vector<1024x64xf32>
    %dot_general3A_87 = arith.constant dense<0.000000e+00> : vector<1024x64xf32>
    %dot_general3A_88 = tpu.matmul %slice3A_86, %get3A_17, %dot_general3A_87 {dimension_numbers = #tpu.dot_dimension_numbers<[1], [0], [0], [1], [0, 0, 1, 1], [], []>, transpose_lhs_hint = false} : vector<1024x64xf32>, vector<64x64xf32>, vector<1024x64xf32> -> vector<1024x64xf32>
    %get3A_89 = arith.constant 0 : index
    %get3A_90 = arith.constant 0 : index
    %get3A_91 = vector.load %arg4[%get3A_89, %get3A_90] : memref<1x64xf32, #tpu.memory_space<vmem>>, vector<1x64xf32>
    %add3A_92 = vector.broadcast %get3A_91 : vector<1x64xf32> to vector<1024x64xf32>
    %add3A_93 = arith.addf %dot_general3A_88, %add3A_92 : vector<1024x64xf32>
    %swap3A_94 = arith.constant 0 : index
    %swap3A_95 = arith.constant 192 : index
    %swap3A_96 = vector.load %arg6[%swap3A_94, %swap3A_95] : memref<1024x256xf32, #tpu.memory_space<vmem>>, vector<1024x64xf32>
    tpu.vector_store %arg6[%swap3A_94, %swap3A_95], %add3A_93 {strides = array<i32>} : memref<1024x256xf32, #tpu.memory_space<vmem>>, vector<1024x64xf32>,
    %dot_general3A_97 = arith.constant dense<0.000000e+00> : vector<1024x64xf32>
    %dot_general3A_98 = tpu.matmul %slice3A_86, %get3A_20, %dot_general3A_97 {dimension_numbers = #tpu.dot_dimension_numbers<[1], [0], [0], [1], [0, 0, 1, 1], [], []>, transpose_lhs_hint = false} : vector<1024x64xf32>, vector<64x64xf32>, vector<1024x64xf32> -> vector<1024x64xf32>
    %swap3A_99 = arith.constant 0 : index
    %swap3A_100 = arith.constant 192 : index
    %swap3A_101 = vector.load %arg7[%swap3A_99, %swap3A_100] : memref<1024x256xf32, #tpu.memory_space<vmem>>, vector<1024x64xf32>
    tpu.vector_store %arg7[%swap3A_99, %swap3A_100], %dot_general3A_98 {strides = array<i32>} : memref<1024x256xf32, #tpu.memory_space<vmem>>, vector<1024x64xf32>,
    %dot_general3A_102 = arith.constant dense<0.000000e+00> : vector<1024x64xf32>
    %dot_general3A_103 = tpu.matmul %slice3A_86, %get3A_23, %dot_general3A_102 {dimension_numbers = #tpu.dot_dimension_numbers<[1], [0], [0], [1], [0, 0, 1, 1], [], []>, transpose_lhs_hint = false} : vector<1024x64xf32>, vector<64x64xf32>, vector<1024x64xf32> -> vector<1024x64xf32>
    %swap3A_104 = arith.constant 0 : index
    %swap3A_105 = arith.constant 192 : index
    %swap3A_106 = vector.load %arg8[%swap3A_104, %swap3A_105] : memref<1024x256xf32, #tpu.memory_space<vmem>>, vector<1024x64xf32>
    tpu.vector_store %arg8[%swap3A_104, %swap3A_105], %dot_general3A_103 {strides = array<i32>} : memref<1024x256xf32, #tpu.memory_space<vmem>>, vector<1024x64xf32>,
    return
  }
  func.func @transform_0(%arg0: i32) -> (i32, i32) {
    %c0_i32 = arith.constant 0 : i32
    %c0_i32_0 = arith.constant 0 : i32
    return %arg0, %c0_i32 : i32, i32
  }
  func.func @transform_1(%arg0: i32) -> (i32, i32) {
    %c0_i32 = arith.constant 0 : i32
    %c0_i32_0 = arith.constant 0 : i32
    %c0_i32_1 = arith.constant 0 : i32
    return %c0_i32, %c0_i32_0 : i32, i32
  }
  func.func @transform_2(%arg0: i32) -> (i32, i32) {
    %c0_i32 = arith.constant 0 : i32
    %c0_i32_0 = arith.constant 0 : i32
    %c0_i32_1 = arith.constant 0 : i32
    return %c0_i32, %c0_i32_0 : i32, i32
  }
  func.func @transform_3(%arg0: i32) -> (i32, i32) {
    %c0_i32 = arith.constant 0 : i32
    %c0_i32_0 = arith.constant 0 : i32
    %c0_i32_1 = arith.constant 0 : i32
    return %c0_i32, %c0_i32_0 : i32, i32
  }
  func.func @transform_4(%arg0: i32) -> (i32, i32) {
    %c0_i32 = arith.constant 0 : i32
    %c0_i32_0 = arith.constant 0 : i32
    return %arg0, %c0_i32 : i32, i32
  }
  func.func @transform_5(%arg0: i32) -> (i32, i32) {
    %c0_i32 = arith.constant 0 : i32
    %c0_i32_0 = arith.constant 0 : i32
    return %arg0, %c0_i32 : i32, i32
  }
  func.func @transform_6(%arg0: i32) -> (i32, i32) {
    %c0_i32 = arith.constant 0 : i32
    %c0_i32_0 = arith.constant 0 : i32
    return %arg0, %c0_i32 : i32, i32
  }
  func.func @transform_7(%arg0: i32) -> (i32, i32) {
    %c0_i32 = arith.constant 0 : i32
    %c0_i32_0 = arith.constant 0 : i32
    return %arg0, %c0_i32 : i32, i32
  }
  func.func @transform_8(%arg0: i32) -> (i32, i32) {
    %c0_i32 = arith.constant 0 : i32
    %c0_i32_0 = arith.constant 0 : i32
    return %arg0, %c0_i32 : i32, i32
  }
  func.func @transform_9(%arg0: i32) -> (i32, i32) {
    %c0_i32 = arith.constant 0 : i32
    %c0_i32_0 = arith.constant 0 : i32
    return %arg0, %c0_i32 : i32, i32
  }
}

module attributes {stable_mosaic.version = 14 : i64} {
  func.func @_fin_body(%arg0: i32, %arg1: memref<1000x128xf32, #tpu.memory_space<vmem>>, %arg2: memref<2x1000x128xf32, #tpu.memory_space<vmem>>, %arg3: memref<1x64xf32, #tpu.memory_space<vmem>>, %arg4: memref<1x64xf32, #tpu.memory_space<vmem>>, %arg5: memref<1000x64xf32, #tpu.memory_space<vmem>>) attributes {dimension_semantics = [#tpu.dimension_semantics<arbitrary>], iteration_bounds = array<i64: 10>, scalar_prefetch = 0 : i64, scratch_operands = 0 : i64, tpu.core_type = #tpu.core_type<tc>, window_params = [{transform_indices = @transform_0, window_bounds = array<i64: 1000, 128>}, {transform_indices = @transform_1, window_bounds = array<i64: 2, 1000, 128>}, {pipeline_mode = #tpu.pipeline_mode<synchronous>, transform_indices = @transform_2, window_bounds = array<i64: 1, 64>}, {pipeline_mode = #tpu.pipeline_mode<synchronous>, transform_indices = @transform_3, window_bounds = array<i64: 1, 64>}, {transform_indices = @transform_4, window_bounds = array<i64: 1000, 64>}]} {
    %get3A = arith.constant 0 : index
    %get3A_0 = arith.constant 0 : index
    %get3A_1 = vector.load %arg1[%get3A, %get3A_0] : memref<1000x128xf32, #tpu.memory_space<vmem>>, vector<1000x64xf32>
    %get3A_2 = arith.constant 0 : index
    %get3A_3 = arith.constant 0 : index
    %get3A_4 = vector.load %arg3[%get3A_2, %get3A_3] : memref<1x64xf32, #tpu.memory_space<vmem>>, vector<1x64xf32>
    %get3A_5 = vector.shape_cast %get3A_4 : vector<1x64xf32> to vector<64xf32>
    %broadcast_in_dim3A = vector.shape_cast %get3A_5 : vector<64xf32> to vector<1x64xf32>
    %mul3A = vector.broadcast %broadcast_in_dim3A : vector<1x64xf32> to vector<1000x64xf32>
    %mul3A_6 = arith.mulf %mul3A, %get3A_1 : vector<1000x64xf32>
    %get3A_7 = arith.constant 0 : index
    %get3A_8 = arith.constant 0 : index
    %get3A_9 = arith.constant 0 : index
    %get3A_10 = vector.load %arg2[%get3A_7, %get3A_8, %get3A_9] : memref<2x1000x128xf32, #tpu.memory_space<vmem>>, vector<1x1000x64xf32>
    %get3A_11 = vector.shape_cast %get3A_10 : vector<1x1000x64xf32> to vector<1000x64xf32>
    %add3A = arith.addf %mul3A_6, %get3A_11 : vector<1000x64xf32>
    %get3A_12 = arith.constant 1 : index
    %get3A_13 = arith.constant 0 : index
    %get3A_14 = arith.constant 0 : index
    %get3A_15 = vector.load %arg2[%get3A_12, %get3A_13, %get3A_14] : memref<2x1000x128xf32, #tpu.memory_space<vmem>>, vector<1x1000x64xf32>
    %get3A_16 = vector.shape_cast %get3A_15 : vector<1x1000x64xf32> to vector<1000x64xf32>
    %add3A_17 = arith.addf %add3A, %get3A_16 : vector<1000x64xf32>
    %get3A_18 = arith.constant 0 : index
    %get3A_19 = arith.constant 0 : index
    %get3A_20 = vector.load %arg4[%get3A_18, %get3A_19] : memref<1x64xf32, #tpu.memory_space<vmem>>, vector<1x64xf32>
    %get3A_21 = vector.shape_cast %get3A_20 : vector<1x64xf32> to vector<64xf32>
    %broadcast_in_dim3A_22 = vector.shape_cast %get3A_21 : vector<64xf32> to vector<1x64xf32>
    %add3A_23 = vector.broadcast %broadcast_in_dim3A_22 : vector<1x64xf32> to vector<1000x64xf32>
    %add3A_24 = arith.addf %add3A_17, %add3A_23 : vector<1000x64xf32>
    %swap3A = arith.constant 0 : index
    %swap3A_25 = arith.constant 0 : index
    %swap3A_26 = vector.load %arg5[%swap3A, %swap3A_25] : memref<1000x64xf32, #tpu.memory_space<vmem>>, vector<1000x64xf32>
    tpu.vector_store %arg5[%swap3A, %swap3A_25], %add3A_24 {strides = array<i32>} : memref<1000x64xf32, #tpu.memory_space<vmem>>, vector<1000x64xf32>,
    return
  }
  func.func @transform_0(%arg0: i32) -> (i32, i32) {
    %c0_i32 = arith.constant 0 : i32
    %c0_i32_0 = arith.constant 0 : i32
    return %arg0, %c0_i32 : i32, i32
  }
  func.func @transform_1(%arg0: i32) -> (i32, i32, i32) {
    %c0_i32 = arith.constant 0 : i32
    %c0_i32_0 = arith.constant 0 : i32
    %c0_i32_1 = arith.constant 0 : i32
    return %c0_i32, %arg0, %c0_i32_0 : i32, i32, i32
  }
  func.func @transform_2(%arg0: i32) -> (i32, i32) {
    %c0_i32 = arith.constant 0 : i32
    %c0_i32_0 = arith.constant 0 : i32
    %c0_i32_1 = arith.constant 0 : i32
    return %c0_i32, %c0_i32_0 : i32, i32
  }
  func.func @transform_3(%arg0: i32) -> (i32, i32) {
    %c0_i32 = arith.constant 0 : i32
    %c0_i32_0 = arith.constant 0 : i32
    %c0_i32_1 = arith.constant 0 : i32
    return %c0_i32, %c0_i32_0 : i32, i32
  }
  func.func @transform_4(%arg0: i32) -> (i32, i32) {
    %c0_i32 = arith.constant 0 : i32
    %c0_i32_0 = arith.constant 0 : i32
    return %arg0, %c0_i32 : i32, i32
  }
}

module attributes {stable_mosaic.version = 14 : i64} {
  func.func @_mid_body(%arg0: i32, %arg1: memref<1024x256xf32, #tpu.memory_space<vmem>>, %arg2: memref<1024x128xf32, #tpu.memory_space<vmem>>, %arg3: memref<1024x128xf32, #tpu.memory_space<vmem>>, %arg4: memref<1x256xf32, #tpu.memory_space<vmem>>, %arg5: memref<1x256xf32, #tpu.memory_space<vmem>>, %arg6: memref<256x64xf32, #tpu.memory_space<vmem>>, %arg7: memref<1024x128xf32, #tpu.memory_space<vmem>>) attributes {dimension_semantics = [#tpu.dimension_semantics<arbitrary>], iteration_bounds = array<i64: 10>, scalar_prefetch = 0 : i64, scratch_operands = 0 : i64, tpu.core_type = #tpu.core_type<tc>, window_params = [{transform_indices = @transform_0, window_bounds = array<i64: 1024, 256>}, {transform_indices = @transform_1, window_bounds = array<i64: 1024, 128>}, {transform_indices = @transform_2, window_bounds = array<i64: 1024, 128>}, {pipeline_mode = #tpu.pipeline_mode<synchronous>, transform_indices = @transform_3, window_bounds = array<i64: 1, 256>}, {pipeline_mode = #tpu.pipeline_mode<synchronous>, transform_indices = @transform_4, window_bounds = array<i64: 1, 256>}, {pipeline_mode = #tpu.pipeline_mode<synchronous>, transform_indices = @transform_5, window_bounds = array<i64: 256, 64>}, {transform_indices = @transform_6, window_bounds = array<i64: 1024, 128>}]} {
    %get3A = arith.constant 0 : index
    %get3A_0 = arith.constant 0 : index
    %get3A_1 = vector.load %arg4[%get3A, %get3A_0] : memref<1x256xf32, #tpu.memory_space<vmem>>, vector<1x128xf32>
    %get3A_2 = vector.shape_cast %get3A_1 : vector<1x128xf32> to vector<128xf32>
    %get3A_3 = arith.constant 0 : index
    %get3A_4 = arith.constant 0 : index
    %get3A_5 = vector.load %arg1[%get3A_3, %get3A_4] : memref<1024x256xf32, #tpu.memory_space<vmem>>, vector<1024x128xf32>
    %broadcast_in_dim3A = vector.shape_cast %get3A_2 : vector<128xf32> to vector<1x128xf32>
    %mul3A = vector.broadcast %broadcast_in_dim3A : vector<1x128xf32> to vector<1024x128xf32>
    %mul3A_6 = arith.mulf %mul3A, %get3A_5 : vector<1024x128xf32>
    %get3A_7 = arith.constant 0 : index
    %get3A_8 = arith.constant 0 : index
    %get3A_9 = vector.load %arg2[%get3A_7, %get3A_8] : memref<1024x128xf32, #tpu.memory_space<vmem>>, vector<1024x128xf32>
    %add3A = arith.addf %mul3A_6, %get3A_9 : vector<1024x128xf32>
    %get3A_10 = arith.constant 0 : index
    %get3A_11 = arith.constant 0 : index
    %get3A_12 = vector.load %arg5[%get3A_10, %get3A_11] : memref<1x256xf32, #tpu.memory_space<vmem>>, vector<1x128xf32>
    %get3A_13 = vector.shape_cast %get3A_12 : vector<1x128xf32> to vector<128xf32>
    %broadcast_in_dim3A_14 = vector.shape_cast %get3A_13 : vector<128xf32> to vector<1x128xf32>
    %add3A_15 = vector.broadcast %broadcast_in_dim3A_14 : vector<1x128xf32> to vector<1024x128xf32>
    %add3A_16 = arith.addf %add3A, %add3A_15 : vector<1024x128xf32>
    %get3A_17 = arith.constant 0 : index
    %get3A_18 = arith.constant 128 : index
    %get3A_19 = vector.load %arg4[%get3A_17, %get3A_18] : memref<1x256xf32, #tpu.memory_space<vmem>>, vector<1x128xf32>
    %get3A_20 = vector.shape_cast %get3A_19 : vector<1x128xf32> to vector<128xf32>
    %get3A_21 = arith.constant 0 : index
    %get3A_22 = arith.constant 128 : index
    %get3A_23 = vector.load %arg1[%get3A_21, %get3A_22] : memref<1024x256xf32, #tpu.memory_space<vmem>>, vector<1024x128xf32>
    %broadcast_in_dim3A_24 = vector.shape_cast %get3A_20 : vector<128xf32> to vector<1x128xf32>
    %mul3A_25 = vector.broadcast %broadcast_in_dim3A_24 : vector<1x128xf32> to vector<1024x128xf32>
    %mul3A_26 = arith.mulf %mul3A_25, %get3A_23 : vector<1024x128xf32>
    %get3A_27 = arith.constant 0 : index
    %get3A_28 = arith.constant 0 : index
    %get3A_29 = vector.load %arg3[%get3A_27, %get3A_28] : memref<1024x128xf32, #tpu.memory_space<vmem>>, vector<1024x128xf32>
    %add3A_30 = arith.addf %mul3A_26, %get3A_29 : vector<1024x128xf32>
    %get3A_31 = arith.constant 0 : index
    %get3A_32 = arith.constant 128 : index
    %get3A_33 = vector.load %arg5[%get3A_31, %get3A_32] : memref<1x256xf32, #tpu.memory_space<vmem>>, vector<1x128xf32>
    %get3A_34 = vector.shape_cast %get3A_33 : vector<1x128xf32> to vector<128xf32>
    %broadcast_in_dim3A_35 = vector.shape_cast %get3A_34 : vector<128xf32> to vector<1x128xf32>
    %add3A_36 = vector.broadcast %broadcast_in_dim3A_35 : vector<1x128xf32> to vector<1024x128xf32>
    %add3A_37 = arith.addf %add3A_30, %add3A_36 : vector<1024x128xf32>
    %gt3A = arith.constant 0.000000e+00 : f32
    %gt3A_38 = vector.broadcast %gt3A : f32 to vector<1024x128xf32>
    %gt3A_39 = arith.cmpf ogt, %add3A_16, %gt3A_38 : vector<1024x128xf32>
    %min3A = arith.constant 0.000000e+00 : f32
    %min3A_40 = vector.broadcast %min3A : f32 to vector<1024x128xf32>
    %min3A_41 = arith.minimumf %add3A_16, %min3A_40 : vector<1024x128xf32>
    %exp3A = math.exp %min3A_41 : vector<1024x128xf32>
    %sub3A = arith.constant 1.000000e+00 : f32
    %sub3A_42 = vector.broadcast %sub3A : f32 to vector<1024x128xf32>
    %sub3A_43 = arith.subf %exp3A, %sub3A_42 : vector<1024x128xf32>
    %select_n3A = arith.select %gt3A_39, %add3A_16, %sub3A_43 : vector<1024x128xi1>, vector<1024x128xf32>
    %gt3A_44 = arith.constant 0.000000e+00 : f32
    %gt3A_45 = vector.broadcast %gt3A_44 : f32 to vector<1024x128xf32>
    %gt3A_46 = arith.cmpf ogt, %add3A_37, %gt3A_45 : vector<1024x128xf32>
    %min3A_47 = arith.constant 0.000000e+00 : f32
    %min3A_48 = vector.broadcast %min3A_47 : f32 to vector<1024x128xf32>
    %min3A_49 = arith.minimumf %add3A_37, %min3A_48 : vector<1024x128xf32>
    %exp3A_50 = math.exp %min3A_49 : vector<1024x128xf32>
    %sub3A_51 = arith.constant 1.000000e+00 : f32
    %sub3A_52 = vector.broadcast %sub3A_51 : f32 to vector<1024x128xf32>
    %sub3A_53 = arith.subf %exp3A_50, %sub3A_52 : vector<1024x128xf32>
    %select_n3A_54 = arith.select %gt3A_46, %add3A_37, %sub3A_53 : vector<1024x128xi1>, vector<1024x128xf32>
    %get3A_55 = arith.constant 0 : index
    %get3A_56 = arith.constant 0 : index
    %get3A_57 = vector.load %arg6[%get3A_55, %get3A_56] : memref<256x64xf32, #tpu.memory_space<vmem>>, vector<128x64xf32>
    %dot_general3A = arith.constant dense<0.000000e+00> : vector<1024x64xf32>
    %dot_general3A_58 = tpu.matmul %select_n3A, %get3A_57, %dot_general3A {dimension_numbers = #tpu.dot_dimension_numbers<[1], [0], [0], [1], [0, 0, 1, 1], [], []>, transpose_lhs_hint = false} : vector<1024x128xf32>, vector<128x64xf32>, vector<1024x64xf32> -> vector<1024x64xf32>
    %get3A_59 = arith.constant 128 : index
    %get3A_60 = arith.constant 0 : index
    %get3A_61 = vector.load %arg6[%get3A_59, %get3A_60] : memref<256x64xf32, #tpu.memory_space<vmem>>, vector<128x64xf32>
    %dot_general3A_62 = arith.constant dense<0.000000e+00> : vector<1024x64xf32>
    %dot_general3A_63 = tpu.matmul %select_n3A_54, %get3A_61, %dot_general3A_62 {dimension_numbers = #tpu.dot_dimension_numbers<[1], [0], [0], [1], [0, 0, 1, 1], [], []>, transpose_lhs_hint = false} : vector<1024x128xf32>, vector<128x64xf32>, vector<1024x64xf32> -> vector<1024x64xf32>
    %add3A_64 = arith.addf %dot_general3A_58, %dot_general3A_63 : vector<1024x64xf32>
    %mul3A_65 = arith.constant 1024 : i32
    %mul3A_66 = arith.muli %arg0, %mul3A_65 : i32
    %iota3A = tpu.iota {dimensions = array<i32: 0>} : vector<1024x1xi32>
    %add3A_67 = vector.broadcast %mul3A_66 : i32 to vector<1024x1xi32>
    %add3A_68 = arith.addi %add3A_67, %iota3A : vector<1024x1xi32>
    %lt3A = arith.constant 10000 : i32
    %lt3A_69 = vector.broadcast %lt3A : i32 to vector<1024x1xi32>
    %lt3A_70 = arith.cmpi slt, %add3A_68, %lt3A_69 : vector<1024x1xi32>
    %jit3A = arith.constant 0.000000e+00 : f32
    %broadcast_in_dim3A_71 = vector.shape_cast %lt3A_70 : vector<1024x1xi1> to vector<1024x1xi1>
    %broadcast_in_dim3A_72 = vector.broadcast %broadcast_in_dim3A_71 : vector<1024x1xi1> to vector<1024x64xi1>
    %broadcast_in_dim3A_73 = vector.broadcast %jit3A : f32 to vector<1024x64xf32>
    %select_n3A_74 = arith.select %broadcast_in_dim3A_72, %add3A_64, %broadcast_in_dim3A_73 : vector<1024x64xi1>, vector<1024x64xf32>
    %swap3A = arith.constant 0 : index
    %swap3A_75 = arith.constant 0 : index
    %swap3A_76 = vector.load %arg7[%swap3A, %swap3A_75] : memref<1024x128xf32, #tpu.memory_space<vmem>>, vector<1024x64xf32>
    tpu.vector_store %arg7[%swap3A, %swap3A_75], %select_n3A_74 {strides = array<i32>} : memref<1024x128xf32, #tpu.memory_space<vmem>>, vector<1024x64xf32>,
    %broadcast_in_dim3A_77 = arith.constant 0.000000e+00 : f32
    %broadcast_in_dim3A_78 = vector.broadcast %broadcast_in_dim3A_77 : f32 to vector<1024x64xf32>
    %swap3A_79 = arith.constant 0 : index
    %swap3A_80 = arith.constant 64 : index
    %swap3A_81 = vector.load %arg7[%swap3A_79, %swap3A_80] : memref<1024x128xf32, #tpu.memory_space<vmem>>, vector<1024x64xf32>
    tpu.vector_store %arg7[%swap3A_79, %swap3A_80], %broadcast_in_dim3A_78 {strides = array<i32>} : memref<1024x128xf32, #tpu.memory_space<vmem>>, vector<1024x64xf32>,
    return
  }
  func.func @transform_0(%arg0: i32) -> (i32, i32) {
    %c0_i32 = arith.constant 0 : i32
    %c0_i32_0 = arith.constant 0 : i32
    return %arg0, %c0_i32 : i32, i32
  }
  func.func @transform_1(%arg0: i32) -> (i32, i32) {
    %c0_i32 = arith.constant 0 : i32
    %c0_i32_0 = arith.constant 0 : i32
    return %arg0, %c0_i32 : i32, i32
  }
  func.func @transform_2(%arg0: i32) -> (i32, i32) {
    %c0_i32 = arith.constant 0 : i32
    %c0_i32_0 = arith.constant 0 : i32
    return %arg0, %c0_i32 : i32, i32
  }
  func.func @transform_3(%arg0: i32) -> (i32, i32) {
    %c0_i32 = arith.constant 0 : i32
    %c0_i32_0 = arith.constant 0 : i32
    %c0_i32_1 = arith.constant 0 : i32
    return %c0_i32, %c0_i32_0 : i32, i32
  }
  func.func @transform_4(%arg0: i32) -> (i32, i32) {
    %c0_i32 = arith.constant 0 : i32
    %c0_i32_0 = arith.constant 0 : i32
    %c0_i32_1 = arith.constant 0 : i32
    return %c0_i32, %c0_i32_0 : i32, i32
  }
  func.func @transform_5(%arg0: i32) -> (i32, i32) {
    %c0_i32 = arith.constant 0 : i32
    %c0_i32_0 = arith.constant 0 : i32
    %c0_i32_1 = arith.constant 0 : i32
    return %c0_i32, %c0_i32_0 : i32, i32
  }
  func.func @transform_6(%arg0: i32) -> (i32, i32) {
    %c0_i32 = arith.constant 0 : i32
    %c0_i32_0 = arith.constant 0 : i32
    return %arg0, %c0_i32 : i32, i32
  }
}

</mosaic_0001>

<sc_bundles>
// kernel: kernel.11.cloned.1.call-start
scs
__scs_entry_jumppad:
0x0: {  	(pc) =	sbr.rel $0x88, $3  }
0x1: {  	(tag) =	ssettag $0x0;
	lr =	simm.s32 $0x1  }
0x2: {  	[smem:$0x3F95] =	sst lr;
	_ =	strace $0xD0000000  }
0x3: {  	_ = 	snop  }
0x4: {  	_ = 	snop  }
0x5: {  	_ = 	snop  }
0x6: {  	_ = 	snop  }
0x7: {  	_ = 	snop  }
__scs_overlays_trampoline_lowered:
0x8: {  	[smem:$0x3FA4] =	sst s0  }
0x9: {  	[smem:$0x3FA5] =	sst s1  }
0xa: {  	[smem:$0x3FA6] =	sst s2  }
0xb: {  	[smem:$0x3FA7] =	sst s3  }
0xc: {  	[smem:$0x3FA8] =	sst s4  }
0xd: {  	[smem:$0x3FA9] =	sst s5  }
0xe: {  	[smem:$0x3FAA] =	sst s6  }
0xf: {  	[smem:$0x3FAB] =	sst s7  }
0x10: {  	[smem:$0x3FAC] =	sst s8  }
0x11: {  	[smem:$0x3FAD] =	sst s9;
	s0 =	simm.s32 @!p0 $0x0  }
0x12: {  	s1 =	sld [smem:$0x3F93];
	s0 =	simm.s32 @p0 $0x1  }
0x13: {  	[smem:$0x3FAE] =	sst s0;
	s0 =	simm.s32 @!p1 $0x0  }
0x14: {  	s2 =	sld [smem:$0x3F92];
	s0 =	simm.s32 @p1 $0x1  }
0x15: {  	[smem:$0x3FAF] =	sst s0;
	s0 =	simm.s32 @!p2 $0x0  }
0x16: {  	s3 =	sld [smem:$0x3FDB];
	s0 =	simm.s32 @p2 $0x1  }
0x17: {  	s4 =	simm.s32 $0x1BF5;
	[smem:$0x3FB1] =	sst s0  }
0x18: {  	s0 =	sld [smem:$0x3F94];
	_ =	swait.ge [sflag:s4], $0x0  }
0x19: {  	s7 =	sld [smem:$0x3F95]  }
0x1a: {  	s8 =	sadd.s32 $0xFFFFE003, lr  }
0x1b: {  	s9 =	sadd.s32 $0xFFFFFEF7, lr;
	s5 =	simm.s32 $0xFFFFFFFF;
	p2 =	slt.u32 s8, $0xFFFFF086  }
0x1c: {  	p1 =	slt.u32 s9, $0xF7A;
	s5 =	simm.s32 @!p2 $0x0  }
0x1d: {  	s5 =	simm.s32 @p1 $0x1;
	p0 =	seq.s32 s7, s2  }
0x1e: {  	s7 =	smul.u32 @!p0 $0xF7A, s2;
	p2 =	seq.s32 @!p0 s5, $0x0  }
0x1f: {  	s9 =	smul.u32 $0xF7A, s1;
	s8 =	simm.s32 @!p0 $0x1BF5;
	p2 =	por !p2, p0  }
0x20: {  	[sflag:s8] =	ssyncset.s32 @!p0 $0xFFFFF086;
	s6 =	sadd.s32 @!p0 s3, s7;
	s7 =	simm.s32 @!p0 $0x108  }
0x21: {  	s3 =	sadd.s32 s3, s9;
	s6 =	sadd.s32 @!p0 $0x88, s6;
	s7 =	simm.s32 @p2 $0x1082  }
0x22: {  	[simem:s7], [sflag:s8] =	dma.local @!p0 [hbm:s6], $0xF7A  }
0x23: {  	s9 =	sor.u32 $0xD0000000, s2;
	s6 =	simm.s32 $0x108;
	_ =	swait.ge @!p0 [sflag:s8], $0x0  }
0x24: {  	s3 =	sadd.s32 $0x88, s3;
	s6 =	simm.s32 @!p1 $0x1082;
	[sflag:s4] =	ssyncset.s32 $0xFFFFF086  }
0x25: {  	[simem:s6], [sflag:s4] =	dma.local [hbm:s3], $0xF7A  }
0x26: {  	[smem:$0x3F95] =	sst s1;
	(tag) =	ssettag s2;
	_ =	strace s9  }
0x27: {  	s1 =	sld [smem:$0x3FA5]  }
0x28: {  	s2 =	sld [smem:$0x3FA6]  }
0x29: {  	s4 =	sld [smem:$0x3FA8]  }
0x2a: {  	p0 =	seq.s32 s5, $0x0;
	s5 =	sld [smem:$0x3FA9]  }
0x2b: {  	s6 =	sld [smem:$0x3FAA]  }
0x2c: {  	s7 =	sld [smem:$0x3FAB]  }
0x2d: {  	s3 =	simm.s32 $0x108;
	s8 =	sld [smem:$0x3FAC]  }
0x2e: {  	s3 =	simm.s32 @!p0 $0x1082;
	s9 =	sld [smem:$0x3FAD]  }
0x2f: {  	lr =	sadd.s32 s0, s3;
	s0 =	sld [smem:$0x3FA4]  }
0x30: {  	s3 =	sld [smem:$0x3FA7]  }
0x31: {  	[smem:$0x3FB0] =	sst s10  }
0x32: {  	s10 =	sld [smem:$0x3FAE];
	_ =	sdelay $0x3  }
0x33: {  	p0 =	seq.s32 s10, $0x1;
	s10 =	sld [smem:$0x3FB0];
	_ =	sdelay $0x3  }
0x34: {  	[smem:$0x3FB0] =	sst s10  }
0x35: {  	s10 =	sld [smem:$0x3FAF];
	_ =	sdelay $0x3  }
0x36: {  	p1 =	seq.s32 s10, $0x1;
	s10 =	sld [smem:$0x3FB0];
	_ =	sdelay $0x3  }
0x37: {  	[smem:$0x3FB0] =	sst s10  }
0x38: {  	s10 =	sld [smem:$0x3FB1]  }
0x39: {  	_ = 	snop;
	(pc) =	sbr.ind lr, $3  }
0x3a: {  	_ = 	snop  }
0x3b: {  	_ = 	snop  }
0x3c: {  	p2 =	seq.s32 s10, $0x1;
	s10 =	sld [smem:$0x3FB0]  }
0x3d: {  	_ =	shalt  }
0x3e: {  	_ =	shalt  }
0x3f: {  	_ =	shalt  }
0x40: {  	_ =	shalt  }
0x41: {  	_ =	shalt  }
0x42: {  	_ =	shalt  }
0x43: {  	_ =	shalt  }
0x44: {  	_ =	shalt  }
0x45: {  	_ =	shalt  }
0x46: {  	_ =	shalt  }
0x47: {  	_ =	shalt  }
0x48: {  	_ =	shalt  }
0x49: {  	_ =	shalt  }
0x4a: {  	_ =	shalt  }
0x4b: {  	_ =	shalt  }
0x4c: {  	_ =	shalt  }
0x4d: {  	_ =	shalt  }
0x4e: {  	_ =	shalt  }
0x4f: {  	_ =	shalt  }
0x50: {  	_ =	shalt  }
0x51: {  	_ =	shalt  }
0x52: {  	_ =	shalt  }
0x53: {  	_ =	shalt  }
0x54: {  	_ =	shalt  }
0x55: {  	_ =	shalt  }
0x56: {  	_ =	shalt  }
0x57: {  	_ =	shalt  }
0x58: {  	_ =	shalt  }
0x59: {  	_ =	shalt  }
0x5a: {  	_ =	shalt  }
0x5b: {  	_ =	shalt  }
0x5c: {  	_ =	shalt  }
0x5d: {  	_ =	shalt  }
0x5e: {  	_ =	shalt  }
0x5f: {  	_ =	shalt  }
0x60: {  	_ =	shalt  }
0x61: {  	_ =	shalt  }
0x62: {  	_ =	shalt  }
0x63: {  	_ =	shalt  }
0x64: {  	_ =	shalt  }
0x65: {  	_ =	shalt  }
0x66: {  	_ =	shalt  }
0x67: {  	_ =	shalt  }
0x68: {  	_ =	shalt  }
0x69: {  	_ =	shalt  }
0x6a: {  	_ =	shalt  }
0x6b: {  	_ =	shalt  }
0x6c: {  	_ =	shalt  }
0x6d: {  	_ =	shalt  }
0x6e: {  	_ =	shalt  }
0x6f: {  	_ =	shalt  }
0x70: {  	_ =	shalt  }
0x71: {  	_ =	shalt  }
0x72: {  	_ =	shalt  }
0x73: {  	_ =	shalt  }
0x74: {  	_ =	shalt  }
0x75: {  	_ =	shalt  }
0x76: {  	_ =	shalt  }
0x77: {  	_ =	shalt  }
0x78: {  	_ =	shalt  }
0x79: {  	_ =	shalt  }
0x7a: {  	_ =	shalt  }
0x7b: {  	_ =	shalt  }
0x7c: {  	_ =	shalt  }
0x7d: {  	_ =	shalt  }
0x7e: {  	_ =	shalt  }
0x7f: {  	_ =	shalt  }
0x80: {  	_ =	shalt  }
0x81: {  	_ =	shalt  }
0x82: {  	_ =	shalt  }
0x83: {  	_ =	shalt  }
0x84: {  	_ =	shalt  }
0x85: {  	_ =	shalt  }
0x86: {  	_ =	shalt  }
0x87: {  	_ =	shalt  }
.Lfunc_end0:
.L_simem_size_0:
called_computation.1_lowered:
.L_overlay_start_0:
0x88: {  	s2 =	sld [smem:$0x3FD9]  }
0x89: {  	s3 =	sld [smem:$0x3FFE];
	_ =	sdelay $0x1  }
0x8a: {  	s1 =	srdreg.scid  }
0x8b: {  	s0 =	sand.u32 $0x1, s1  }
0x8c: {  	s17 =	sshll.u32 s0, $0xA;
	s2 =	sadd.s32 s3, s2  }
0x8d: {  	s2 =	sadd.s32 s2, s17  }
0x8e: {  	[smem:$0x3FBC] =	sst s2  }
0x8f: {  	_ = 	snop  }
0x90: {  	s2 =	sld [smem:$0x3FD0];
	(tm) =	ssettm $0x1  }
0x91: {  	s18 =	sld [smem:$0x3FFB];
	_ =	sdelay $0x3  }
0x92: {  	_ =	strace s18  }
0x93: {  	s3 =	sld [smem:$0x3FFC];
	_ =	sdelay $0x3  }
0x94: {  	_ =	strace s3  }
0x95: {  	s3 =	sld [smem:$0x3FFD];
	_ =	sdelay $0x3  }
0x96: {  	_ =	strace s3  }
0x97: {  	_ =	strace $0x8FFFFFFF  }
0x98: {  	s19 =	sld [smem:$0x3FDB];
	_ =	sdelay $0x1  }
0x99: {  	s4 =	simm.s32 $_scs_section_size  }
0x9a: {  	s5 =	simm.s32 $_size__tile_overlayer_lowered;
	s6 =	simm.s32 $_tile_overlayer_lowered  }
0x9b: {  	s22 =	simm.s32 $0x1BFF;
	s21 =	sshll.u32 s6, $0x1;
	s3 =	sadd.s32 s4, s19  }
0x9c: {  	s7 =	simm.s32 $0x0;
	s20 =	sshll.u32 s5, $0x1;
	s5 =	sadd.s32 s21, s3  }
0x9d: {  	[timem:s7], [sflag:s22] =	dma.local [hbm:s5], s20  }
0x9e: {  	_ =	swait.ge [sflag:s22], s20  }
0x9f: {  	s4 =	ssub.s32 $0x0, s20;
	[sflag:s22] =	ssyncset.done $0x0  }
0xa0: {  	[sflag:s22] =	ssyncadd.s32 s4;
	_ =	sdelay $0x1  }
0xa1: {  	s23 =	simm.s32 $0x1B8B  }
0xa2: {  	_ =	swait.ge [sflag:s23], $0x1  }
0xa3: {  	[sflag:s23] =	ssyncset.done $0x0  }
0xa4: {  	s25 =	simm.s32 $0x1B8E;
	s24 =	sld [smem:$0x3FFE];
	[sflag:s23] =	ssyncadd.s32 $0xFFFFFFFF  }
0xa5: {  	s26 =	simm.s32 $execute0_lowered;
	[smem:$0x3FD2] =	sst s25  }
0xa6: {  	s5 =	sshll.u32 s26, $0x1;
	_ =	strace $0x80000049;
	[dreg:$0x1] =	wrdreg $0xFFFFFFFF  }
0xa7: {  	s28 =	simm.s32 $_size_execute0_lowered;
	s3 =	sadd.s32 s3, s5;
	[dreg:$0x0] =	wrdreg $0x0  }
0xa8: {  	s5 =	sshll.u32 s28, $0x1;
	[dreg:$0x2] =	wrdreg s3  }
0xa9: {  	[dreg:$0x3] =	wrdreg s5  }
0xaa: {  	[dreg:$0x4] =	wrdreg $0xC0  }
0xab: {  	_ =	task [dreg:s7], $0x5FFFF  }
0xac: {  	[dreg:$0x1] =	wrdreg $0xFFFFFFFF  }
0xad: {  	[dreg:$0x0] =	wrdreg $0x60  }
0xae: {  	[dreg:$0x2] =	wrdreg s24  }
0xaf: {  	[dreg:$0x3] =	wrdreg s2  }
0xb0: {  	[dreg:$0x4] =	wrdreg $0x83800  }
0xb1: {  	[dreg:$0x5] =	wrdreg $0x9  }
0xb2: {  	_ =	task.clear_ibuf [dreg:s7], $0x6FFFF;
	_ =	strace $0x90000049  }
0xb3: {  	s29 =	simm.s32 $0x9;
	_ =	strace $0x8000004B  }
0xb4: {  	_ =	swait.ge [sflag:s29], $0x1  }
0xb5: {  	[sflag:s29] =	ssyncadd.s32 $0xFFFFFFFF  }
0xb6: {  	_ =	strace $0x9000004B  }
0xb7: {  	_ =	sfence  }
0xb8: {  	s30 =	sld [smem:$0x0];
	_ =	sdelay $0x2  }
0xb9: {  	s31 =	sshll.u32 s1, $0xD;
	s1 =	sshrl.u32 s1, $0x2  }
0xba: {  	s3 =	sand.u32 $0x4000, s31;
	s1 =	sadd.s32 s1, s30  }
0xbb: {  	s0 =	sor.u32 s3, s0;
	s1 =	sshll.u32 s1, $0x11  }
0xbc: {  	s0 =	sor.u32 s1, s0  }
0xbd: {  	s0 =	sadd.s32 $0x8F2B, s0  }
0xbe: {  	[sflag:s0] =	ssyncadd.remote.s32 $0x1  }
0xbf: {  	_ =	sfence.sel $0xFFFF  }
0xc0: {  	[dreg:$0x0] =	wrdreg $0xFFFFFFFF;
	(pc) =	sbr.abs _section_cstart, $3  }
0xc1: {  	[dreg:$0x1] =	wrdreg $0xFFFFFFFF  }
0xc2: {  	_ =	task.clear_ibuf [dreg:s7], $0x2FFFF;
	_ =	strace $0x9FFFFFFF  }
0xc3: {  	(tm) =	ssettm $0x7FFFFFFF  }
tec
execute0_lowered:
.L_overlay_start_1:
0x0: {  	(tag) =	ssettag $0x1  }
0x1: {  	s15 =	rddreg [dreg:$0x0]  }
0x2: {  	s1 =	rddreg [dreg:$0x1]  }
0x3: {  	s2 =	rddreg [dreg:$0x2]  }
0x4: {  	s0 =	rddreg [dreg:$0x3];
	s3 =	simm.s32 $0x0  }
0x5: {  	s4 =	stileid.u32;
	s10 =	srdreg.scid;
	s22 =	simm.s32 $0x180  }
0x6: {  	s23 =	simm.s32 $0x0;
	[smem:$0x7FF] =	sst s3;
	s5 =	sadd.s32 $0x14C600, s15  }
0x7: {  	s6 =	sadd.s32 $0x174600, s15;
	s7 =	sadd.s32 $0x2400, s15;
	s8 =	sadd.s32 $0x7400, s15  }
0x8: {  	s16 =	smul.u32 $0x2800, s4;
	s9 =	sadd.s32 $0x19C600, s15;
	s13 =	sand.u32 $0x1, s10  }
0x9: {  	s30 =	smul.u32 $0x50000, s4;
	s17 =	sadd.s32 $0x34400, s15;
	s18 =	sadd.s32 $0x5C400, s15  }
0xa: {  	s31 =	sshll.u32 s4, $0x6;
	s21 =	sadd.s32 $0x19C630, s15;
	_ =	strace $0x8000004A  }
0xb: {  	s12 =	ssub.s32 $0x2, s13;
	p0 =	seq.s32 s13, $0x1;
	s13 =	sadd.s32 $0x19C610, s15  }
0xc: {  	s11 =	sadd.s32 s16, s15;
	s14 =	sshrl.u32 s12, $0x1;
	s10 =	sshrl.u32 s30, $0x2  }
0xd: {  	s17 =	smov.u32 @p0 s18;
	s18 =	simm.s32 $0x1;
	s13 =	smov.u32 @p0 s21  }
0xe: {  	s21 =	simm.s32 $0x8180;
	s19 =	ssub.s32 s12, s14;
	s20 =	sadd.s32 s10, s2  }
0xf: {  	s10 =	sadd.s32 $0xC400, s11;
	s11 =	sor.u32 $0x1C01, s31;
	s12 =	smul.u32 $0x50, s4  }
0x10: {  	s14 =	sadd.s32 $0x19C620, s15;
	s16 =	sadd.s32 s17, s16;
	s15 =	smax.u32 s19, $0x1  }
0x11: {  	s17 =	sshrl.u32 s20, $0x3;
	s19 =	simm.s32 $0x80;
	s20 =	simm.s32 $0x100  }
.LBB2_1:
0x12: {  	[spmem:s17], [sflag:s11] =	dma.local [hbm:s10], $0x2800  }
0x13: {  	_ =	swait.ge [sflag:s18], $0x2800  }
0x14: {  	[sflag:s18] =	ssyncset.done $0x0  }
0x15: {  	[sflag:s18] =	ssyncadd.s32 $0xFFFFD800  }
0x16: {  	s24 =	simm.s32 $0x0;
	[bflag:$0x0] =	sbarrier.arrive $0xFFFF  }
.LBB2_2:
0x17: {  	s25 =	sadd.s32 s12, s24  }
0x18: {  	s26 =	sshll.u32 s25, $0x4  }
0x19: {  	s28 =	sadd.s32 s1, s26  }
0x1a: {  	[tilespmem:s3], [sflag:$0x1] =	stream.linear.gather [hbm4b:s28+s3], $0x80, $0x38;
	[tilespmem:$0x1C380] =	vst v63  }
0x1b: {  	_ =	swait.ge [sflag:s18], $0x80  }
0x1c: {  	[sflag:s18] =	ssyncset.done $0x0  }
0x1d: {  	s28 =	sadd.s32 s7, s26;
	[sflag:s18] =	ssyncadd.s32 $0xFFFFFF80  }
0x1e: {  	[tilespmem:s19], [sflag:$0x1] =	stream.linear.gather [hbm4b:s28+s3], $0x80, $0x38;
	[tilespmem:$0x1C380] =	vst v63  }
0x1f: {  	_ =	swait.ge [sflag:s18], $0x80  }
0x20: {  	[sflag:s18] =	ssyncset.done $0x0  }
0x21: {  	s26 =	sadd.s32 s8, s26;
	[sflag:s18] =	ssyncadd.s32 $0xFFFFFF80  }
0x22: {  	[tilespmem:s20], [sflag:$0x1] =	stream.linear.gather [hbm4b:s26+s3], $0x80, $0x38;
	[tilespmem:$0x1C380] =	vst v63  }
0x23: {  	_ =	swait.ge [sflag:s18], $0x80  }
0x24: {  	[sflag:s18] =	ssyncset.done $0x0  }
0x25: {  	s28 =	simm.s32 @p0 $0x180;
	s26 =	simm.s32 @p0 $0x80;
	[sflag:s18] =	ssyncadd.s32 $0xFFFFFF80  }
0x26: {  	[tilespmem:s28], [sflag:$0x1] =	stream.indirect.gather @p0 [hbm4b:s6+s26], $0x80, s26, s26, $0xb8;
	[tilespmem:$0x1C380] =	vst v63  }
0x27: {  	s28 =	simm.s32 @p0 $0x1  }
0x28: {  	_ =	swait.ge @p0 [sflag:s28], $0x4000  }
0x29: {  	[sflag:s28] =	ssyncset.done @p0 $0x0  }
0x2a: {  	s29 =	simm.s32 @p0 $0x100;
	s30 =	simm.s32 @p0 $0x4180;
	[sflag:s28] =	ssyncadd.s32 @p0 $0xFFFFC000  }
0x2b: {  	[tilespmem:s30], [sflag:$0x1] =	stream.indirect.gather @p0 [hbm4b:s6+s26], $0x80, s29, s26, $0xb8;
	[tilespmem:$0x1C380] =	vst v63  }
0x2c: {  	_ =	swait.ge @p0 [sflag:s28], $0x4000  }
0x2d: {  	[sflag:s28] =	ssyncset.done @p0 $0x0  }
0x2e: {  	s26 =	simm.s32 @!p0 $0x80;
	[sflag:s28] =	ssyncadd.s32 @p0 $0xFFFFC000;
	s28 =	simm.s32 @!p0 $0x180  }
0x2f: {  	[tilespmem:s28], [sflag:$0x1] =	stream.indirect.gather @!p0 [hbm4b:s5+s26], $0x80, s26, s26, $0xb8;
	[tilespmem:$0x1C380] =	vst v63  }
0x30: {  	s28 =	simm.s32 @!p0 $0x1  }
0x31: {  	_ =	swait.ge @!p0 [sflag:s28], $0x4000  }
0x32: {  	[sflag:s28] =	ssyncset.done @!p0 $0x0  }
0x33: {  	s29 =	simm.s32 @!p0 $0x100;
	s30 =	simm.s32 @!p0 $0x4180;
	[sflag:s28] =	ssyncadd.s32 @!p0 $0xFFFFC000  }
0x34: {  	[tilespmem:s30], [sflag:$0x1] =	stream.indirect.gather @!p0 [hbm4b:s5+s26], $0x80, s29, s26, $0xb8;
	[tilespmem:$0x1C380] =	vst v63  }
0x35: {  	s25 =	sshll.u32 s25, $0x6;
	_ =	swait.ge @!p0 [sflag:s28], $0x4000  }
0x36: {  	s26 =	sadd.s32 @p0 s25, s14;
	s29 =	sadd.s32 @!p0 s9, s25;
	[sflag:s28] =	ssyncset.done @!p0 $0x0  }
0x37: {  	s29 =	smov.u32 @p0 s26;
	[sflag:s28] =	ssyncadd.s32 @!p0 $0xFFFFC000;
	s28 =	simm.s32 $0x0  }
0x38: {  	[tilespmem:s21], [sflag:$0x1] =	stream.linear.gather [hbm4b:s29+s28], $0x80, $0x38;
	[tilespmem:$0x1C380] =	vst v63  }
0x39: {  	_ =	swait.ge [sflag:s18], $0x80  }
0x3a: {  	[sflag:s18] =	ssyncset.done $0x0  }
0x3b: {  	s25 =	sadd.s32 s25, s13;
	s26 =	simm.s32 $0x8200;
	[sflag:s18] =	ssyncadd.s32 $0xFFFFFF80  }
0x3c: {  	[tilespmem:s26], [sflag:$0x1] =	stream.linear.gather [hbm4b:s25+s28], $0x80, $0x38;
	[tilespmem:$0x1C380] =	vst v63  }
0x3d: {  	_ =	swait.ge [sflag:s18], $0x80  }
0x3e: {  	[sflag:s18] =	ssyncset.done $0x0  }
0x3f: {  	s25 =	simm.s32 $0x0;
	[sflag:s18] =	ssyncadd.s32 $0xFFFFFF80  }
0x40: {  	v2 =	vld [tilespmem:s25+$0x41E0]  }
0x41: {  	v4 =	vld [tilespmem:s25+$0x41D0]  }
0x42: {  	v0 =	vld [tilespmem:s25+$0x41F0]  }
0x43: {  	v6 =	vld [tilespmem:s25+$0x41C0]  }
0x44: {  	v1 =	vld [tilespmem:s25+$0x41B0]  }
0x45: {  	v3 =	vld [tilespmem:s25+$0x4190]  }
0x46: {  	v5 =	vld [tilespmem:s25+$0x41A0]  }
0x47: {  	v7 =	vld [tilespmem:s25+$0x1A0]  }
0x48: {  	v12 =	vld [tilespmem:s25+$0x1E0]  }
0x49: {  	v11 =	vld [tilespmem:s25+$0x1C0]  }
0x4a: {  	v10 =	vld [tilespmem:s25+$0x1D0]  }
0x4b: {  	v8 =	vld [tilespmem:s25+$0x1B0]  }
0x4c: {  	v9 =	vld [tilespmem:s25+$0x180]  }
0x4d: {  	v14 =	vld [tilespmem:s25+$0x190]  }
0x4e: {  	v13 =	vld [tilespmem:s25+$0x1F0]  }
0x4f: {  	v15 =	vld [tilespmem:s25+$0x4180]  }
0x50: {  	s28 =	simm.s32 $0x200;
	v11 =	vmul.f32 v6, v11;
	v6 =	vld.msk [tilespmem:s26+$0xFFFFFF80 ss:$0x0], $0xffff  }
.LBB2_3:
0x51: {  	s30 =	smov.u32 s28  }
0x52: {  	s29 =	sshra.s32 s28, $0x2;
	v16 =	vld.msk [tilespmem:s26+$0x0 ss:$0x0], $0xffff;
	v12 =	vmul.f32 v2, v12;
	s26 =	sadd.s32 $0x1, s26;
	s30 =	sadd.s32 $0x200, s28  }
0x53: {  	p1 =	sne.s32 s28, $0xFE00;
	v2 =	vld [tilespmem:s29+$0x41E0]  }
0x54: {  	v5 =	vmul.f32 v5, v7;
	v3 =	vmul.f32 v3, v14;
	v17 =	vld [tilespmem:s29+$0x41D0]  }
0x55: {  	v4 =	vmul.f32 v4, v10;
	v10 =	vmul.f32 v0, v13;
	v0 =	vld [tilespmem:s29+$0x41F0]  }
0x56: {  	v7 =	vmul.f32 v1, v8;
	v9 =	vmul.f32 v15, v9;
	v13 =	vld [tilespmem:s29+$0x41C0]  }
0x57: {  	v14 =	vmul.f32 v3, v6;
	v8 =	vmul.f32 v5, v6;
	v1 =	vld [tilespmem:s29+$0x41B0]  }
0x58: {  	v11 =	vmul.f32 v11, v16;
	v12 =	vmul.f32 v12, v16;
	v3 =	vld [tilespmem:s29+$0x4190]  }
0x59: {  	v15 =	vmul.f32 v4, v16;
	v5 =	vld [tilespmem:s29+$0x41A0];
	[tilespmem:s25+$0x1A0] =	vst v8;
	v8 =	vmul.f32 v7, v6;
	v4 =	vmov v17  }
0x5a: {  	v16 =	vmul.f32 v10, v16;
	v6 =	vmul.f32 v9, v6;
	v7 =	vld [tilespmem:s29+$0x1A0];
	[tilespmem:s25+$0x1E0] =	vst v12  }
0x5b: {  	v12 =	vld [tilespmem:s29+$0x1E0];
	[tilespmem:s25+$0x1C0] =	vst v11  }
0x5c: {  	v11 =	vld [tilespmem:s29+$0x1C0];
	[tilespmem:s25+$0x1D0] =	vst v15  }
0x5d: {  	v10 =	vld [tilespmem:s29+$0x1D0];
	[tilespmem:s25+$0x1B0] =	vst v8  }
0x5e: {  	v8 =	vld [tilespmem:s29+$0x1B0];
	[tilespmem:s25+$0x180] =	vst v6  }
.Ltmp0:
0x5f: {  	v9 =	vld [tilespmem:s29+$0x180];
	[tilespmem:s25+$0x190] =	vst v14;
	(pc) =	sbr.rel @p1 .LBB2_3-.Ltmp0, $4  }
0x60: {  	v14 =	vld [tilespmem:s29+$0x190];
	[tilespmem:s25+$0x1F0] =	vst v16;
	s25 =	smov.u32 s29  }
0x61: {  	v11 =	vmul.f32 v13, v11;
	v13 =	vld [tilespmem:s25+$0x1F0]  }
0x62: {  	v15 =	vld [tilespmem:s25+$0x4180]  }
0x63: {  	s28 =	smov.u32 s30;
	v6 =	vld.msk [tilespmem:s26+$0xFFFFFF80 ss:$0x0], $0xffff  }
0x64: {  	_ = 	snop  }
0x65: {  	v16 =	vld.msk [tilespmem:s26+$0x0 ss:$0x0], $0xffff  }
0x66: {  	v5 =	vmul.f32 v5, v7  }
0x67: {  	v1 =	vmul.f32 v1, v8  }
0x68: {  	v2 =	vmul.f32 v2, v12;
	v5 =	vmul.f32 v5, v6  }
0x69: {  	v1 =	vmul.f32 v1, v6  }
0x6a: {  	v4 =	vmul.f32 v4, v10;
	v2 =	vmul.f32 v2, v16;
	[tilespmem:s25+$0x1A0] =	vst v5  }
0x6b: {  	v61 =	vmul.f32 v15, v9;
	v60 =	vmul.f32 v11, v16;
	[tilespmem:s25+$0x1B0] =	vst v1  }
0x6c: {  	v0 =	vmul.f32 v0, v13;
	v4 =	vmul.f32 v4, v16;
	[tilespmem:s25+$0x1E0] =	vst v2  }
0x6d: {  	v62 =	vmul.f32 v3, v14;
	v63 =	vmul.f32 v61, v6;
	[tilespmem:s25+$0x1C0] =	vst v60  }
0x6e: {  	v0 =	vmul.f32 v0, v16;
	[tilespmem:s25+$0x1D0] =	vst v4  }
0x6f: {  	s24 =	sadd.s32 $0x1, s24;
	v2 =	vmul.f32 v62, v6;
	[tilespmem:s25+$0x180] =	vst v63  }
0x70: {  	p1 =	sne.s32 s24, $0x50;
	[tilespmem:s25+$0x1F0] =	vst v0  }
.Ltmp1:
0x71: {  	[tilespmem:s25+$0x190] =	vst v2;
	(pc) =	sbr.rel @p1 .LBB2_2-.Ltmp1, $4  }
0x72: {  	[spmem:s2] =	stream.indirect.scatter.add.f32 [tilespmem:s22], [sflag:$0x1], $0x80, s3, s19, $0xb8;
	[tilespmem:$0x1C380] =	vst v63  }
0x73: {  	_ =	swait.ge [sflag:s18], $0x4000  }
0x74: {  	[sflag:s18] =	ssyncset.done $0x0  }
0x75: {  	[sflag:s18] =	ssyncadd.s32 $0xFFFFC000  }
0x76: {  	s23 =	sadd.s32 $0x1, s23  }
0x77: {  	p1 =	sne.s32 s23, s15  }
.Ltmp2:
0x78: {  	[bflag:$0x0] =	sbarrier.arrive $0xFFFF;
	(pc) =	sbr.rel @p1 .LBB2_1-.Ltmp2, $4  }
0x79: {  	[hbm:s16], [sflag:s11] =	dma.local [spmem:s17], $0x2800  }
0x7a: {  	_ =	swait.ge [sflag:s18], $0x2800  }
0x7b: {  	[sflag:s18] =	ssyncset.done $0x0  }
0x7c: {  	[sflag:s18] =	ssyncadd.s32 $0xFFFFD800  }
0x7d: {  	_ =	sfence.sel $0x180000  }
0x7e: {  	[bflag:$0x0] =	sbarrier.arrive $0xFFFF  }
0x7f: {  	p0 =	sne.s32 s4, $0x0;
	_ =	strace $0x9000004A  }
0x80: {  	s0 =	sadd.s32 @!p0 $0x100000, s0;
	[bflag:$0x2] =	sbarrier.arrive $0xFFFF  }
0x81: {  	[sflag:s0] =	ssyncadd.tile.s32 @!p0 $0x1;
	_ =	shalt  }
.Lfunc_end2:
_tile_overlayer_lowered:
.L_overlay_start_2:
0x82: {  	(tag) =	ssettag $0x2  }
0x83: {  	s0 =	rddreg [dreg:$0x0];
	s2 =	stileid.u32  }
0x84: {  	s1 =	rddreg [dreg:$0x1];
	p0 =	sne.s32 s2, $0x0  }
0x85: {  	s3 =	rddreg [dreg:$0x2];
	[bflag:$0x3] =	sbarrier.arrive $0xFFFF;
	s2 =	simm.s32 @!p0 $0x1C01  }
0x86: {  	[timem:s3], [sflag:s2] =	dma.local @!p0 [hbm:s0], s1  }
0x87: {  	s0 =	simm.s32 @!p0 $0x1  }
0x88: {  	_ =	swait.ge @!p0 [sflag:s0], s1  }
0x89: {  	s1 =	ssub.s32 @!p0 $0x0, s1;
	[sflag:s0] =	ssyncset.done @!p0 $0x0  }
0x8a: {  	[sflag:s0] =	ssyncadd.s32 @!p0 s1  }
0x8b: {  	[bflag:$0x3] =	sbarrier.arrive $0xFFFF  }
0x8c: {  	_ =	shalt  }

// kernel: kernel.14.cloned.1.call-start
scs
__scs_entry_jumppad:
0x0: {  	(pc) =	sbr.rel $0x88, $3  }
0x1: {  	(tag) =	ssettag $0x0;
	lr =	simm.s32 $0x1  }
0x2: {  	[smem:$0x3F95] =	sst lr;
	_ =	strace $0xD0000000  }
0x3: {  	_ = 	snop  }
0x4: {  	_ = 	snop  }
0x5: {  	_ = 	snop  }
0x6: {  	_ = 	snop  }
0x7: {  	_ = 	snop  }
__scs_overlays_trampoline_lowered:
0x8: {  	[smem:$0x3FA4] =	sst s0  }
0x9: {  	[smem:$0x3FA5] =	sst s1  }
0xa: {  	[smem:$0x3FA6] =	sst s2  }
0xb: {  	[smem:$0x3FA7] =	sst s3  }
0xc: {  	[smem:$0x3FA8] =	sst s4  }
0xd: {  	[smem:$0x3FA9] =	sst s5  }
0xe: {  	[smem:$0x3FAA] =	sst s6  }
0xf: {  	[smem:$0x3FAB] =	sst s7  }
0x10: {  	[smem:$0x3FAC] =	sst s8  }
0x11: {  	[smem:$0x3FAD] =	sst s9;
	s0 =	simm.s32 @!p0 $0x0  }
0x12: {  	s1 =	sld [smem:$0x3F93];
	s0 =	simm.s32 @p0 $0x1  }
0x13: {  	[smem:$0x3FAE] =	sst s0;
	s0 =	simm.s32 @!p1 $0x0  }
0x14: {  	s2 =	sld [smem:$0x3F92];
	s0 =	simm.s32 @p1 $0x1  }
0x15: {  	[smem:$0x3FAF] =	sst s0;
	s0 =	simm.s32 @!p2 $0x0  }
0x16: {  	s3 =	sld [smem:$0x3FDB];
	s0 =	simm.s32 @p2 $0x1  }
0x17: {  	s4 =	simm.s32 $0x1BF5;
	[smem:$0x3FB1] =	sst s0  }
0x18: {  	s0 =	sld [smem:$0x3F94];
	_ =	swait.ge [sflag:s4], $0x0  }
0x19: {  	s7 =	sld [smem:$0x3F95]  }
0x1a: {  	s8 =	sadd.s32 $0xFFFFE003, lr  }
0x1b: {  	s9 =	sadd.s32 $0xFFFFFEF7, lr;
	s5 =	simm.s32 $0xFFFFFFFF;
	p2 =	slt.u32 s8, $0xFFFFF086  }
0x1c: {  	p1 =	slt.u32 s9, $0xF7A;
	s5 =	simm.s32 @!p2 $0x0  }
0x1d: {  	s5 =	simm.s32 @p1 $0x1;
	p0 =	seq.s32 s7, s2  }
0x1e: {  	s7 =	smul.u32 @!p0 $0xF7A, s2;
	p2 =	seq.s32 @!p0 s5, $0x0  }
0x1f: {  	s9 =	smul.u32 $0xF7A, s1;
	s8 =	simm.s32 @!p0 $0x1BF5;
	p2 =	por !p2, p0  }
0x20: {  	[sflag:s8] =	ssyncset.s32 @!p0 $0xFFFFF086;
	s6 =	sadd.s32 @!p0 s3, s7;
	s7 =	simm.s32 @!p0 $0x108  }
0x21: {  	s3 =	sadd.s32 s3, s9;
	s6 =	sadd.s32 @!p0 $0x88, s6;
	s7 =	simm.s32 @p2 $0x1082  }
0x22: {  	[simem:s7], [sflag:s8] =	dma.local @!p0 [hbm:s6], $0xF7A  }
0x23: {  	s9 =	sor.u32 $0xD0000000, s2;
	s6 =	simm.s32 $0x108;
	_ =	swait.ge @!p0 [sflag:s8], $0x0  }
0x24: {  	s3 =	sadd.s32 $0x88, s3;
	s6 =	simm.s32 @!p1 $0x1082;
	[sflag:s4] =	ssyncset.s32 $0xFFFFF086  }
0x25: {  	[simem:s6], [sflag:s4] =	dma.local [hbm:s3], $0xF7A  }
0x26: {  	[smem:$0x3F95] =	sst s1;
	(tag) =	ssettag s2;
	_ =	strace s9  }
0x27: {  	s1 =	sld [smem:$0x3FA5]  }
0x28: {  	s2 =	sld [smem:$0x3FA6]  }
0x29: {  	s4 =	sld [smem:$0x3FA8]  }
0x2a: {  	p0 =	seq.s32 s5, $0x0;
	s5 =	sld [smem:$0x3FA9]  }
0x2b: {  	s6 =	sld [smem:$0x3FAA]  }
0x2c: {  	s7 =	sld [smem:$0x3FAB]  }
0x2d: {  	s3 =	simm.s32 $0x108;
	s8 =	sld [smem:$0x3FAC]  }
0x2e: {  	s3 =	simm.s32 @!p0 $0x1082;
	s9 =	sld [smem:$0x3FAD]  }
0x2f: {  	lr =	sadd.s32 s0, s3;
	s0 =	sld [smem:$0x3FA4]  }
0x30: {  	s3 =	sld [smem:$0x3FA7]  }
0x31: {  	[smem:$0x3FB0] =	sst s10  }
0x32: {  	s10 =	sld [smem:$0x3FAE];
	_ =	sdelay $0x3  }
0x33: {  	p0 =	seq.s32 s10, $0x1;
	s10 =	sld [smem:$0x3FB0];
	_ =	sdelay $0x3  }
0x34: {  	[smem:$0x3FB0] =	sst s10  }
0x35: {  	s10 =	sld [smem:$0x3FAF];
	_ =	sdelay $0x3  }
0x36: {  	p1 =	seq.s32 s10, $0x1;
	s10 =	sld [smem:$0x3FB0];
	_ =	sdelay $0x3  }
0x37: {  	[smem:$0x3FB0] =	sst s10  }
0x38: {  	s10 =	sld [smem:$0x3FB1]  }
0x39: {  	_ = 	snop;
	(pc) =	sbr.ind lr, $3  }
0x3a: {  	_ = 	snop  }
0x3b: {  	_ = 	snop  }
0x3c: {  	p2 =	seq.s32 s10, $0x1;
	s10 =	sld [smem:$0x3FB0]  }
0x3d: {  	_ =	shalt  }
0x3e: {  	_ =	shalt  }
0x3f: {  	_ =	shalt  }
0x40: {  	_ =	shalt  }
0x41: {  	_ =	shalt  }
0x42: {  	_ =	shalt  }
0x43: {  	_ =	shalt  }
0x44: {  	_ =	shalt  }
0x45: {  	_ =	shalt  }
0x46: {  	_ =	shalt  }
0x47: {  	_ =	shalt  }
0x48: {  	_ =	shalt  }
0x49: {  	_ =	shalt  }
0x4a: {  	_ =	shalt  }
0x4b: {  	_ =	shalt  }
0x4c: {  	_ =	shalt  }
0x4d: {  	_ =	shalt  }
0x4e: {  	_ =	shalt  }
0x4f: {  	_ =	shalt  }
0x50: {  	_ =	shalt  }
0x51: {  	_ =	shalt  }
0x52: {  	_ =	shalt  }
0x53: {  	_ =	shalt  }
0x54: {  	_ =	shalt  }
0x55: {  	_ =	shalt  }
0x56: {  	_ =	shalt  }
0x57: {  	_ =	shalt  }
0x58: {  	_ =	shalt  }
0x59: {  	_ =	shalt  }
0x5a: {  	_ =	shalt  }
0x5b: {  	_ =	shalt  }
0x5c: {  	_ =	shalt  }
0x5d: {  	_ =	shalt  }
0x5e: {  	_ =	shalt  }
0x5f: {  	_ =	shalt  }
0x60: {  	_ =	shalt  }
0x61: {  	_ =	shalt  }
0x62: {  	_ =	shalt  }
0x63: {  	_ =	shalt  }
0x64: {  	_ =	shalt  }
0x65: {  	_ =	shalt  }
0x66: {  	_ =	shalt  }
0x67: {  	_ =	shalt  }
0x68: {  	_ =	shalt  }
0x69: {  	_ =	shalt  }
0x6a: {  	_ =	shalt  }
0x6b: {  	_ =	shalt  }
0x6c: {  	_ =	shalt  }
0x6d: {  	_ =	shalt  }
0x6e: {  	_ =	shalt  }
0x6f: {  	_ =	shalt  }
0x70: {  	_ =	shalt  }
0x71: {  	_ =	shalt  }
0x72: {  	_ =	shalt  }
0x73: {  	_ =	shalt  }
0x74: {  	_ =	shalt  }
0x75: {  	_ =	shalt  }
0x76: {  	_ =	shalt  }
0x77: {  	_ =	shalt  }
0x78: {  	_ =	shalt  }
0x79: {  	_ =	shalt  }
0x7a: {  	_ =	shalt  }
0x7b: {  	_ =	shalt  }
0x7c: {  	_ =	shalt  }
0x7d: {  	_ =	shalt  }
0x7e: {  	_ =	shalt  }
0x7f: {  	_ =	shalt  }
0x80: {  	_ =	shalt  }
0x81: {  	_ =	shalt  }
0x82: {  	_ =	shalt  }
0x83: {  	_ =	shalt  }
0x84: {  	_ =	shalt  }
0x85: {  	_ =	shalt  }
0x86: {  	_ =	shalt  }
0x87: {  	_ =	shalt  }
.Lfunc_end0:
.L_simem_size_0:
called_computation.2_lowered:
.L_overlay_start_0:
0x88: {  	s2 =	sld [smem:$0x3FD9]  }
0x89: {  	s3 =	sld [smem:$0x3FFE];
	_ =	sdelay $0x1  }
0x8a: {  	s1 =	srdreg.scid  }
0x8b: {  	s0 =	sand.u32 $0x1, s1  }
0x8c: {  	s17 =	sshll.u32 s0, $0xA;
	s2 =	sadd.s32 s3, s2  }
0x8d: {  	s2 =	sadd.s32 s2, s17  }
0x8e: {  	[smem:$0x3FBC] =	sst s2  }
0x8f: {  	_ = 	snop  }
0x90: {  	s2 =	sld [smem:$0x3FD0];
	(tm) =	ssettm $0x1  }
0x91: {  	s18 =	sld [smem:$0x3FFB];
	_ =	sdelay $0x3  }
0x92: {  	_ =	strace s18  }
0x93: {  	s3 =	sld [smem:$0x3FFC];
	_ =	sdelay $0x3  }
0x94: {  	_ =	strace s3  }
0x95: {  	s3 =	sld [smem:$0x3FFD];
	_ =	sdelay $0x3  }
0x96: {  	_ =	strace s3  }
0x97: {  	_ =	strace $0x8FFFFFFF  }
0x98: {  	s19 =	sld [smem:$0x3FDB];
	_ =	sdelay $0x1  }
0x99: {  	s4 =	simm.s32 $_scs_section_size  }
0x9a: {  	s5 =	simm.s32 $_size__tile_overlayer_lowered;
	s6 =	simm.s32 $_tile_overlayer_lowered  }
0x9b: {  	s22 =	simm.s32 $0x1BFF;
	s21 =	sshll.u32 s6, $0x1;
	s3 =	sadd.s32 s4, s19  }
0x9c: {  	s7 =	simm.s32 $0x0;
	s20 =	sshll.u32 s5, $0x1;
	s5 =	sadd.s32 s21, s3  }
0x9d: {  	[timem:s7], [sflag:s22] =	dma.local [hbm:s5], s20  }
0x9e: {  	_ =	swait.ge [sflag:s22], s20  }
0x9f: {  	s4 =	ssub.s32 $0x0, s20;
	[sflag:s22] =	ssyncset.done $0x0  }
0xa0: {  	[sflag:s22] =	ssyncadd.s32 s4;
	_ =	sdelay $0x1  }
0xa1: {  	s23 =	simm.s32 $0x1B8B  }
0xa2: {  	_ =	swait.ge [sflag:s23], $0x1  }
0xa3: {  	[sflag:s23] =	ssyncset.done $0x0  }
0xa4: {  	s25 =	simm.s32 $0x1B8E;
	s24 =	sld [smem:$0x3FFE];
	[sflag:s23] =	ssyncadd.s32 $0xFFFFFFFF  }
0xa5: {  	s26 =	simm.s32 $execute0_lowered;
	[smem:$0x3FD2] =	sst s25  }
0xa6: {  	s5 =	sshll.u32 s26, $0x1;
	_ =	strace $0x8000004C;
	[dreg:$0x1] =	wrdreg $0xFFFFFFFF  }
0xa7: {  	s28 =	simm.s32 $_size_execute0_lowered;
	s3 =	sadd.s32 s3, s5;
	[dreg:$0x0] =	wrdreg $0x0  }
0xa8: {  	s5 =	sshll.u32 s28, $0x1;
	[dreg:$0x2] =	wrdreg s3  }
0xa9: {  	[dreg:$0x3] =	wrdreg s5  }
0xaa: {  	[dreg:$0x4] =	wrdreg $0xC0  }
0xab: {  	_ =	task [dreg:s7], $0x5FFFF  }
0xac: {  	[dreg:$0x1] =	wrdreg $0xFFFFFFFF  }
0xad: {  	[dreg:$0x0] =	wrdreg $0x60  }
0xae: {  	[dreg:$0x2] =	wrdreg s24  }
0xaf: {  	[dreg:$0x3] =	wrdreg s2  }
0xb0: {  	[dreg:$0x4] =	wrdreg $0x81800  }
0xb1: {  	[dreg:$0x5] =	wrdreg $0x9  }
0xb2: {  	_ =	task.clear_ibuf [dreg:s7], $0x6FFFF;
	_ =	strace $0x9000004C  }
0xb3: {  	s29 =	simm.s32 $0x9;
	_ =	strace $0x8000004E  }
0xb4: {  	_ =	swait.ge [sflag:s29], $0x1  }
0xb5: {  	[sflag:s29] =	ssyncadd.s32 $0xFFFFFFFF  }
0xb6: {  	_ =	strace $0x9000004E  }
0xb7: {  	_ =	sfence  }
0xb8: {  	s30 =	sld [smem:$0x0];
	_ =	sdelay $0x2  }
0xb9: {  	s31 =	sshll.u32 s1, $0xD;
	s1 =	sshrl.u32 s1, $0x2  }
0xba: {  	s3 =	sand.u32 $0x4000, s31;
	s1 =	sadd.s32 s1, s30  }
0xbb: {  	s0 =	sor.u32 s3, s0;
	s1 =	sshll.u32 s1, $0x11  }
0xbc: {  	s0 =	sor.u32 s1, s0  }
0xbd: {  	s0 =	sadd.s32 $0x8F2B, s0  }
0xbe: {  	[sflag:s0] =	ssyncadd.remote.s32 $0x1  }
0xbf: {  	_ =	sfence.sel $0xFFFF  }
0xc0: {  	[dreg:$0x0] =	wrdreg $0xFFFFFFFF;
	(pc) =	sbr.abs _section_cstart, $3  }
0xc1: {  	[dreg:$0x1] =	wrdreg $0xFFFFFFFF  }
0xc2: {  	_ =	task.clear_ibuf [dreg:s7], $0x2FFFF;
	_ =	strace $0x9FFFFFFF  }
0xc3: {  	(tm) =	ssettm $0x7FFFFFFF  }
tec
execute0_lowered:
.L_overlay_start_1:
0x0: {  	(tag) =	ssettag $0x1  }
0x1: {  	s8 =	rddreg [dreg:$0x0]  }
0x2: {  	s2 =	rddreg [dreg:$0x1]  }
0x3: {  	s3 =	rddreg [dreg:$0x2]  }
0x4: {  	s0 =	rddreg [dreg:$0x3];
	s1 =	stileid.u32  }
0x5: {  	s5 =	srdreg.scid;
	s4 =	simm.s32 $0x0;
	s16 =	simm.s32 $0x100  }
0x6: {  	s17 =	simm.s32 $0x180;
	s18 =	simm.s32 $0x4180;
	s19 =	simm.s32 $0x0  }
0x7: {  	s9 =	smul.u32 $0x14000, s1;
	s10 =	sand.u32 $0x1, s5;
	[smem:$0x7FF] =	sst s4  }
0x8: {  	s5 =	sadd.s32 $0x34400, s8;
	s6 =	sadd.s32 $0x2400, s8;
	s7 =	sadd.s32 $0x7400, s8  }
0x9: {  	s13 =	smul.u32 $0x50000, s1;
	s30 =	sshll.u32 s1, $0x1;
	s31 =	sshll.u32 s1, $0x6  }
0xa: {  	s11 =	smul.u32 $0x140000, s10;
	_ =	strace $0x8000004D;
	s26 =	ssub.s32 $0x2, s10  }
0xb: {  	s10 =	sor.u32 s10, s30;
	s12 =	sshrl.u32 s9, $0x3;
	s28 =	sshrl.u32 s26, $0x1  }
0xc: {  	s29 =	sshrl.u32 s13, $0x2;
	s10 =	smul.u32 $0x28, s10;
	s9 =	sadd.s32 s9, s11  }
0xd: {  	s12 =	sadd.s32 s12, s8;
	s13 =	sadd.s32 s29, s3;
	s9 =	sshrl.u32 s9, $0x3  }
0xe: {  	s15 =	ssub.s32 s26, s28;
	s13 =	sshrl.u32 s13, $0x3;
	s14 =	sadd.s32 s9, s8  }
0xf: {  	s8 =	sadd.s32 $0xC400, s12;
	s9 =	sor.u32 $0x1C01, s31;
	s12 =	smax.u32 s15, $0x1  }
0x10: {  	s15 =	simm.s32 $0x80;
	s11 =	sadd.s32 $0x5C400, s14;
	s14 =	simm.s32 $0x1  }
.LBB2_1:
0x11: {  	[spmem:s13], [sflag:s9] =	dma.local [hbm:s8], $0x2800  }
0x12: {  	_ =	swait.ge [sflag:s14], $0x2800  }
0x13: {  	[sflag:s14] =	ssyncset.done $0x0  }
0x14: {  	[sflag:s14] =	ssyncadd.s32 $0xFFFFD800  }
0x15: {  	s20 =	simm.s32 $0x0;
	[bflag:$0x0] =	sbarrier.arrive $0xFFFF  }
.LBB2_2:
0x16: {  	s21 =	sadd.s32 s10, s20  }
0x17: {  	s21 =	sshll.u32 s21, $0x4  }
0x18: {  	s23 =	simm.s32 $0x0;
	s22 =	sadd.s32 s2, s21  }
0x19: {  	[tilespmem:s23], [sflag:$0x1] =	stream.linear.gather [hbm4b:s22+s23], $0x80, $0x38;
	[tilespmem:$0x1C180] =	vst v63  }
0x1a: {  	_ =	swait.ge [sflag:s14], $0x80  }
0x1b: {  	[sflag:s14] =	ssyncset.done $0x0  }
0x1c: {  	s31 =	sadd.s32 s6, s21;
	[sflag:s14] =	ssyncadd.s32 $0xFFFFFF80  }
0x1d: {  	[tilespmem:s15], [sflag:$0x1] =	stream.linear.gather [hbm4b:s31+s23], $0x80, $0x38;
	[tilespmem:$0x1C180] =	vst v63  }
0x1e: {  	_ =	swait.ge [sflag:s14], $0x80  }
0x1f: {  	[sflag:s14] =	ssyncset.done $0x0  }
0x20: {  	s21 =	sadd.s32 s7, s21;
	[sflag:s14] =	ssyncadd.s32 $0xFFFFFF80  }
0x21: {  	[tilespmem:s16], [sflag:$0x1] =	stream.linear.gather [hbm4b:s21+s23], $0x80, $0x38;
	[tilespmem:$0x1C180] =	vst v63  }
0x22: {  	_ =	swait.ge [sflag:s14], $0x80  }
0x23: {  	[sflag:s14] =	ssyncset.done $0x0  }
0x24: {  	[sflag:s14] =	ssyncadd.s32 $0xFFFFFF80  }
0x25: {  	[tilespmem:s17], [sflag:$0x1] =	stream.indirect.gather [hbm4b:s5+s15], $0x80, s15, s15, $0xb8;
	[tilespmem:$0x1C180] =	vst v63  }
0x26: {  	_ =	swait.ge [sflag:s14], $0x4000  }
0x27: {  	[sflag:s14] =	ssyncset.done $0x0  }
0x28: {  	[sflag:s14] =	ssyncadd.s32 $0xFFFFC000  }
0x29: {  	[tilespmem:s18], [sflag:$0x1] =	stream.indirect.gather [hbm4b:s5+s15], $0x80, s16, s15, $0xb8;
	[tilespmem:$0x1C180] =	vst v63  }
0x2a: {  	_ =	swait.ge [sflag:s14], $0x4000  }
0x2b: {  	[sflag:s14] =	ssyncset.done $0x0  }
0x2c: {  	s21 =	simm.s32 $0x0;
	[sflag:s14] =	ssyncadd.s32 $0xFFFFC000  }
0x2d: {  	v5 =	vld [tilespmem:s21+$0x4180]  }
0x2e: {  	v6 =	vld [tilespmem:s21+$0x4190]  }
0x2f: {  	v1 =	vld [tilespmem:s21+$0x41A0]  }
0x30: {  	v0 =	vld [tilespmem:s21+$0x41B0]  }
0x31: {  	v2 =	vld [tilespmem:s21+$0x180]  }
0x32: {  	v4 =	vld [tilespmem:s21+$0x190]  }
0x33: {  	s22 =	simm.s32 $0x200;
	v3 =	vld [tilespmem:s21+$0x1A0]  }
.LBB2_3:
0x34: {  	s23 =	sshra.s32 s22, $0x2;
	p0 =	sne.s32 s22, $0xFE00;
	v7 =	vld [tilespmem:s21+$0x1B0];
	v8 =	vmov v1  }
0x35: {  	v9 =	vld [tilespmem:s23+$0x4180];
	v10 =	vmov v0  }
0x36: {  	v11 =	vld [tilespmem:s23+$0x4190];
	v2 =	vmul.f32 v5, v2  }
.Ltmp0:
0x37: {  	v1 =	vld [tilespmem:s23+$0x41A0];
	v4 =	vmul.f32 v6, v4;
	(pc) =	sbr.rel @p0 .LBB2_3-.Ltmp0, $4  }
0x38: {  	v0 =	vld [tilespmem:s23+$0x41B0];
	[tilespmem:s21+$0x180] =	vst v2;
	v3 =	vmul.f32 v8, v3  }
0x39: {  	v2 =	vld [tilespmem:s23+$0x180];
	[tilespmem:s21+$0x190] =	vst v4;
	v7 =	vmul.f32 v10, v7  }
0x3a: {  	v4 =	vld [tilespmem:s23+$0x190];
	[tilespmem:s21+$0x1A0] =	vst v3;
	v5 =	vmov v9  }
0x3b: {  	s22 =	sadd.s32 $0x200, s22;
	v3 =	vld [tilespmem:s23+$0x1A0];
	[tilespmem:s21+$0x1B0] =	vst v7;
	v6 =	vmov v11;
	s21 =	smov.u32 s23  }
0x3c: {  	v7 =	vld [tilespmem:s21+$0x1B0];
	_ =	sdelay $0x1  }
0x3d: {  	v2 =	vmul.f32 v5, v2  }
0x3e: {  	v4 =	vmul.f32 v6, v4  }
0x3f: {  	[tilespmem:s21+$0x180] =	vst v2;
	v1 =	vmul.f32 v1, v3  }
0x40: {  	s20 =	sadd.s32 $0x1, s20;
	[tilespmem:s21+$0x190] =	vst v4;
	v0 =	vmul.f32 v0, v7  }
0x41: {  	p0 =	sne.s32 s20, $0x28;
	[tilespmem:s21+$0x1A0] =	vst v1  }
.Ltmp1:
0x42: {  	[tilespmem:s21+$0x1B0] =	vst v0;
	(pc) =	sbr.rel @p0 .LBB2_2-.Ltmp1, $4  }
0x43: {  	[spmem:s3] =	stream.indirect.scatter.add.f32 [tilespmem:s17], [sflag:$0x1], $0x80, s4, s15, $0xb8;
	[tilespmem:$0x1C180] =	vst v63  }
0x44: {  	_ =	swait.ge [sflag:s14], $0x4000  }
0x45: {  	[sflag:s14] =	ssyncset.done $0x0  }
0x46: {  	[sflag:s14] =	ssyncadd.s32 $0xFFFFC000  }
0x47: {  	s19 =	sadd.s32 $0x1, s19  }
0x48: {  	p0 =	sne.s32 s19, s12  }
.Ltmp2:
0x49: {  	[bflag:$0x0] =	sbarrier.arrive $0xFFFF;
	(pc) =	sbr.rel @p0 .LBB2_1-.Ltmp2, $4  }
0x4a: {  	[hbm:s11], [sflag:s9] =	dma.local [spmem:s13], $0x2800  }
0x4b: {  	_ =	swait.ge [sflag:s14], $0x2800  }
0x4c: {  	[sflag:s14] =	ssyncset.done $0x0  }
0x4d: {  	[sflag:s14] =	ssyncadd.s32 $0xFFFFD800  }
0x4e: {  	_ =	sfence.sel $0x180000  }
0x4f: {  	[bflag:$0x0] =	sbarrier.arrive $0xFFFF  }
0x50: {  	p0 =	sne.s32 s1, $0x0;
	_ =	strace $0x9000004D  }
0x51: {  	s0 =	sadd.s32 @!p0 $0x100000, s0;
	[bflag:$0x2] =	sbarrier.arrive $0xFFFF  }
0x52: {  	[sflag:s0] =	ssyncadd.tile.s32 @!p0 $0x1;
	_ =	shalt  }
.Lfunc_end2:
_tile_overlayer_lowered:
.L_overlay_start_2:
0x53: {  	(tag) =	ssettag $0x2  }
0x54: {  	s0 =	rddreg [dreg:$0x0];
	s2 =	stileid.u32  }
0x55: {  	s1 =	rddreg [dreg:$0x1];
	p0 =	sne.s32 s2, $0x0  }
0x56: {  	s3 =	rddreg [dreg:$0x2];
	[bflag:$0x3] =	sbarrier.arrive $0xFFFF;
	s2 =	simm.s32 @!p0 $0x1C01  }
0x57: {  	[timem:s3], [sflag:s2] =	dma.local @!p0 [hbm:s0], s1  }
0x58: {  	s0 =	simm.s32 @!p0 $0x1  }
0x59: {  	_ =	swait.ge @!p0 [sflag:s0], s1  }
0x5a: {  	s1 =	ssub.s32 @!p0 $0x0, s1;
	[sflag:s0] =	ssyncset.done @!p0 $0x0  }
0x5b: {  	[sflag:s0] =	ssyncadd.s32 @!p0 s1  }
0x5c: {  	[bflag:$0x3] =	sbarrier.arrive $0xFFFF  }
0x5d: {  	_ =	shalt  }

// kernel: kernel.8.cloned.1.call-start
scs
__scs_entry_jumppad:
0x0: {  	(pc) =	sbr.rel $0x88, $3  }
0x1: {  	(tag) =	ssettag $0x0;
	lr =	simm.s32 $0x1  }
0x2: {  	[smem:$0x3F95] =	sst lr;
	_ =	strace $0xD0000000  }
0x3: {  	_ = 	snop  }
0x4: {  	_ = 	snop  }
0x5: {  	_ = 	snop  }
0x6: {  	_ = 	snop  }
0x7: {  	_ = 	snop  }
__scs_overlays_trampoline_lowered:
0x8: {  	[smem:$0x3FA4] =	sst s0  }
0x9: {  	[smem:$0x3FA5] =	sst s1  }
0xa: {  	[smem:$0x3FA6] =	sst s2  }
0xb: {  	[smem:$0x3FA7] =	sst s3  }
0xc: {  	[smem:$0x3FA8] =	sst s4  }
0xd: {  	[smem:$0x3FA9] =	sst s5  }
0xe: {  	[smem:$0x3FAA] =	sst s6  }
0xf: {  	[smem:$0x3FAB] =	sst s7  }
0x10: {  	[smem:$0x3FAC] =	sst s8  }
0x11: {  	[smem:$0x3FAD] =	sst s9;
	s0 =	simm.s32 @!p0 $0x0  }
0x12: {  	s1 =	sld [smem:$0x3F93];
	s0 =	simm.s32 @p0 $0x1  }
0x13: {  	[smem:$0x3FAE] =	sst s0;
	s0 =	simm.s32 @!p1 $0x0  }
0x14: {  	s2 =	sld [smem:$0x3F92];
	s0 =	simm.s32 @p1 $0x1  }
0x15: {  	[smem:$0x3FAF] =	sst s0;
	s0 =	simm.s32 @!p2 $0x0  }
0x16: {  	s3 =	sld [smem:$0x3FDB];
	s0 =	simm.s32 @p2 $0x1  }
0x17: {  	s4 =	simm.s32 $0x1BF5;
	[smem:$0x3FB1] =	sst s0  }
0x18: {  	s0 =	sld [smem:$0x3F94];
	_ =	swait.ge [sflag:s4], $0x0  }
0x19: {  	s7 =	sld [smem:$0x3F95]  }
0x1a: {  	s8 =	sadd.s32 $0xFFFFE003, lr  }
0x1b: {  	s9 =	sadd.s32 $0xFFFFFEF7, lr;
	s5 =	simm.s32 $0xFFFFFFFF;
	p2 =	slt.u32 s8, $0xFFFFF086  }
0x1c: {  	p1 =	slt.u32 s9, $0xF7A;
	s5 =	simm.s32 @!p2 $0x0  }
0x1d: {  	s5 =	simm.s32 @p1 $0x1;
	p0 =	seq.s32 s7, s2  }
0x1e: {  	s7 =	smul.u32 @!p0 $0xF7A, s2;
	p2 =	seq.s32 @!p0 s5, $0x0  }
0x1f: {  	s9 =	smul.u32 $0xF7A, s1;
	s8 =	simm.s32 @!p0 $0x1BF5;
	p2 =	por !p2, p0  }
0x20: {  	[sflag:s8] =	ssyncset.s32 @!p0 $0xFFFFF086;
	s6 =	sadd.s32 @!p0 s3, s7;
	s7 =	simm.s32 @!p0 $0x108  }
0x21: {  	s3 =	sadd.s32 s3, s9;
	s6 =	sadd.s32 @!p0 $0x88, s6;
	s7 =	simm.s32 @p2 $0x1082  }
0x22: {  	[simem:s7], [sflag:s8] =	dma.local @!p0 [hbm:s6], $0xF7A  }
0x23: {  	s9 =	sor.u32 $0xD0000000, s2;
	s6 =	simm.s32 $0x108;
	_ =	swait.ge @!p0 [sflag:s8], $0x0  }
0x24: {  	s3 =	sadd.s32 $0x88, s3;
	s6 =	simm.s32 @!p1 $0x1082;
	[sflag:s4] =	ssyncset.s32 $0xFFFFF086  }
0x25: {  	[simem:s6], [sflag:s4] =	dma.local [hbm:s3], $0xF7A  }
0x26: {  	[smem:$0x3F95] =	sst s1;
	(tag) =	ssettag s2;
	_ =	strace s9  }
0x27: {  	s1 =	sld [smem:$0x3FA5]  }
0x28: {  	s2 =	sld [smem:$0x3FA6]  }
0x29: {  	s4 =	sld [smem:$0x3FA8]  }
0x2a: {  	p0 =	seq.s32 s5, $0x0;
	s5 =	sld [smem:$0x3FA9]  }
0x2b: {  	s6 =	sld [smem:$0x3FAA]  }
0x2c: {  	s7 =	sld [smem:$0x3FAB]  }
0x2d: {  	s3 =	simm.s32 $0x108;
	s8 =	sld [smem:$0x3FAC]  }
0x2e: {  	s3 =	simm.s32 @!p0 $0x1082;
	s9 =	sld [smem:$0x3FAD]  }
0x2f: {  	lr =	sadd.s32 s0, s3;
	s0 =	sld [smem:$0x3FA4]  }
0x30: {  	s3 =	sld [smem:$0x3FA7]  }
0x31: {  	[smem:$0x3FB0] =	sst s10  }
0x32: {  	s10 =	sld [smem:$0x3FAE];
	_ =	sdelay $0x3  }
0x33: {  	p0 =	seq.s32 s10, $0x1;
	s10 =	sld [smem:$0x3FB0];
	_ =	sdelay $0x3  }
0x34: {  	[smem:$0x3FB0] =	sst s10  }
0x35: {  	s10 =	sld [smem:$0x3FAF];
	_ =	sdelay $0x3  }
0x36: {  	p1 =	seq.s32 s10, $0x1;
	s10 =	sld [smem:$0x3FB0];
	_ =	sdelay $0x3  }
0x37: {  	[smem:$0x3FB0] =	sst s10  }
0x38: {  	s10 =	sld [smem:$0x3FB1]  }
0x39: {  	_ = 	snop;
	(pc) =	sbr.ind lr, $3  }
0x3a: {  	_ = 	snop  }
0x3b: {  	_ = 	snop  }
0x3c: {  	p2 =	seq.s32 s10, $0x1;
	s10 =	sld [smem:$0x3FB0]  }
0x3d: {  	_ =	shalt  }
0x3e: {  	_ =	shalt  }
0x3f: {  	_ =	shalt  }
0x40: {  	_ =	shalt  }
0x41: {  	_ =	shalt  }
0x42: {  	_ =	shalt  }
0x43: {  	_ =	shalt  }
0x44: {  	_ =	shalt  }
0x45: {  	_ =	shalt  }
0x46: {  	_ =	shalt  }
0x47: {  	_ =	shalt  }
0x48: {  	_ =	shalt  }
0x49: {  	_ =	shalt  }
0x4a: {  	_ =	shalt  }
0x4b: {  	_ =	shalt  }
0x4c: {  	_ =	shalt  }
0x4d: {  	_ =	shalt  }
0x4e: {  	_ =	shalt  }
0x4f: {  	_ =	shalt  }
0x50: {  	_ =	shalt  }
0x51: {  	_ =	shalt  }
0x52: {  	_ =	shalt  }
0x53: {  	_ =	shalt  }
0x54: {  	_ =	shalt  }
0x55: {  	_ =	shalt  }
0x56: {  	_ =	shalt  }
0x57: {  	_ =	shalt  }
0x58: {  	_ =	shalt  }
0x59: {  	_ =	shalt  }
0x5a: {  	_ =	shalt  }
0x5b: {  	_ =	shalt  }
0x5c: {  	_ =	shalt  }
0x5d: {  	_ =	shalt  }
0x5e: {  	_ =	shalt  }
0x5f: {  	_ =	shalt  }
0x60: {  	_ =	shalt  }
0x61: {  	_ =	shalt  }
0x62: {  	_ =	shalt  }
0x63: {  	_ =	shalt  }
0x64: {  	_ =	shalt  }
0x65: {  	_ =	shalt  }
0x66: {  	_ =	shalt  }
0x67: {  	_ =	shalt  }
0x68: {  	_ =	shalt  }
0x69: {  	_ =	shalt  }
0x6a: {  	_ =	shalt  }
0x6b: {  	_ =	shalt  }
0x6c: {  	_ =	shalt  }
0x6d: {  	_ =	shalt  }
0x6e: {  	_ =	shalt  }
0x6f: {  	_ =	shalt  }
0x70: {  	_ =	shalt  }
0x71: {  	_ =	shalt  }
0x72: {  	_ =	shalt  }
0x73: {  	_ =	shalt  }
0x74: {  	_ =	shalt  }
0x75: {  	_ =	shalt  }
0x76: {  	_ =	shalt  }
0x77: {  	_ =	shalt  }
0x78: {  	_ =	shalt  }
0x79: {  	_ =	shalt  }
0x7a: {  	_ =	shalt  }
0x7b: {  	_ =	shalt  }
0x7c: {  	_ =	shalt  }
0x7d: {  	_ =	shalt  }
0x7e: {  	_ =	shalt  }
0x7f: {  	_ =	shalt  }
0x80: {  	_ =	shalt  }
0x81: {  	_ =	shalt  }
0x82: {  	_ =	shalt  }
0x83: {  	_ =	shalt  }
0x84: {  	_ =	shalt  }
0x85: {  	_ =	shalt  }
0x86: {  	_ =	shalt  }
0x87: {  	_ =	shalt  }
.Lfunc_end0:
.L_simem_size_0:
called_computation_lowered:
.L_overlay_start_0:
0x88: {  	s2 =	sld [smem:$0x3FD9]  }
0x89: {  	s3 =	sld [smem:$0x3FFE];
	_ =	sdelay $0x1  }
0x8a: {  	s1 =	srdreg.scid  }
0x8b: {  	s0 =	sand.u32 $0x1, s1  }
0x8c: {  	s17 =	sshll.u32 s0, $0xA;
	s2 =	sadd.s32 s3, s2  }
0x8d: {  	s2 =	sadd.s32 s2, s17  }
0x8e: {  	[smem:$0x3FBC] =	sst s2  }
0x8f: {  	_ = 	snop  }
0x90: {  	s2 =	sld [smem:$0x3FD0];
	(tm) =	ssettm $0x1  }
0x91: {  	s18 =	sld [smem:$0x3FFB];
	_ =	sdelay $0x3  }
0x92: {  	_ =	strace s18  }
0x93: {  	s3 =	sld [smem:$0x3FFC];
	_ =	sdelay $0x3  }
0x94: {  	_ =	strace s3  }
0x95: {  	s3 =	sld [smem:$0x3FFD];
	_ =	sdelay $0x3  }
0x96: {  	_ =	strace s3  }
0x97: {  	_ =	strace $0x8FFFFFFF  }
0x98: {  	s19 =	sld [smem:$0x3FDB];
	_ =	sdelay $0x1  }
0x99: {  	s4 =	simm.s32 $_scs_section_size  }
0x9a: {  	s5 =	simm.s32 $_size__tile_overlayer_lowered;
	s6 =	simm.s32 $_tile_overlayer_lowered  }
0x9b: {  	s22 =	simm.s32 $0x1BFF;
	s21 =	sshll.u32 s6, $0x1;
	s3 =	sadd.s32 s4, s19  }
0x9c: {  	s7 =	simm.s32 $0x0;
	s20 =	sshll.u32 s5, $0x1;
	s5 =	sadd.s32 s21, s3  }
0x9d: {  	[timem:s7], [sflag:s22] =	dma.local [hbm:s5], s20  }
0x9e: {  	_ =	swait.ge [sflag:s22], s20  }
0x9f: {  	s4 =	ssub.s32 $0x0, s20;
	[sflag:s22] =	ssyncset.done $0x0  }
0xa0: {  	[sflag:s22] =	ssyncadd.s32 s4;
	_ =	sdelay $0x1  }
0xa1: {  	s23 =	simm.s32 $0x1B8B  }
0xa2: {  	_ =	swait.ge [sflag:s23], $0x1  }
0xa3: {  	[sflag:s23] =	ssyncset.done $0x0  }
0xa4: {  	s25 =	simm.s32 $0x1B8E;
	s24 =	sld [smem:$0x3FFE];
	[sflag:s23] =	ssyncadd.s32 $0xFFFFFFFF  }
0xa5: {  	s26 =	simm.s32 $execute0_lowered;
	[smem:$0x3FD2] =	sst s25  }
0xa6: {  	s5 =	sshll.u32 s26, $0x1;
	_ =	strace $0x80000046;
	[dreg:$0x1] =	wrdreg $0xFFFFFFFF  }
0xa7: {  	s28 =	simm.s32 $_size_execute0_lowered;
	s3 =	sadd.s32 s3, s5;
	[dreg:$0x0] =	wrdreg $0x0  }
0xa8: {  	s5 =	sshll.u32 s28, $0x1;
	[dreg:$0x2] =	wrdreg s3  }
0xa9: {  	[dreg:$0x3] =	wrdreg s5  }
0xaa: {  	[dreg:$0x4] =	wrdreg $0xC0  }
0xab: {  	_ =	task [dreg:s7], $0x5FFFF  }
0xac: {  	[dreg:$0x1] =	wrdreg $0xFFFFFFFF  }
0xad: {  	[dreg:$0x0] =	wrdreg $0x60  }
0xae: {  	[dreg:$0x2] =	wrdreg s24  }
0xaf: {  	[dreg:$0x3] =	wrdreg s2  }
0xb0: {  	[dreg:$0x4] =	wrdreg $0x9  }
0xb1: {  	_ =	task.clear_ibuf [dreg:s7], $0x5FFFF;
	_ =	strace $0x90000046  }
0xb2: {  	s29 =	simm.s32 $0x9;
	_ =	strace $0x80000048  }
0xb3: {  	_ =	swait.ge [sflag:s29], $0x1  }
0xb4: {  	[sflag:s29] =	ssyncadd.s32 $0xFFFFFFFF  }
0xb5: {  	_ =	strace $0x90000048  }
0xb6: {  	_ =	sfence  }
0xb7: {  	s30 =	sld [smem:$0x0];
	_ =	sdelay $0x2  }
0xb8: {  	s31 =	sshll.u32 s1, $0xD;
	s1 =	sshrl.u32 s1, $0x2  }
0xb9: {  	s3 =	sand.u32 $0x4000, s31;
	s1 =	sadd.s32 s1, s30  }
0xba: {  	s0 =	sor.u32 s3, s0;
	s1 =	sshll.u32 s1, $0x11  }
0xbb: {  	s0 =	sor.u32 s1, s0  }
0xbc: {  	s0 =	sadd.s32 $0x8F2B, s0  }
0xbd: {  	[sflag:s0] =	ssyncadd.remote.s32 $0x1  }
0xbe: {  	_ =	sfence.sel $0xFFFF  }
0xbf: {  	[dreg:$0x0] =	wrdreg $0xFFFFFFFF;
	(pc) =	sbr.abs _section_cstart, $3  }
0xc0: {  	[dreg:$0x1] =	wrdreg $0xFFFFFFFF  }
0xc1: {  	_ =	task.clear_ibuf [dreg:s7], $0x2FFFF;
	_ =	strace $0x9FFFFFFF  }
0xc2: {  	(tm) =	ssettm $0x7FFFFFFF  }
0xc3: {  	_ =	shalt  }
tec
execute0_lowered:
.L_overlay_start_1:
0x0: {  	(tag) =	ssettag $0x1  }
0x1: {  	s0 =	rddreg [dreg:$0x0];
	s1 =	simm.s32 $0x0  }
0x2: {  	s30 =	srdreg.scid;
	s9 =	stileid.u32;
	s14 =	simm.s32 $0x1  }
0x3: {  	s17 =	simm.s32 $0x180;
	s13 =	simm.s32 $0x8180;
	s28 =	simm.s32 $0x10180  }
0x4: {  	s12 =	simm.s32 $0x13980;
	s15 =	simm.s32 $0x15180;
	s16 =	simm.s32 $0x15980  }
0x5: {  	s18 =	simm.s32 $0x16180;
	s19 =	simm.s32 $0x16980;
	s20 =	simm.s32 $0x17180  }
0x6: {  	s21 =	simm.s32 $0x17980;
	s22 =	simm.s32 $0x18180;
	s24 =	simm.s32 $0x0  }
0x7: {  	[smem:$0x7FF] =	sst s1;
	s3 =	sadd.s32 $0xC600, s0;
	s5 =	sadd.s32 $0x5C600, s0  }
0x8: {  	s6 =	sadd.s32 $0xAC600, s0;
	s1 =	sand.u32 $0x1, s30;
	s7 =	sadd.s32 $0x2400, s0  }
0x9: {  	s8 =	sadd.s32 $0x7400, s0;
	s9 =	sshll.u32 s9, $0x1;
	s10 =	sadd.s32 $0xC400, s0  }
0xa: {  	v4 =	vlaneseq.u32;
	_ =	strace $0x80000047;
	s2 =	ssub.s32 $0x2, s1;
	[dreg:$0x3] =	wrdreg s10  }
0xb: {  	v0 =	vand.u32 $0x7, v4;
	s1 =	sor.u32 s1, s9;
	s10 =	sadd.s32 $0x19C600, s0;
	s4 =	sshrl.u32 s2, $0x1  }
0xc: {  	vm0 =	vmmov $0xffff;
	v1 =	vshrl.u32 v4, $0x3;
	s0 =	simm.s32 $0x12180;
	s9 =	simm.s32 $0x13180;
	v2 =	vmul.u32 $0x80, v0;
	s2 =	ssub.s32 s2, s4  }
0xd: {  	v3 =	vor.u32 $0x8, v4;
	v4 =	vmul.u32 $0x100, v4;
	v1 =	vmul.u32 $0x8, v1;
	s11 =	smul.u32 $0x28, s1;
	s1 =	simm.s32 $0x14180;
	s31 =	smax.u32 s2, $0x1  }
0xe: {  	s4 =	simm.s32 $0x12980;
	v5 =	vor.u32 $0x40, v2;
	v6 =	vor.u32 $0x400, v2;
	v7 =	vor.u32 $0x440, v2;
	s2 =	simm.s32 $0x14980;
	[dreg:$0x4] =	wrdreg s31  }
.LBB2_1:
0xf: {  	[dreg:$0x5] =	wrdreg s24  }
0x10: {  	s23 =	simm.s32 $0x0;
	s31 =	rddreg [dreg:$0x3];
	s25 =	simm.s32 $0x18380  }
0x11: {  	[tilespmem:s25], [sflag:$0x1] =	stream.linear.gather [hbm4b:s31+s23], $0x80, $0x38;
	[tilespmem:$0x18400] =	vst v63  }
0x12: {  	_ =	swait.ge [sflag:s14], $0x80  }
0x13: {  	[sflag:s14] =	ssyncset.done $0x0  }
0x14: {  	s23 =	simm.s32 $0x0;
	[sflag:s14] =	ssyncadd.s32 $0xFFFFFF80  }
.LBB2_2:
0x15: {  	s24 =	sadd.s32 s11, s23  }
0x16: {  	s25 =	rddreg [dreg:$0x1];
	s26 =	sshll.u32 s24, $0x4  }
0x17: {  	s29 =	sadd.s32 s25, s26;
	s25 =	simm.s32 $0x0  }
0x18: {  	[tilespmem:s25], [sflag:$0x1] =	stream.linear.gather [hbm4b:s29+s25], $0x80, $0x38;
	[tilespmem:$0x18400] =	vst v63  }
0x19: {  	_ =	swait.ge [sflag:s14], $0x80  }
0x1a: {  	[sflag:s14] =	ssyncset.done $0x0  }
0x1b: {  	s30 =	simm.s32 $0x80;
	s31 =	sadd.s32 s7, s26;
	[sflag:s14] =	ssyncadd.s32 $0xFFFFFF80  }
0x1c: {  	[tilespmem:s30], [sflag:$0x1] =	stream.linear.gather [hbm4b:s31+s25], $0x80, $0x38;
	[tilespmem:$0x18400] =	vst v63  }
0x1d: {  	_ =	swait.ge [sflag:s14], $0x80  }
0x1e: {  	[sflag:s14] =	ssyncset.done $0x0  }
0x1f: {  	s26 =	sadd.s32 s8, s26;
	s31 =	simm.s32 $0x100;
	[sflag:s14] =	ssyncadd.s32 $0xFFFFFF80  }
0x20: {  	[tilespmem:s31], [sflag:$0x1] =	stream.linear.gather [hbm4b:s26+s25], $0x80, $0x38;
	[tilespmem:$0x18400] =	vst v63  }
0x21: {  	_ =	swait.ge [sflag:s14], $0x80  }
0x22: {  	[sflag:s14] =	ssyncset.done $0x0  }
0x23: {  	[sflag:s14] =	ssyncadd.s32 $0xFFFFFF80  }
0x24: {  	v8 =	vld [tilespmem:$0x0];
	_ =	sdelay $0x4  }
0x25: {  	v9 =	vshll.u32 v8, $0x1  }
0x26: {  	v8 =	vand.u32 $0x7, v8;
	v9 =	vand.u32 $0xFFFFFFF0, v9  }
0x27: {  	v8 =	vor.u32 v8, v9  }
0x28: {  	v9 =	vperm.xlane v8, v0;
	_ =	sdelay $0x1  }
0x29: {  	v8 =	vperm.xlane v8, v3;
	v9 =	vadd.s32 v1, v9;
	_ =	sdelay $0x1  }
0x2a: {  	v8 =	vadd.s32 v1, v8;
	_ =	sdelay $0x2  }
0x2b: {  	[tilespmem:s17], [sflag:$0x1] =	stream.indirect_vreg.gather [hbm4b:s3+s25], $0x80, v9, vm0, $0xb8;
	[tilespmem:$0x18400] =	vst v63  }
0x2c: {  	s29 =	simm.s32 $0x980  }
0x2d: {  	[tilespmem:s29], [sflag:$0x1] =	stream.indirect_vreg.gather [hbm4b:s3+s25], $0x80, v8, vm0, $0xb8;
	[tilespmem:$0x18400] =	vst v63  }
0x2e: {  	v8 =	vld [tilespmem:$0x10];
	_ =	sdelay $0x4  }
0x2f: {  	v41 =	vshll.u32 v8, $0x1  }
0x30: {  	v8 =	vand.u32 $0x7, v8;
	v9 =	vand.u32 $0xFFFFFFF0, v41  }
0x31: {  	v8 =	vor.u32 v8, v9  }
0x32: {  	v9 =	vperm.xlane v8, v0;
	_ =	sdelay $0x1  }
0x33: {  	v8 =	vperm.xlane v8, v3;
	v9 =	vadd.s32 v1, v9;
	_ =	sdelay $0x1  }
0x34: {  	v8 =	vadd.s32 v1, v8;
	_ =	sdelay $0x1  }
0x35: {  	s30 =	simm.s32 $0x1180  }
0x36: {  	[tilespmem:s30], [sflag:$0x1] =	stream.indirect_vreg.gather [hbm4b:s3+s25], $0x80, v9, vm0, $0xb8;
	[tilespmem:$0x18400] =	vst v63  }
0x37: {  	s31 =	simm.s32 $0x1980  }
0x38: {  	[tilespmem:s31], [sflag:$0x1] =	stream.indirect_vreg.gather [hbm4b:s3+s25], $0x80, v8, vm0, $0xb8;
	[tilespmem:$0x18400] =	vst v63  }
0x39: {  	v8 =	vld [tilespmem:$0x20];
	_ =	sdelay $0x4  }
0x3a: {  	v42 =	vshll.u32 v8, $0x1  }
0x3b: {  	v8 =	vand.u32 $0x7, v8;
	v9 =	vand.u32 $0xFFFFFFF0, v42  }
0x3c: {  	v8 =	vor.u32 v8, v9  }
0x3d: {  	v9 =	vperm.xlane v8, v0;
	_ =	sdelay $0x1  }
0x3e: {  	v8 =	vperm.xlane v8, v3;
	v9 =	vadd.s32 v1, v9;
	_ =	sdelay $0x1  }
0x3f: {  	v8 =	vadd.s32 v1, v8;
	_ =	sdelay $0x1  }
0x40: {  	s29 =	simm.s32 $0x2180  }
0x41: {  	[tilespmem:s29], [sflag:$0x1] =	stream.indirect_vreg.gather [hbm4b:s3+s25], $0x80, v9, vm0, $0xb8;
	[tilespmem:$0x18400] =	vst v63  }
0x42: {  	s30 =	simm.s32 $0x2980  }
0x43: {  	[tilespmem:s30], [sflag:$0x1] =	stream.indirect_vreg.gather [hbm4b:s3+s25], $0x80, v8, vm0, $0xb8;
	[tilespmem:$0x18400] =	vst v63  }
0x44: {  	v8 =	vld [tilespmem:$0x30];
	_ =	sdelay $0x4  }
0x45: {  	v43 =	vshll.u32 v8, $0x1  }
0x46: {  	v8 =	vand.u32 $0x7, v8;
	v9 =	vand.u32 $0xFFFFFFF0, v43  }
0x47: {  	v8 =	vor.u32 v8, v9  }
0x48: {  	v9 =	vperm.xlane v8, v0;
	_ =	sdelay $0x1  }
0x49: {  	v8 =	vperm.xlane v8, v3;
	v9 =	vadd.s32 v1, v9;
	_ =	sdelay $0x1  }
0x4a: {  	v8 =	vadd.s32 v1, v8;
	_ =	sdelay $0x1  }
0x4b: {  	s31 =	simm.s32 $0x3180  }
0x4c: {  	[tilespmem:s31], [sflag:$0x1] =	stream.indirect_vreg.gather [hbm4b:s3+s25], $0x80, v9, vm0, $0xb8;
	[tilespmem:$0x18400] =	vst v63  }
0x4d: {  	s29 =	simm.s32 $0x3980  }
0x4e: {  	[tilespmem:s29], [sflag:$0x1] =	stream.indirect_vreg.gather [hbm4b:s3+s25], $0x80, v8, vm0, $0xb8;
	[tilespmem:$0x18400] =	vst v63  }
0x4f: {  	v8 =	vld [tilespmem:$0x40];
	_ =	sdelay $0x4  }
0x50: {  	v44 =	vshll.u32 v8, $0x1  }
0x51: {  	v8 =	vand.u32 $0x7, v8;
	v9 =	vand.u32 $0xFFFFFFF0, v44  }
0x52: {  	v8 =	vor.u32 v8, v9  }
0x53: {  	v9 =	vperm.xlane v8, v0;
	_ =	sdelay $0x1  }
0x54: {  	v8 =	vperm.xlane v8, v3;
	v9 =	vadd.s32 v1, v9;
	_ =	sdelay $0x1  }
0x55: {  	v8 =	vadd.s32 v1, v8;
	_ =	sdelay $0x1  }
0x56: {  	s30 =	simm.s32 $0x4180  }
0x57: {  	[tilespmem:s30], [sflag:$0x1] =	stream.indirect_vreg.gather [hbm4b:s3+s25], $0x80, v9, vm0, $0xb8;
	[tilespmem:$0x18400] =	vst v63  }
0x58: {  	s31 =	simm.s32 $0x4980  }
0x59: {  	[tilespmem:s31], [sflag:$0x1] =	stream.indirect_vreg.gather [hbm4b:s3+s25], $0x80, v8, vm0, $0xb8;
	[tilespmem:$0x18400] =	vst v63  }
0x5a: {  	v8 =	vld [tilespmem:$0x50];
	_ =	sdelay $0x4  }
0x5b: {  	v45 =	vshll.u32 v8, $0x1  }
0x5c: {  	v8 =	vand.u32 $0x7, v8;
	v9 =	vand.u32 $0xFFFFFFF0, v45  }
0x5d: {  	v8 =	vor.u32 v8, v9  }
0x5e: {  	v9 =	vperm.xlane v8, v0;
	_ =	sdelay $0x1  }
0x5f: {  	v8 =	vperm.xlane v8, v3;
	v9 =	vadd.s32 v1, v9;
	_ =	sdelay $0x1  }
0x60: {  	v8 =	vadd.s32 v1, v8;
	_ =	sdelay $0x1  }
0x61: {  	s29 =	simm.s32 $0x5180  }
0x62: {  	[tilespmem:s29], [sflag:$0x1] =	stream.indirect_vreg.gather [hbm4b:s3+s25], $0x80, v9, vm0, $0xb8;
	[tilespmem:$0x18400] =	vst v63  }
0x63: {  	s30 =	simm.s32 $0x5980  }
0x64: {  	[tilespmem:s30], [sflag:$0x1] =	stream.indirect_vreg.gather [hbm4b:s3+s25], $0x80, v8, vm0, $0xb8;
	[tilespmem:$0x18400] =	vst v63  }
0x65: {  	v8 =	vld [tilespmem:$0x60];
	_ =	sdelay $0x4  }
0x66: {  	v46 =	vshll.u32 v8, $0x1  }
0x67: {  	v8 =	vand.u32 $0x7, v8;
	v9 =	vand.u32 $0xFFFFFFF0, v46  }
0x68: {  	v8 =	vor.u32 v8, v9  }
0x69: {  	v9 =	vperm.xlane v8, v0;
	_ =	sdelay $0x1  }
0x6a: {  	v8 =	vperm.xlane v8, v3;
	v9 =	vadd.s32 v1, v9;
	_ =	sdelay $0x1  }
0x6b: {  	v8 =	vadd.s32 v1, v8;
	_ =	sdelay $0x1  }
0x6c: {  	s31 =	simm.s32 $0x6180  }
0x6d: {  	[tilespmem:s31], [sflag:$0x1] =	stream.indirect_vreg.gather [hbm4b:s3+s25], $0x80, v9, vm0, $0xb8;
	[tilespmem:$0x18400] =	vst v63  }
0x6e: {  	s29 =	simm.s32 $0x6980  }
0x6f: {  	[tilespmem:s29], [sflag:$0x1] =	stream.indirect_vreg.gather [hbm4b:s3+s25], $0x80, v8, vm0, $0xb8;
	[tilespmem:$0x18400] =	vst v63  }
0x70: {  	v8 =	vld [tilespmem:$0x70];
	_ =	sdelay $0x4  }
0x71: {  	v47 =	vshll.u32 v8, $0x1  }
0x72: {  	v8 =	vand.u32 $0x7, v8;
	v9 =	vand.u32 $0xFFFFFFF0, v47  }
0x73: {  	v8 =	vor.u32 v8, v9  }
0x74: {  	v9 =	vperm.xlane v8, v0;
	_ =	sdelay $0x1  }
0x75: {  	v8 =	vperm.xlane v8, v3;
	v9 =	vadd.s32 v1, v9;
	_ =	sdelay $0x1  }
0x76: {  	v8 =	vadd.s32 v1, v8;
	_ =	sdelay $0x1  }
0x77: {  	s30 =	simm.s32 $0x7180  }
0x78: {  	[tilespmem:s30], [sflag:$0x1] =	stream.indirect_vreg.gather [hbm4b:s3+s25], $0x80, v9, vm0, $0xb8;
	[tilespmem:$0x18400] =	vst v63  }
0x79: {  	s31 =	simm.s32 $0x7980  }
0x7a: {  	[tilespmem:s31], [sflag:$0x1] =	stream.indirect_vreg.gather [hbm4b:s3+s25], $0x80, v8, vm0, $0xb8;
	[tilespmem:$0x18400] =	vst v63  }
0x7b: {  	_ =	swait.ge [sflag:s14], $0x8000  }
0x7c: {  	[sflag:s14] =	ssyncset.done $0x0  }
0x7d: {  	[sflag:s14] =	ssyncadd.s32 $0xFFFF8000  }
0x7e: {  	v8 =	vld [tilespmem:$0x80];
	_ =	sdelay $0x4  }
0x7f: {  	v48 =	vshll.u32 v8, $0x1  }
0x80: {  	v8 =	vand.u32 $0x7, v8;
	v9 =	vand.u32 $0xFFFFFFF0, v48  }
0x81: {  	v8 =	vor.u32 v8, v9  }
0x82: {  	v9 =	vperm.xlane v8, v0;
	_ =	sdelay $0x1  }
0x83: {  	v8 =	vperm.xlane v8, v3;
	v9 =	vadd.s32 v1, v9;
	_ =	sdelay $0x1  }
0x84: {  	v8 =	vadd.s32 v1, v8;
	_ =	sdelay $0x2  }
0x85: {  	[tilespmem:s13], [sflag:$0x1] =	stream.indirect_vreg.gather [hbm4b:s5+s25], $0x80, v9, vm0, $0xb8;
	[tilespmem:$0x18400] =	vst v63  }
0x86: {  	s29 =	simm.s32 $0x8980  }
0x87: {  	[tilespmem:s29], [sflag:$0x1] =	stream.indirect_vreg.gather [hbm4b:s5+s25], $0x80, v8, vm0, $0xb8;
	[tilespmem:$0x18400] =	vst v63  }
0x88: {  	v8 =	vld [tilespmem:$0x90];
	_ =	sdelay $0x4  }
0x89: {  	v49 =	vshll.u32 v8, $0x1  }
0x8a: {  	v8 =	vand.u32 $0x7, v8;
	v9 =	vand.u32 $0xFFFFFFF0, v49  }
0x8b: {  	v8 =	vor.u32 v8, v9  }
0x8c: {  	v9 =	vperm.xlane v8, v0;
	_ =	sdelay $0x1  }
0x8d: {  	v8 =	vperm.xlane v8, v3;
	v9 =	vadd.s32 v1, v9;
	_ =	sdelay $0x1  }
0x8e: {  	v8 =	vadd.s32 v1, v8;
	_ =	sdelay $0x1  }
0x8f: {  	s30 =	simm.s32 $0x9180  }
0x90: {  	[tilespmem:s30], [sflag:$0x1] =	stream.indirect_vreg.gather [hbm4b:s5+s25], $0x80, v9, vm0, $0xb8;
	[tilespmem:$0x18400] =	vst v63  }
0x91: {  	s31 =	simm.s32 $0x9980  }
0x92: {  	[tilespmem:s31], [sflag:$0x1] =	stream.indirect_vreg.gather [hbm4b:s5+s25], $0x80, v8, vm0, $0xb8;
	[tilespmem:$0x18400] =	vst v63  }
0x93: {  	v8 =	vld [tilespmem:$0xA0];
	_ =	sdelay $0x4  }
0x94: {  	v50 =	vshll.u32 v8, $0x1  }
0x95: {  	v8 =	vand.u32 $0x7, v8;
	v9 =	vand.u32 $0xFFFFFFF0, v50  }
0x96: {  	v8 =	vor.u32 v8, v9  }
0x97: {  	v9 =	vperm.xlane v8, v0;
	_ =	sdelay $0x1  }
0x98: {  	v8 =	vperm.xlane v8, v3;
	v9 =	vadd.s32 v1, v9;
	_ =	sdelay $0x1  }
0x99: {  	v8 =	vadd.s32 v1, v8;
	_ =	sdelay $0x1  }
0x9a: {  	s29 =	simm.s32 $0xA180  }
0x9b: {  	[tilespmem:s29], [sflag:$0x1] =	stream.indirect_vreg.gather [hbm4b:s5+s25], $0x80, v9, vm0, $0xb8;
	[tilespmem:$0x18400] =	vst v63  }
0x9c: {  	s30 =	simm.s32 $0xA980  }
0x9d: {  	[tilespmem:s30], [sflag:$0x1] =	stream.indirect_vreg.gather [hbm4b:s5+s25], $0x80, v8, vm0, $0xb8;
	[tilespmem:$0x18400] =	vst v63  }
0x9e: {  	v8 =	vld [tilespmem:$0xB0];
	_ =	sdelay $0x4  }
0x9f: {  	v51 =	vshll.u32 v8, $0x1  }
0xa0: {  	v8 =	vand.u32 $0x7, v8;
	v9 =	vand.u32 $0xFFFFFFF0, v51  }
0xa1: {  	v8 =	vor.u32 v8, v9  }
0xa2: {  	v9 =	vperm.xlane v8, v0;
	_ =	sdelay $0x1  }
0xa3: {  	v8 =	vperm.xlane v8, v3;
	v9 =	vadd.s32 v1, v9;
	_ =	sdelay $0x1  }
0xa4: {  	v8 =	vadd.s32 v1, v8;
	_ =	sdelay $0x1  }
0xa5: {  	s31 =	simm.s32 $0xB180  }
0xa6: {  	[tilespmem:s31], [sflag:$0x1] =	stream.indirect_vreg.gather [hbm4b:s5+s25], $0x80, v9, vm0, $0xb8;
	[tilespmem:$0x18400] =	vst v63  }
0xa7: {  	s29 =	simm.s32 $0xB980  }
0xa8: {  	[tilespmem:s29], [sflag:$0x1] =	stream.indirect_vreg.gather [hbm4b:s5+s25], $0x80, v8, vm0, $0xb8;
	[tilespmem:$0x18400] =	vst v63  }
0xa9: {  	v8 =	vld [tilespmem:$0xC0];
	_ =	sdelay $0x4  }
0xaa: {  	v52 =	vshll.u32 v8, $0x1  }
0xab: {  	v8 =	vand.u32 $0x7, v8;
	v9 =	vand.u32 $0xFFFFFFF0, v52  }
0xac: {  	v8 =	vor.u32 v8, v9  }
0xad: {  	v9 =	vperm.xlane v8, v0;
	_ =	sdelay $0x1  }
0xae: {  	v8 =	vperm.xlane v8, v3;
	v9 =	vadd.s32 v1, v9;
	_ =	sdelay $0x1  }
0xaf: {  	v8 =	vadd.s32 v1, v8;
	_ =	sdelay $0x1  }
0xb0: {  	s30 =	simm.s32 $0xC180  }
0xb1: {  	[tilespmem:s30], [sflag:$0x1] =	stream.indirect_vreg.gather [hbm4b:s5+s25], $0x80, v9, vm0, $0xb8;
	[tilespmem:$0x18400] =	vst v63  }
0xb2: {  	s31 =	simm.s32 $0xC980  }
0xb3: {  	[tilespmem:s31], [sflag:$0x1] =	stream.indirect_vreg.gather [hbm4b:s5+s25], $0x80, v8, vm0, $0xb8;
	[tilespmem:$0x18400] =	vst v63  }
0xb4: {  	v8 =	vld [tilespmem:$0xD0];
	_ =	sdelay $0x4  }
0xb5: {  	v53 =	vshll.u32 v8, $0x1  }
0xb6: {  	v8 =	vand.u32 $0x7, v8;
	v9 =	vand.u32 $0xFFFFFFF0, v53  }
0xb7: {  	v8 =	vor.u32 v8, v9  }
0xb8: {  	v9 =	vperm.xlane v8, v0;
	_ =	sdelay $0x1  }
0xb9: {  	v8 =	vperm.xlane v8, v3;
	v9 =	vadd.s32 v1, v9;
	_ =	sdelay $0x1  }
0xba: {  	v8 =	vadd.s32 v1, v8;
	_ =	sdelay $0x1  }
0xbb: {  	s29 =	simm.s32 $0xD180  }
0xbc: {  	[tilespmem:s29], [sflag:$0x1] =	stream.indirect_vreg.gather [hbm4b:s5+s25], $0x80, v9, vm0, $0xb8;
	[tilespmem:$0x18400] =	vst v63  }
0xbd: {  	s30 =	simm.s32 $0xD980  }
0xbe: {  	[tilespmem:s30], [sflag:$0x1] =	stream.indirect_vreg.gather [hbm4b:s5+s25], $0x80, v8, vm0, $0xb8;
	[tilespmem:$0x18400] =	vst v63  }
0xbf: {  	v8 =	vld [tilespmem:$0xE0];
	_ =	sdelay $0x4  }
0xc0: {  	v54 =	vshll.u32 v8, $0x1  }
0xc1: {  	v8 =	vand.u32 $0x7, v8;
	v9 =	vand.u32 $0xFFFFFFF0, v54  }
0xc2: {  	v8 =	vor.u32 v8, v9  }
0xc3: {  	v9 =	vperm.xlane v8, v0;
	_ =	sdelay $0x1  }
0xc4: {  	v8 =	vperm.xlane v8, v3;
	v9 =	vadd.s32 v1, v9;
	_ =	sdelay $0x1  }
0xc5: {  	v8 =	vadd.s32 v1, v8;
	_ =	sdelay $0x1  }
0xc6: {  	s31 =	simm.s32 $0xE180  }
0xc7: {  	[tilespmem:s31], [sflag:$0x1] =	stream.indirect_vreg.gather [hbm4b:s5+s25], $0x80, v9, vm0, $0xb8;
	[tilespmem:$0x18400] =	vst v63  }
0xc8: {  	s29 =	simm.s32 $0xE980  }
0xc9: {  	[tilespmem:s29], [sflag:$0x1] =	stream.indirect_vreg.gather [hbm4b:s5+s25], $0x80, v8, vm0, $0xb8;
	[tilespmem:$0x18400] =	vst v63  }
0xca: {  	v8 =	vld [tilespmem:$0xF0];
	_ =	sdelay $0x4  }
0xcb: {  	v55 =	vshll.u32 v8, $0x1  }
0xcc: {  	v8 =	vand.u32 $0x7, v8;
	v9 =	vand.u32 $0xFFFFFFF0, v55  }
0xcd: {  	v8 =	vor.u32 v8, v9  }
0xce: {  	v9 =	vperm.xlane v8, v0;
	_ =	sdelay $0x1  }
0xcf: {  	v8 =	vperm.xlane v8, v3;
	v9 =	vadd.s32 v1, v9;
	_ =	sdelay $0x1  }
0xd0: {  	v8 =	vadd.s32 v1, v8;
	_ =	sdelay $0x1  }
0xd1: {  	s30 =	simm.s32 $0xF180  }
0xd2: {  	[tilespmem:s30], [sflag:$0x1] =	stream.indirect_vreg.gather [hbm4b:s5+s25], $0x80, v9, vm0, $0xb8;
	[tilespmem:$0x18400] =	vst v63  }
0xd3: {  	s31 =	simm.s32 $0xF980  }
0xd4: {  	[tilespmem:s31], [sflag:$0x1] =	stream.indirect_vreg.gather [hbm4b:s5+s25], $0x80, v8, vm0, $0xb8;
	[tilespmem:$0x18400] =	vst v63  }
0xd5: {  	_ =	swait.ge [sflag:s14], $0x8000  }
0xd6: {  	[sflag:s14] =	ssyncset.done $0x0  }
0xd7: {  	[sflag:s14] =	ssyncadd.s32 $0xFFFF8000  }
0xd8: {  	v8 =	vld [tilespmem:$0x100];
	_ =	sdelay $0x4  }
0xd9: {  	v56 =	vshll.u32 v8, $0x1  }
0xda: {  	v8 =	vand.u32 $0x7, v8;
	v9 =	vand.u32 $0xFFFFFFF0, v56  }
0xdb: {  	v8 =	vor.u32 v8, v9  }
0xdc: {  	v9 =	vperm.xlane v8, v0;
	_ =	sdelay $0x1  }
0xdd: {  	v8 =	vperm.xlane v8, v3;
	v9 =	vadd.s32 v1, v9;
	_ =	sdelay $0x1  }
0xde: {  	v8 =	vadd.s32 v1, v8;
	_ =	sdelay $0x2  }
0xdf: {  	[tilespmem:s28], [sflag:$0x1] =	stream.indirect_vreg.gather [hbm4b:s6+s25], $0x80, v9, vm0, $0xb8;
	[tilespmem:$0x18400] =	vst v63  }
0xe0: {  	s29 =	simm.s32 $0x10980  }
0xe1: {  	[tilespmem:s29], [sflag:$0x1] =	stream.indirect_vreg.gather [hbm4b:s6+s25], $0x80, v8, vm0, $0xb8;
	[tilespmem:$0x18400] =	vst v63  }
0xe2: {  	v8 =	vld [tilespmem:$0x110];
	_ =	sdelay $0x4  }
0xe3: {  	v57 =	vshll.u32 v8, $0x1  }
0xe4: {  	v8 =	vand.u32 $0x7, v8;
	v9 =	vand.u32 $0xFFFFFFF0, v57  }
0xe5: {  	v8 =	vor.u32 v8, v9  }
0xe6: {  	v9 =	vperm.xlane v8, v0;
	_ =	sdelay $0x1  }
0xe7: {  	v8 =	vperm.xlane v8, v3;
	v9 =	vadd.s32 v1, v9;
	_ =	sdelay $0x1  }
0xe8: {  	v8 =	vadd.s32 v1, v8;
	_ =	sdelay $0x1  }
0xe9: {  	s30 =	simm.s32 $0x11180  }
0xea: {  	[tilespmem:s30], [sflag:$0x1] =	stream.indirect_vreg.gather [hbm4b:s6+s25], $0x80, v9, vm0, $0xb8;
	[tilespmem:$0x18400] =	vst v63  }
0xeb: {  	s31 =	simm.s32 $0x11980  }
0xec: {  	[tilespmem:s31], [sflag:$0x1] =	stream.indirect_vreg.gather [hbm4b:s6+s25], $0x80, v8, vm0, $0xb8;
	[tilespmem:$0x18400] =	vst v63  }
0xed: {  	v8 =	vld [tilespmem:$0x120];
	_ =	sdelay $0x4  }
0xee: {  	v58 =	vshll.u32 v8, $0x1  }
0xef: {  	v8 =	vand.u32 $0x7, v8;
	v9 =	vand.u32 $0xFFFFFFF0, v58  }
0xf0: {  	v8 =	vor.u32 v8, v9  }
0xf1: {  	v9 =	vperm.xlane v8, v0;
	_ =	sdelay $0x1  }
0xf2: {  	v8 =	vperm.xlane v8, v3;
	v9 =	vadd.s32 v1, v9;
	_ =	sdelay $0x1  }
0xf3: {  	v8 =	vadd.s32 v1, v8;
	_ =	sdelay $0x2  }
0xf4: {  	[tilespmem:s0], [sflag:$0x1] =	stream.indirect_vreg.gather [hbm4b:s6+s25], $0x80, v9, vm0, $0xb8;
	[tilespmem:$0x18400] =	vst v63  }
0xf5: {  	_ = 	snop  }
0xf6: {  	[tilespmem:s4], [sflag:$0x1] =	stream.indirect_vreg.gather [hbm4b:s6+s25], $0x80, v8, vm0, $0xb8;
	[tilespmem:$0x18400] =	vst v63  }
0xf7: {  	v8 =	vld [tilespmem:$0x130];
	_ =	sdelay $0x4  }
0xf8: {  	v59 =	vshll.u32 v8, $0x1  }
0xf9: {  	v8 =	vand.u32 $0x7, v8;
	v9 =	vand.u32 $0xFFFFFFF0, v59  }
0xfa: {  	v8 =	vor.u32 v8, v9  }
0xfb: {  	v9 =	vperm.xlane v8, v0;
	_ =	sdelay $0x1  }
0xfc: {  	v8 =	vperm.xlane v8, v3;
	v9 =	vadd.s32 v1, v9;
	_ =	sdelay $0x1  }
0xfd: {  	v8 =	vadd.s32 v1, v8;
	_ =	sdelay $0x2  }
0xfe: {  	[tilespmem:s9], [sflag:$0x1] =	stream.indirect_vreg.gather [hbm4b:s6+s25], $0x80, v9, vm0, $0xb8;
	[tilespmem:$0x18400] =	vst v63  }
0xff: {  	_ = 	snop  }
0x100: {  	[tilespmem:s12], [sflag:$0x1] =	stream.indirect_vreg.gather [hbm4b:s6+s25], $0x80, v8, vm0, $0xb8;
	[tilespmem:$0x18400] =	vst v63  }
0x101: {  	v8 =	vld [tilespmem:$0x140];
	_ =	sdelay $0x4  }
0x102: {  	v60 =	vshll.u32 v8, $0x1  }
0x103: {  	v8 =	vand.u32 $0x7, v8;
	v9 =	vand.u32 $0xFFFFFFF0, v60  }
0x104: {  	v8 =	vor.u32 v8, v9  }
0x105: {  	v9 =	vperm.xlane v8, v0;
	_ =	sdelay $0x1  }
0x106: {  	v8 =	vperm.xlane v8, v3;
	v9 =	vadd.s32 v1, v9;
	_ =	sdelay $0x1  }
0x107: {  	v8 =	vadd.s32 v1, v8;
	_ =	sdelay $0x2  }
0x108: {  	[tilespmem:s1], [sflag:$0x1] =	stream.indirect_vreg.gather [hbm4b:s6+s25], $0x80, v9, vm0, $0xb8;
	[tilespmem:$0x18400] =	vst v63  }
0x109: {  	_ = 	snop  }
0x10a: {  	[tilespmem:s2], [sflag:$0x1] =	stream.indirect_vreg.gather [hbm4b:s6+s25], $0x80, v8, vm0, $0xb8;
	[tilespmem:$0x18400] =	vst v63  }
0x10b: {  	v8 =	vld [tilespmem:$0x150];
	_ =	sdelay $0x4  }
0x10c: {  	v61 =	vshll.u32 v8, $0x1  }
0x10d: {  	v8 =	vand.u32 $0x7, v8;
	v9 =	vand.u32 $0xFFFFFFF0, v61  }
0x10e: {  	v8 =	vor.u32 v8, v9  }
0x10f: {  	v9 =	vperm.xlane v8, v0;
	_ =	sdelay $0x1  }
0x110: {  	v8 =	vperm.xlane v8, v3;
	v9 =	vadd.s32 v1, v9;
	_ =	sdelay $0x1  }
0x111: {  	v8 =	vadd.s32 v1, v8;
	_ =	sdelay $0x2  }
0x112: {  	[tilespmem:s15], [sflag:$0x1] =	stream.indirect_vreg.gather [hbm4b:s6+s25], $0x80, v9, vm0, $0xb8;
	[tilespmem:$0x18400] =	vst v63  }
0x113: {  	_ = 	snop  }
0x114: {  	[tilespmem:s16], [sflag:$0x1] =	stream.indirect_vreg.gather [hbm4b:s6+s25], $0x80, v8, vm0, $0xb8;
	[tilespmem:$0x18400] =	vst v63  }
0x115: {  	v8 =	vld [tilespmem:$0x160];
	_ =	sdelay $0x4  }
0x116: {  	v62 =	vshll.u32 v8, $0x1  }
0x117: {  	v8 =	vand.u32 $0x7, v8;
	v9 =	vand.u32 $0xFFFFFFF0, v62  }
0x118: {  	v8 =	vor.u32 v8, v9  }
0x119: {  	v9 =	vperm.xlane v8, v0;
	_ =	sdelay $0x1  }
0x11a: {  	v8 =	vperm.xlane v8, v3;
	v9 =	vadd.s32 v1, v9;
	_ =	sdelay $0x1  }
0x11b: {  	v8 =	vadd.s32 v1, v8;
	_ =	sdelay $0x2  }
0x11c: {  	[tilespmem:s18], [sflag:$0x1] =	stream.indirect_vreg.gather [hbm4b:s6+s25], $0x80, v9, vm0, $0xb8;
	[tilespmem:$0x18400] =	vst v63  }
0x11d: {  	_ = 	snop  }
0x11e: {  	[tilespmem:s19], [sflag:$0x1] =	stream.indirect_vreg.gather [hbm4b:s6+s25], $0x80, v8, vm0, $0xb8;
	[tilespmem:$0x18400] =	vst v63  }
0x11f: {  	v8 =	vld [tilespmem:$0x170];
	_ =	sdelay $0x4  }
0x120: {  	v63 =	vshll.u32 v8, $0x1  }
0x121: {  	v8 =	vand.u32 $0x7, v8;
	v9 =	vand.u32 $0xFFFFFFF0, v63  }
0x122: {  	v8 =	vor.u32 v8, v9  }
0x123: {  	v9 =	vperm.xlane v8, v0;
	_ =	sdelay $0x1  }
0x124: {  	v8 =	vperm.xlane v8, v3;
	v9 =	vadd.s32 v1, v9;
	_ =	sdelay $0x1  }
0x125: {  	v8 =	vadd.s32 v1, v8;
	_ =	sdelay $0x2  }
0x126: {  	[tilespmem:s20], [sflag:$0x1] =	stream.indirect_vreg.gather [hbm4b:s6+s25], $0x80, v9, vm0, $0xb8;
	[tilespmem:$0x18400] =	vst v63  }
0x127: {  	_ = 	snop  }
0x128: {  	[tilespmem:s21], [sflag:$0x1] =	stream.indirect_vreg.gather [hbm4b:s6+s25], $0x80, v8, vm0, $0xb8;
	[tilespmem:$0x18400] =	vst v63  }
0x129: {  	_ =	swait.ge [sflag:s14], $0x8000  }
0x12a: {  	[sflag:s14] =	ssyncset.done $0x0  }
0x12b: {  	s26 =	simm.s32 $0x0;
	[sflag:s14] =	ssyncadd.s32 $0xFFFF8000  }
.LBB2_3:
0x12c: {  	s29 =	sshll.u32 s26, $0x4  }
0x12d: {  	v8 =	vmov s29  }
0x12e: {  	v8 =	vshll.u32 v8, $0x8  }
0x12f: {  	v8 =	vor.u32 v4, v8  }
0x130: {  	v10 =	vand.u32 $0x7800, v8  }
0x131: {  	v8 =	vor.u32 v2, v10  }
0x132: {  	v9 =	vor.u32 v5, v10;
	v13 =	vor.u32 s25, v8  }
0x133: {  	v14 =	vor.u32 s25, v9;
	_ =	sdelay $0x3  }
0x134: {  	v11 =	vor.u32 v6, v10;
	v16 =	vld.idx.msk [tilespmem:v13+s28+$0x0], $0xffff  }
0x135: {  	v12 =	vor.u32 v7, v10;
	v15 =	vor.u32 s25, v11;
	v10 =	vld.idx.msk [tilespmem:v14+s28+$0x0], $0xffff  }
0x136: {  	v18 =	vor.u32 s25, v12;
	v17 =	vld.idx.msk [tilespmem:v13+s17+$0x0], $0xffff  }
0x137: {  	v13 =	vld.idx.msk [tilespmem:v13+s13+$0x0], $0xffff  }
0x138: {  	v20 =	vld.idx.msk [tilespmem:v14+s17+$0x0], $0xffff  }
0x139: {  	v21 =	vld.idx.msk [tilespmem:v14+s13+$0x0], $0xffff  }
0x13a: {  	s31 =	simm.s32 $0x1;
	v24 =	vld.idx.msk [tilespmem:v15+s17+$0x0], $0xffff  }
0x13b: {  	v29 =	vor.u32 s31, v8;
	v25 =	vld.idx.msk [tilespmem:v18+s17+$0x0], $0xffff  }
0x13c: {  	v26 =	vld.idx.msk [tilespmem:v18+s13+$0x0], $0xffff  }
0x13d: {  	v22 =	vor.u32 s31, v9;
	v28 =	vld.idx.msk [tilespmem:v15+s13+$0x0], $0xffff  }
0x13e: {  	v18 =	vld.idx.msk [tilespmem:v18+s28+$0x0], $0xffff  }
0x13f: {  	v23 =	vld.idx.msk [tilespmem:v15+s28+$0x0], $0xffff  }
0x140: {  	s30 =	simm.s32 $0x18380;
	v19 =	vld.idx.msk [tilespmem:v29+s28+$0x0], $0xffff;
	v13 =	vadd.f32 v13, v17  }
0x141: {  	v14 =	vimm.f32 $0.0e+00;
	v15 =	vld.msk [tilespmem:s30+$0x0 ss:$0x0], $0xffff;
	v21 =	vadd.f32 v21, v20;
	v30 =	vadd.f32 v26, v25  }
0x142: {  	v17 =	vld.idx.msk [tilespmem:v22+s28+$0x0], $0xffff;
	v20 =	vor.u32 s31, v11;
	v26 =	vadd.f32 v28, v24;
	v27 =	vadd.f32 v16, v13  }
0x143: {  	v24 =	vor.u32 s31, v12;
	v16 =	vld.idx.msk [tilespmem:v29+s17+$0x0], $0xffff;
	v25 =	vadd.f32 v10, v21;
	v28 =	vadd.f32 v18, v30  }
0x144: {  	s31 =	simm.s32 $0x2;
	v21 =	vld.idx.msk [tilespmem:v29+s13+$0x0], $0xffff;
	v18 =	vimm.f32 $0.0e+00;
	v13 =	vimm.f32 $0.0e+00;
	v10 =	vimm.f32 $0.0e+00  }
.LBB2_4:
0x145: {  	p0 =	sne.s32 s31, $0x3F;
	v29 =	vld.idx.msk [tilespmem:v22+s17+$0x0], $0xffff;
	v23 =	vadd.f32 v23, v26  }
0x146: {  	v26 =	vld.idx.msk [tilespmem:v22+s13+$0x0], $0xffff;
	v22 =	vmax.f32 v27, $0.0e+00;
	v25 =	vmax.f32 v25, $0.0e+00;
	v27 =	vmax.f32 v28, $0.0e+00;
	v28 =	vmovc v19  }
0x147: {  	v30 =	vld.idx.msk [tilespmem:v20+s17+$0x0], $0xffff;
	v19 =	vmul.f32 v22, v15;
	v22 =	vmax.f32 v23, $0.0e+00;
	v23 =	vmul.f32 v27, v15  }
0x148: {  	v31 =	vor.u32 s31, v8;
	v25 =	vmul.f32 v25, v15;
	v32 =	vmovc v17;
	v27 =	vld.idx.msk [tilespmem:v24+s17+$0x0], $0xffff;
	v15 =	vmul.f32 v22, v15  }
0x149: {  	v33 =	vld.idx.msk [tilespmem:v24+s13+$0x0], $0xffff;
	v14 =	vadd.f32 v19, v14;
	v18 =	vadd.f32 v23, v18  }
0x14a: {  	v22 =	vor.u32 s31, v9;
	v13 =	vadd.f32 v25, v13;
	v34 =	vld.idx.msk [tilespmem:v20+s13+$0x0], $0xffff;
	v10 =	vadd.f32 v15, v10  }
0x14b: {  	v35 =	vld.idx.msk [tilespmem:v24+s28+$0x0], $0xffff  }
0x14c: {  	v23 =	vld.idx.msk [tilespmem:v20+s28+$0x0], $0xffff  }
.Ltmp0:
0x14d: {  	s30 =	sadd.s32 $0x1, s30;
	v19 =	vld.idx.msk [tilespmem:v31+s28+$0x0], $0xffff;
	(pc) =	sbr.rel @p0 .LBB2_4-.Ltmp0, $4  }
0x14e: {  	v21 =	vadd.f32 v21, v16;
	v15 =	vld.msk [tilespmem:s30+$0x0 ss:$0x0], $0xffff  }
0x14f: {  	v25 =	vadd.f32 v26, v29;
	v20 =	vor.u32 s31, v11;
	v29 =	vadd.f32 v33, v27;
	v17 =	vld.idx.msk [tilespmem:v22+s28+$0x0], $0xffff  }
0x150: {  	v24 =	vor.u32 s31, v12;
	v27 =	vadd.f32 v28, v21;
	v26 =	vadd.f32 v34, v30;
	v16 =	vld.idx.msk [tilespmem:v31+s17+$0x0], $0xffff  }
0x151: {  	s31 =	sadd.s32 $0x1, s31;
	v25 =	vadd.f32 v32, v25;
	v28 =	vadd.f32 v35, v29;
	v21 =	vld.idx.msk [tilespmem:v31+s13+$0x0], $0xffff  }
0x152: {  	_ =	sdelay $0x3  }
0x153: {  	v8 =	vld.idx.msk [tilespmem:v22+s17+$0x0], $0xffff  }
0x154: {  	v9 =	vld.idx.msk [tilespmem:v22+s13+$0x0], $0xffff  }
0x155: {  	v11 =	vld.idx.msk [tilespmem:v20+s17+$0x0], $0xffff  }
0x156: {  	v12 =	vld.idx.msk [tilespmem:v24+s17+$0x0], $0xffff  }
0x157: {  	v41 =	vmax.f32 v27, $0.0e+00;
	v42 =	vld.idx.msk [tilespmem:v24+s13+$0x0], $0xffff  }
0x158: {  	v29 =	vld.idx.msk [tilespmem:v20+s13+$0x0], $0xffff;
	v28 =	vmax.f32 v28, $0.0e+00;
	v22 =	vmul.f32 v41, v15  }
0x159: {  	v43 =	vld.idx.msk [tilespmem:v24+s28+$0x0], $0xffff;
	v28 =	vmul.f32 v28, v15  }
0x15a: {  	v23 =	vadd.f32 v23, v26;
	v44 =	vld.idx.msk [tilespmem:v20+s28+$0x0], $0xffff;
	v14 =	vadd.f32 v22, v14  }
0x15b: {  	s30 =	sadd.s32 $0x1, s30;
	v18 =	vadd.f32 v28, v18;
	v16 =	vadd.f32 v21, v16  }
0x15c: {  	v45 =	vmax.f32 v25, $0.0e+00;
	v46 =	vld.msk [tilespmem:s30+$0x0 ss:$0x0], $0xffff;
	v8 =	vadd.f32 v9, v8;
	v47 =	vadd.f32 v42, v12  }
0x15d: {  	v48 =	vmul.f32 v45, v15;
	v11 =	vadd.f32 v29, v11;
	v16 =	vadd.f32 v19, v16  }
0x15e: {  	v23 =	vmax.f32 v23, $0.0e+00;
	v8 =	vadd.f32 v17, v8;
	v9 =	vadd.f32 v43, v47  }
0x15f: {  	v49 =	vmul.f32 v23, v15;
	v12 =	vadd.f32 v48, v13;
	v11 =	vadd.f32 v44, v11  }
0x160: {  	v51 =	vld.msk [tilespmem:$0x183C0 ss:$0x0], $0xffff;
	v50 =	vmax.f32 v16, $0.0e+00;
	v8 =	vmax.f32 v8, $0.0e+00;
	v9 =	vmax.f32 v9, $0.0e+00  }
0x161: {  	v13 =	vmul.f32 v50, v46;
	v11 =	vmax.f32 v11, $0.0e+00;
	v8 =	vmul.f32 v8, v46  }
0x162: {  	v10 =	vadd.f32 v49, v10;
	v9 =	vmul.f32 v9, v46;
	v11 =	vmul.f32 v11, v46  }
0x163: {  	v13 =	vadd.f32 v13, v14;
	v8 =	vadd.f32 v8, v12  }
0x164: {  	v9 =	vadd.f32 v9, v18;
	v10 =	vadd.f32 v11, v10  }
0x165: {  	v52 =	vadd.f32 v51, v13;
	v8 =	vadd.f32 v51, v8  }
0x166: {  	v10 =	vadd.f32 v51, v10;
	v9 =	vadd.f32 v51, v9  }
0x167: {  	v53 =	vmul.f32 $2.000000030e-01, v52;
	vm1 =	vgt.f32 v52, $0.0e+00;
	v54 =	vmul.f32 $2.000000030e-01, v8  }
0x168: {  	v55 =	vmul.f32 $2.000000030e-01, v10;
	v56 =	vmul.f32 $2.000000030e-01, v9;
	vm2 =	vgt.f32 v10, $0.0e+00  }
0x169: {  	vm3 =	vgt.f32 v9, $0.0e+00;
	v11 =	vsel vm1, v52, v53;
	vm1 =	vgt.f32 v8, $0.0e+00  }
0x16a: {  	v8 =	vsel vm1, v8, v54;
	v10 =	vsel vm2, v10, v55;
	v9 =	vsel vm3, v9, v56  }
0x16b: {  	v57 =	vmax.f32 v11, v8;
	v58 =	vmax.f32 v10, v9  }
0x16c: {  	v12 =	vmax.f32 v57, v58  }
0x16d: {  	v11 =	vsub.f32 v11, v12  }
0x16e: {  	v8 =	vsub.f32 v8, v12  }
0x16f: {  	v11 =	vmul.f32 $1.442695020e+00, v11  }
0x170: {  	v10 =	vsub.f32 v10, v12;
	v8 =	vmul.f32 $1.442695020e+00, v8  }
0x171: {  	(erf) = vpow2.f32 v11  }
0x172: {  	v9 =	vsub.f32 v9, v12;
	(erf) = vpow2.f32 v8;
	v8 =	vmul.f32 $1.442695020e+00, v10;
	_ =	sdelay $0x1  }
0x173: {  	(erf) = vpow2.f32 v8;
	v8 =	vmul.f32 $1.442695020e+00, v9;
	_ =	sdelay $0x1  }
0x174: {  	(erf) = vpow2.f32 v8;
	_ =	sdelay $0x3  }
0x175: {  	v8 =	vpop (erf)  }
0x176: {  	v59 =	vpop (erf)  }
0x177: {  	v60 =	vadd.f32 v59, v8  }
0x178: {  	v61 =	vpop (erf)  }
0x179: {  	v10 =	vadd.f32 v60, v61  }
0x17a: {  	v62 =	vpop (erf)  }
0x17b: {  	v10 =	vadd.f32 v10, v62;
	_ =	sdelay $0x1  }
0x17c: {  	(erf) = vrcp.f32 v10;
	_ =	sdelay $0x8  }
0x17d: {  	s26 =	sadd.s32 $0x1, s26;
	v10 =	vpop (erf)  }
0x17e: {  	p0 =	sne.s32 s26, $0x8;
	v8 =	vmul.f32 v10, v8  }
.Ltmp1:
0x17f: {  	v9 =	vmul.f32 v10, v59;
	(pc) =	sbr.rel @p0 .LBB2_3-.Ltmp1, $4  }
0x180: {  	v63 =	vmul.f32 v10, v62;
	[tilespmem:s29+$0x18180] =	vst v8  }
0x181: {  	v8 =	vmul.f32 v10, v61;
	[tilespmem:s29+$0x18200] =	vst v9  }
0x182: {  	[tilespmem:s29+$0x18300] =	vst v63  }
0x183: {  	[tilespmem:s29+$0x18280] =	vst v8  }
0x184: {  	s23 =	sadd.s32 $0x1, s23  }
0x185: {  	s24 =	sshll.u32 s24, $0x6;
	p0 =	sne.s32 s23, $0x28  }
.Ltmp2:
0x186: {  	s25 =	simm.s32 $0x0;
	s24 =	sadd.s32 s10, s24;
	(pc) =	sbr.rel @p0 .LBB2_2-.Ltmp2, $4  }
0x187: {  	[hbm4b:s24+s25] =	stream.linear.scatter [tilespmem:s22], [sflag:$0x1], $0x200, $0x38;
	[tilespmem:$0x18400] =	vst v63  }
0x188: {  	_ =	swait.ge [sflag:s14], $0x200  }
0x189: {  	[sflag:s14] =	ssyncset.done $0x0  }
0x18a: {  	[sflag:s14] =	ssyncadd.s32 $0xFFFFFE00  }
0x18b: {  	s24 =	rddreg [dreg:$0x5]  }
0x18c: {  	s23 =	rddreg [dreg:$0x4];
	s24 =	sadd.s32 $0x1, s24  }
0x18d: {  	p0 =	sne.s32 s24, s23  }
.Ltmp3:
0x18e: {  	_ = 	snop;
	(pc) =	sbr.rel @p0 .LBB2_1-.Ltmp3, $1  }
0x18f: {  	_ =	sdelay $0x3  }
0x190: {  	_ =	sfence.sel $0x180000  }
0x191: {  	[bflag:$0x0] =	sbarrier.arrive $0xFFFF  }
0x192: {  	_ =	strace $0x90000047  }
0x193: {  	s0 =	stileid.u32;
	[bflag:$0x2] =	sbarrier.arrive $0xFFFF  }
0x194: {  	p0 =	sne.s32 s0, $0x0;
	s0 =	rddreg [dreg:$0x2]  }
0x195: {  	s0 =	sadd.s32 @!p0 $0x100000, s0  }
0x196: {  	[sflag:s0] =	ssyncadd.tile.s32 @!p0 $0x1;
	_ =	shalt  }
.Lfunc_end2:
_tile_overlayer_lowered:
.L_overlay_start_2:
0x197: {  	(tag) =	ssettag $0x2  }
0x198: {  	s0 =	rddreg [dreg:$0x0];
	s2 =	stileid.u32  }
0x199: {  	s1 =	rddreg [dreg:$0x1];
	p0 =	sne.s32 s2, $0x0  }
0x19a: {  	s3 =	rddreg [dreg:$0x2];
	[bflag:$0x3] =	sbarrier.arrive $0xFFFF;
	s2 =	simm.s32 @!p0 $0x1C01  }
0x19b: {  	[timem:s3], [sflag:s2] =	dma.local @!p0 [hbm:s0], s1  }
0x19c: {  	s0 =	simm.s32 @!p0 $0x1  }
0x19d: {  	_ =	swait.ge @!p0 [sflag:s0], s1  }
0x19e: {  	s1 =	ssub.s32 @!p0 $0x0, s1;
	[sflag:s0] =	ssyncset.done @!p0 $0x0  }
0x19f: {  	[sflag:s0] =	ssyncadd.s32 @!p0 s1  }
0x1a0: {  	[bflag:$0x3] =	sbarrier.arrive $0xFFFF  }
0x1a1: {  	_ =	shalt  }

</sc_bundles>
